<compile_context>
chip_gen: v7x
topology: tpu7x:2x2x1
jax: 0.10.2.dev20260603
libtpu: 0.0.44.dev20260713+nightly
codegen_flags: <defaults>
</compile_context>

<pallas_src>
import functools

import jax
import jax.numpy as jnp
from jax import lax
from jax.experimental import pallas as pl
from jax.experimental.pallas import tpu as pltpu
from jax.experimental.pallas import tpu_sc as plsc

_LPAD = 8


def _tc_prep_body(L, D, h_ref, w_ref, s_ref, e_ref,
                  csum_ref, idx_s_ref, idx_e_ref, scale_ref):
    b = pl.program_id(0)
    lp = L + _LPAD
    g = lax.dot_general(h_ref[0], w_ref[...], (((1,), (1,)), ((), ())),
                        preferred_element_type=jnp.float32)
    CK = 128
    tri = jnp.where(
        lax.broadcasted_iota(jnp.int32, (CK, CK), 0)
        > lax.broadcasted_iota(jnp.int32, (CK, CK), 1),
        jnp.float32(1.0), jnp.float32(0.0))
    carry = jnp.zeros((1, D), jnp.float32)
    for c in range(L // CK):
        chunk = g[c * CK:(c + 1) * CK]
        exc = lax.dot_general(tri, chunk, (((1,), (0,)), ((), ())),
                              preferred_element_type=jnp.float32)
        csum_ref[0, c * CK:(c + 1) * CK] = exc + carry
        carry = carry + jnp.sum(chunk, axis=0, keepdims=True)
    csum_ref[0, L:L + _LPAD] = jnp.concatenate(
        [carry, jnp.zeros((_LPAD - 1, D), jnp.float32)], axis=0)
    start = jnp.clip(s_ref[0], 0, L - 1)
    end = jnp.clip(e_ref[0], 0, L - 1)
    valid = start <= end
    cnt = (end - start + 1).astype(jnp.float32)
    scale_ref[0] = jnp.where(valid, 1.0 / cnt, jnp.float32(0.0))
    base = b * lp
    idx_s_ref[0] = start + base
    idx_e_ref[0] = end + 1 + base


def _tc_prep(h, W1, s_r, e_r):
    B, L, D = h.shape
    lp = L + _LPAD
    _, RH, RW = s_r.shape
    idx_spec = pl.BlockSpec((1, RH, RW), lambda b: (b, 0, 0))
    return pl.pallas_call(
        functools.partial(_tc_prep_body, L, D),
        grid=(B,),
        in_specs=[
            pl.BlockSpec((1, L, D), lambda b: (b, 0, 0)),
            pl.BlockSpec((D, D), lambda b: (0, 0)),
            idx_spec,
            idx_spec,
        ],
        out_specs=[
            pl.BlockSpec((1, lp, D), lambda b: (b, 0, 0)),
            idx_spec,
            idx_spec,
            idx_spec,
        ],
        out_shape=[
            jax.ShapeDtypeStruct((B, lp, D), jnp.float32),
            jax.ShapeDtypeStruct((B, RH, RW), jnp.int32),
            jax.ShapeDtypeStruct((B, RH, RW), jnp.int32),
            jax.ShapeDtypeStruct((B, RH, RW), jnp.float32),
        ],
    )(h, W1, s_r, e_r)


def _sc_pool(table, idx_s, idx_e, scale, b1, S, D):
    info = plsc.get_sparse_core_info()
    NC, NS, LN = info.num_cores, info.num_subcores, info.num_lanes
    NW = NC * NS
    SW = S // NW
    C = LN
    NCH = SW // C

    mesh = plsc.VectorSubcoreMesh(core_axis_name="c", subcore_axis_name="s")

    @functools.partial(
        pl.kernel,
        out_type=jax.ShapeDtypeStruct((2 * S, D), jnp.float32),
        mesh=mesh,
        scratch_types=[
            pltpu.VMEM((SW,), jnp.int32),
            pltpu.VMEM((SW,), jnp.int32),
            pltpu.VMEM((SW,), jnp.float32),
            pltpu.VMEM((D,), jnp.float32),
            [pltpu.VMEM((C, D), jnp.float32) for _ in range(3)],
            [pltpu.VMEM((C, D), jnp.float32) for _ in range(3)],
            [pltpu.VMEM((C, D), jnp.float32) for _ in range(3)],
            [pltpu.SemaphoreType.DMA for _ in range(3)],
            [pltpu.SemaphoreType.DMA for _ in range(3)],
            [pltpu.SemaphoreType.DMA for _ in range(3)],
        ],
    )
    def pool(table_h, isx_h, iex_h, sc_h, b1_h, out_h,
             isx_v, iex_v, sc_v, b1_v, bs, be, bo, gs, ge, so):
        wid = lax.axis_index("s") * NC + lax.axis_index("c")
        base = wid * SW
        pltpu.sync_copy(isx_h.at[pl.ds(base, SW)], isx_v)
        pltpu.sync_copy(iex_h.at[pl.ds(base, SW)], iex_v)
        pltpu.sync_copy(sc_h.at[pl.ds(base, SW)], sc_v)
        pltpu.sync_copy(b1_h, b1_v)

        def fire(cur, bank):
            off = cur * C
            pltpu.async_copy(table_h.at[isx_v[pl.ds(off, C)]], bs[bank], gs[bank])
            pltpu.async_copy(table_h.at[iex_v[pl.ds(off, C)]], be[bank], ge[bank])

        def drain_gather(bank):
            pltpu.make_async_copy(table_h.at[pl.ds(0, C)], bs[bank], gs[bank]).wait()
            pltpu.make_async_copy(table_h.at[pl.ds(0, C)], be[bank], ge[bank]).wait()

        def drain_out(bank):
            pltpu.make_async_copy(bo[bank], out_h.at[pl.ds(0, C)], so[bank]).wait()

        fire(0, 0)
        fire(1, 1)

        def step(cur, bank):
            @pl.when(cur + 2 < NCH)
            def _():
                fire(cur + 2, (bank + 2) % 3)

            drain_gather(bank)

            @pl.when(cur >= 3)
            def _():
                drain_out(bank)

            scg = sc_v[pl.ds(cur * C, C)]
            scvs = [jnp.full((LN,), scg[i], jnp.float32) for i in range(C)]

            def col(j, c2):
                sl = pl.ds(j * LN, LN)
                b1c = b1_v[sl]
                for i in range(C):
                    r = (be[bank][i, sl] - bs[bank][i, sl]) * scvs[i] + b1c
                    bo[bank][i, sl] = jnp.maximum(r, jnp.float32(0.0))
                return c2

            lax.fori_loop(0, D // LN, col, 0)
            lane = lax.iota(jnp.int32, LN)
            orow = 2 * lane - lax.rem(lane, 4) + 2 * (base + cur * C)
            pltpu.async_copy(bo[bank], out_h.at[orow], so[bank])

        def body(k, carry):
            for r in (0, 1, 2):
                cur = 3 * k + r

                @pl.when(cur < NCH)
                def _():
                    step(cur, r)
            return carry

        lax.fori_loop(0, (NCH + 2) // 3, body, 0)
        for t in (NCH - 3, NCH - 2, NCH - 1):
            drain_out(t % 3)

    return pool(table, idx_s, idx_e, scale, b1)


def kernel(h, span_idx, W1, b1):
    B, L, D = h.shape
    Wn = span_idx.shape[2]
    S = B * L * Wn
    RW = 128
    RH = (L * Wn) // RW
    si = span_idx.reshape(B, L * Wn, 2)
    s_r = si[..., 0].reshape(B, RH, RW)
    e_r = si[..., 1].reshape(B, RH, RW)
    csum, idx_s, idx_e, scale = _tc_prep(h, W1, s_r, e_r)
    table = csum.reshape(B * (L + _LPAD), D)
    out = _sc_pool(table, idx_s.reshape(S), idx_e.reshape(S),
                   scale.reshape(S), b1, S, D)
    return out.reshape(B, L, 2 * Wn, D)[:, :, :Wn, :]

# --- scband reference (transcript-rebuilt; emitter-appended) ---
"""Pipeline reference for scband-span-attention-5995774345596 (READ-ONLY COPY).

The authoritative reference and input builder live on the scoring server;
editing this copy changes nothing except your own understanding.
"""

import jax, jax.numpy as jnp
import numpy as np


def setup_inputs(seed: int = 0) -> dict:
    key = jax.random.key(seed)
    k1, k2, k3 = jax.random.split(key, 3)
    B, L, D, W = 4, 2048, 768, 4
    h = jax.random.normal(k1, (B, L, D), dtype=jnp.float32)
    span_idx = jax.random.randint(k2, (B, L, W, 2), 0, L, dtype=jnp.int32)
    # downproject Linear params (xavier_uniform weight, zero bias)
    lim = float(np.sqrt(6.0 / (D + D)))
    W1 = jax.random.uniform(k3, (D, D), minval=-lim, maxval=lim, dtype=jnp.float32)
    b1 = jnp.zeros((D,), dtype=jnp.float32)
    return {"h": h, "span_idx": span_idx, "W1": W1, "b1": b1}


def reference(h, span_idx, W1, b1):
    B, L, D = h.shape
    si = span_idx.reshape(B, -1, 2)
    start = jnp.clip(si[..., 0], 0, L - 1)
    end = jnp.clip(si[..., 1], 0, L - 1)
    # mean over span tokens via exclusive prefix sums (same math as torch.mean over h[i, start:end+1])
    csum = jnp.concatenate([jnp.zeros((B, 1, D), dtype=h.dtype), jnp.cumsum(h, axis=1)], axis=1)
    seg_sum = (jnp.take_along_axis(csum, (end + 1)[..., None], axis=1)
               - jnp.take_along_axis(csum, start[..., None], axis=1))
    count = (end - start + 1).astype(h.dtype)[..., None]
    mean = seg_sum / count
    valid = (start <= end)[..., None]
    span_rep = jnp.where(valid, mean, jnp.zeros_like(mean))
    out = jax.nn.relu(span_rep @ W1.T + b1)
    return out.reshape(B, L, -1, D)

if __name__ == "__main__":
    import jax
    _d = setup_inputs()
    print(jax.jit(kernel)(*tuple(_d.values())))

</pallas_src>

<mosaic_0001>
#map = affine_map<(d0, d1) -> (0, 0)>
#map1 = affine_map<(d0, d1) -> (0)>
module attributes {stable_mosaic.version = 14 : i64} {
  func.func @pool(%arg0: i32, %arg1: i32, %arg2: memref<8224x768xf32, #tpu.memory_space<hbm>>, %arg3: memref<32768xi32, #tpu.memory_space<hbm>>, %arg4: memref<32768xi32, #tpu.memory_space<hbm>>, %arg5: memref<32768xf32, #tpu.memory_space<hbm>>, %arg6: memref<768xf32, #tpu.memory_space<hbm>>, %arg7: memref<65536x768xf32, #tpu.memory_space<hbm>>, %arg8: memref<1024xi32, #tpu.memory_space<vmem>>, %arg9: memref<1024xi32, #tpu.memory_space<vmem>>, %arg10: memref<1024xf32, #tpu.memory_space<vmem>>, %arg11: memref<768xf32, #tpu.memory_space<vmem>>, %arg12: memref<16x768xf32, #tpu.memory_space<vmem>>, %arg13: memref<16x768xf32, #tpu.memory_space<vmem>>, %arg14: memref<16x768xf32, #tpu.memory_space<vmem>>, %arg15: memref<16x768xf32, #tpu.memory_space<vmem>>, %arg16: memref<16x768xf32, #tpu.memory_space<vmem>>, %arg17: memref<16x768xf32, #tpu.memory_space<vmem>>, %arg18: memref<16x768xf32, #tpu.memory_space<vmem>>, %arg19: memref<16x768xf32, #tpu.memory_space<vmem>>, %arg20: memref<16x768xf32, #tpu.memory_space<vmem>>, %arg21: memref<!tpu.dma_semaphore, #tpu.memory_space<semaphore_mem>>, %arg22: memref<!tpu.dma_semaphore, #tpu.memory_space<semaphore_mem>>, %arg23: memref<!tpu.dma_semaphore, #tpu.memory_space<semaphore_mem>>, %arg24: memref<!tpu.dma_semaphore, #tpu.memory_space<semaphore_mem>>, %arg25: memref<!tpu.dma_semaphore, #tpu.memory_space<semaphore_mem>>, %arg26: memref<!tpu.dma_semaphore, #tpu.memory_space<semaphore_mem>>, %arg27: memref<!tpu.dma_semaphore, #tpu.memory_space<semaphore_mem>>, %arg28: memref<!tpu.dma_semaphore, #tpu.memory_space<semaphore_mem>>, %arg29: memref<!tpu.dma_semaphore, #tpu.memory_space<semaphore_mem>>) attributes {dimension_semantics = [#tpu.dimension_semantics<core_parallel>, #tpu.dimension_semantics<subcore_parallel>], iteration_bounds = array<i64: 2, 16>, scalar_prefetch = 0 : i64, scratch_operands = 22 : i64, tpu.core_type = #tpu.core_type<sc_vector_subcore>, window_params = [{transform_indices = #map}, {transform_indices = #map1}, {transform_indices = #map1}, {transform_indices = #map1}, {transform_indices = #map1}, {transform_indices = #map}]} {
    %mul3A = arith.constant 2 : i32
    %mul3A_0 = arith.muli %arg1, %mul3A : i32
    %add3A = arith.addi %mul3A_0, %arg0 : i32
    %mul3A_1 = arith.constant 1024 : i32
    %mul3A_2 = arith.muli %add3A, %mul3A_1 : i32
    "tpu.region"() ({
      %run_scoped3A = tpu.sem_alloc : memref<!tpu.dma_semaphore, #tpu.memory_space<semaphore_mem>>
      %dma_start3A_47 = tpu.memref_slice %arg3[%mul3A_2] : memref<32768xi32, #tpu.memory_space<hbm>> -> memref<1024xi32, #tpu.memory_space<hbm>>
      %dma_start3A_48 = tpu.memref_slice %arg3[%mul3A_2] : memref<32768xi32, #tpu.memory_space<hbm>> -> memref<1024xi32, #tpu.memory_space<hbm>>
      tpu.enqueue_dma source(%dma_start3A_48 : memref<1024xi32, #tpu.memory_space<hbm>>) target(%arg8 : memref<1024xi32, #tpu.memory_space<vmem>>) target_semaphore(%run_scoped3A : memref<!tpu.dma_semaphore, #tpu.memory_space<semaphore_mem>>)
      %dma_wait3A_49 = tpu.memref_slice %arg3[%mul3A_2] : memref<32768xi32, #tpu.memory_space<hbm>> -> memref<1024xi32, #tpu.memory_space<hbm>>
      %dma_wait3A_50 = tpu.memref_slice %arg3[%mul3A_2] : memref<32768xi32, #tpu.memory_space<hbm>> -> memref<1024xi32, #tpu.memory_space<hbm>>
      tpu.wait_dma2 semaphore(%run_scoped3A : memref<!tpu.dma_semaphore, #tpu.memory_space<semaphore_mem>>) src(%dma_wait3A_50 : memref<1024xi32, #tpu.memory_space<hbm>>) dst(%arg8 : memref<1024xi32, #tpu.memory_space<vmem>>)
      tpu.yield
    }) : () -> ()
    "tpu.region"() ({
      %run_scoped3A = tpu.sem_alloc : memref<!tpu.dma_semaphore, #tpu.memory_space<semaphore_mem>>
      %dma_start3A_47 = tpu.memref_slice %arg4[%mul3A_2] : memref<32768xi32, #tpu.memory_space<hbm>> -> memref<1024xi32, #tpu.memory_space<hbm>>
      %dma_start3A_48 = tpu.memref_slice %arg4[%mul3A_2] : memref<32768xi32, #tpu.memory_space<hbm>> -> memref<1024xi32, #tpu.memory_space<hbm>>
      tpu.enqueue_dma source(%dma_start3A_48 : memref<1024xi32, #tpu.memory_space<hbm>>) target(%arg9 : memref<1024xi32, #tpu.memory_space<vmem>>) target_semaphore(%run_scoped3A : memref<!tpu.dma_semaphore, #tpu.memory_space<semaphore_mem>>)
      %dma_wait3A_49 = tpu.memref_slice %arg4[%mul3A_2] : memref<32768xi32, #tpu.memory_space<hbm>> -> memref<1024xi32, #tpu.memory_space<hbm>>
      %dma_wait3A_50 = tpu.memref_slice %arg4[%mul3A_2] : memref<32768xi32, #tpu.memory_space<hbm>> -> memref<1024xi32, #tpu.memory_space<hbm>>
      tpu.wait_dma2 semaphore(%run_scoped3A : memref<!tpu.dma_semaphore, #tpu.memory_space<semaphore_mem>>) src(%dma_wait3A_50 : memref<1024xi32, #tpu.memory_space<hbm>>) dst(%arg9 : memref<1024xi32, #tpu.memory_space<vmem>>)
      tpu.yield
    }) : () -> ()
    "tpu.region"() ({
      %run_scoped3A = tpu.sem_alloc : memref<!tpu.dma_semaphore, #tpu.memory_space<semaphore_mem>>
      %dma_start3A_47 = tpu.memref_slice %arg5[%mul3A_2] : memref<32768xf32, #tpu.memory_space<hbm>> -> memref<1024xf32, #tpu.memory_space<hbm>>
      %dma_start3A_48 = tpu.memref_slice %arg5[%mul3A_2] : memref<32768xf32, #tpu.memory_space<hbm>> -> memref<1024xf32, #tpu.memory_space<hbm>>
      tpu.enqueue_dma source(%dma_start3A_48 : memref<1024xf32, #tpu.memory_space<hbm>>) target(%arg10 : memref<1024xf32, #tpu.memory_space<vmem>>) target_semaphore(%run_scoped3A : memref<!tpu.dma_semaphore, #tpu.memory_space<semaphore_mem>>)
      %dma_wait3A_49 = tpu.memref_slice %arg5[%mul3A_2] : memref<32768xf32, #tpu.memory_space<hbm>> -> memref<1024xf32, #tpu.memory_space<hbm>>
      %dma_wait3A_50 = tpu.memref_slice %arg5[%mul3A_2] : memref<32768xf32, #tpu.memory_space<hbm>> -> memref<1024xf32, #tpu.memory_space<hbm>>
      tpu.wait_dma2 semaphore(%run_scoped3A : memref<!tpu.dma_semaphore, #tpu.memory_space<semaphore_mem>>) src(%dma_wait3A_50 : memref<1024xf32, #tpu.memory_space<hbm>>) dst(%arg10 : memref<1024xf32, #tpu.memory_space<vmem>>)
      tpu.yield
    }) : () -> ()
    "tpu.region"() ({
      %run_scoped3A = tpu.sem_alloc : memref<!tpu.dma_semaphore, #tpu.memory_space<semaphore_mem>>
      tpu.enqueue_dma source(%arg6 : memref<768xf32, #tpu.memory_space<hbm>>) target(%arg11 : memref<768xf32, #tpu.memory_space<vmem>>) target_semaphore(%run_scoped3A : memref<!tpu.dma_semaphore, #tpu.memory_space<semaphore_mem>>)
      tpu.wait_dma2 semaphore(%run_scoped3A : memref<!tpu.dma_semaphore, #tpu.memory_space<semaphore_mem>>) src(%arg6 : memref<768xf32, #tpu.memory_space<hbm>>) dst(%arg11 : memref<768xf32, #tpu.memory_space<vmem>>)
      tpu.yield
    }) : () -> ()
    %get3A = arith.constant 0 : index
    %get3A_3 = tpu.vector_load %arg8[%get3A] {strides = array<i32>} : memref<1024xi32, #tpu.memory_space<vmem>>, vector<16xi32>,
    %get3A_4 = vector.shape_cast %get3A_3 : vector<16xi32> to vector<16xi32>
    %dma_start3A = arith.constant 0 : i32
    %dma_start3A_5 = arith.constant 0 : i32
    %dma_start3A_6 = tpu.memref_slice %arg2[%dma_start3A, %dma_start3A_5] : memref<8224x768xf32, #tpu.memory_space<hbm>> -> memref<8224x768xf32, #tpu.memory_space<hbm>>
    tpu.enqueue_indirect_dma source(%dma_start3A_6 : memref<8224x768xf32, #tpu.memory_space<hbm>>) target(%arg12 : memref<16x768xf32, #tpu.memory_space<vmem>>) offsets(%get3A_4 : vector<16xi32>) semaphore(%arg21 : memref<!tpu.dma_semaphore, #tpu.memory_space<semaphore_mem>>)
    %get3A_7 = arith.constant 0 : index
    %get3A_8 = tpu.vector_load %arg9[%get3A_7] {strides = array<i32>} : memref<1024xi32, #tpu.memory_space<vmem>>, vector<16xi32>,
    %get3A_9 = vector.shape_cast %get3A_8 : vector<16xi32> to vector<16xi32>
    %dma_start3A_10 = arith.constant 0 : i32
    %dma_start3A_11 = arith.constant 0 : i32
    %dma_start3A_12 = tpu.memref_slice %arg2[%dma_start3A_10, %dma_start3A_11] : memref<8224x768xf32, #tpu.memory_space<hbm>> -> memref<8224x768xf32, #tpu.memory_space<hbm>>
    tpu.enqueue_indirect_dma source(%dma_start3A_12 : memref<8224x768xf32, #tpu.memory_space<hbm>>) target(%arg15 : memref<16x768xf32, #tpu.memory_space<vmem>>) offsets(%get3A_9 : vector<16xi32>) semaphore(%arg24 : memref<!tpu.dma_semaphore, #tpu.memory_space<semaphore_mem>>)
    %get3A_13 = arith.constant 16 : index
    %get3A_14 = tpu.vector_load %arg8[%get3A_13] {strides = array<i32>} : memref<1024xi32, #tpu.memory_space<vmem>>, vector<16xi32>,
    %get3A_15 = vector.shape_cast %get3A_14 : vector<16xi32> to vector<16xi32>
    %dma_start3A_16 = arith.constant 0 : i32
    %dma_start3A_17 = arith.constant 0 : i32
    %dma_start3A_18 = tpu.memref_slice %arg2[%dma_start3A_16, %dma_start3A_17] : memref<8224x768xf32, #tpu.memory_space<hbm>> -> memref<8224x768xf32, #tpu.memory_space<hbm>>
    tpu.enqueue_indirect_dma source(%dma_start3A_18 : memref<8224x768xf32, #tpu.memory_space<hbm>>) target(%arg13 : memref<16x768xf32, #tpu.memory_space<vmem>>) offsets(%get3A_15 : vector<16xi32>) semaphore(%arg22 : memref<!tpu.dma_semaphore, #tpu.memory_space<semaphore_mem>>)
    %get3A_19 = arith.constant 16 : index
    %get3A_20 = tpu.vector_load %arg9[%get3A_19] {strides = array<i32>} : memref<1024xi32, #tpu.memory_space<vmem>>, vector<16xi32>,
    %get3A_21 = vector.shape_cast %get3A_20 : vector<16xi32> to vector<16xi32>
    %dma_start3A_22 = arith.constant 0 : i32
    %dma_start3A_23 = arith.constant 0 : i32
    %dma_start3A_24 = tpu.memref_slice %arg2[%dma_start3A_22, %dma_start3A_23] : memref<8224x768xf32, #tpu.memory_space<hbm>> -> memref<8224x768xf32, #tpu.memory_space<hbm>>
    tpu.enqueue_indirect_dma source(%dma_start3A_24 : memref<8224x768xf32, #tpu.memory_space<hbm>>) target(%arg16 : memref<16x768xf32, #tpu.memory_space<vmem>>) offsets(%get3A_21 : vector<16xi32>) semaphore(%arg25 : memref<!tpu.dma_semaphore, #tpu.memory_space<semaphore_mem>>)
    %scan3A = arith.constant 0 : i32
    %scan3A_25 = arith.constant 0 : i32
    %scan3A_26 = arith.constant 22 : i32
    %scan3A_27 = arith.addi %scan3A_25, %scan3A_26 : i32
    %scan3A_28 = arith.constant 1 : i32
    scf.for %scan3A_47 = %scan3A_25 to %scan3A_27 step %scan3A_28  : i32 {
      %mul3A_48 = arith.constant 3 : i32
      %mul3A_49 = arith.muli %mul3A_48, %scan3A_47 : i32
      %add3A_50 = arith.constant 0 : i32
      %add3A_51 = arith.addi %mul3A_49, %add3A_50 : i32
      %lt3A = arith.constant 64 : i32
      %lt3A_52 = arith.cmpi slt, %add3A_51, %lt3A : i32
      %convert_element_type3A = arith.extui %lt3A_52 : i1 to i32
      %cond3A = arith.constant 0 : i32
      %cond3A_53 = arith.cmpi ne, %convert_element_type3A, %cond3A : i32
      scf.if %cond3A_53 {
        %add3A_72 = arith.constant 2 : i32
        %add3A_73 = arith.addi %add3A_51, %add3A_72 : i32
        %lt3A_74 = arith.constant 64 : i32
        %lt3A_75 = arith.cmpi slt, %add3A_73, %lt3A_74 : i32
        %convert_element_type3A_76 = arith.extui %lt3A_75 : i1 to i32
        %cond3A_77 = arith.constant 0 : i32
        %cond3A_78 = arith.cmpi ne, %convert_element_type3A_76, %cond3A_77 : i32
        scf.if %cond3A_78 {
          %add3A_166 = arith.constant 2 : i32
          %add3A_167 = arith.addi %add3A_51, %add3A_166 : i32
          %mul3A_168 = arith.constant 16 : i32
          %mul3A_169 = arith.muli %add3A_167, %mul3A_168 : i32
          %get3A_170 = arith.index_cast %mul3A_169 : i32 to index
          %get3A_171 = tpu.vector_load %arg8[%get3A_170] {strides = array<i32>} : memref<1024xi32, #tpu.memory_space<vmem>>, vector<16xi32>,
          %get3A_172 = vector.shape_cast %get3A_171 : vector<16xi32> to vector<16xi32>
          %dma_start3A_173 = arith.constant 0 : i32
          %dma_start3A_174 = arith.constant 0 : i32
          %dma_start3A_175 = tpu.memref_slice %arg2[%dma_start3A_173, %dma_start3A_174] : memref<8224x768xf32, #tpu.memory_space<hbm>> -> memref<8224x768xf32, #tpu.memory_space<hbm>>
          tpu.enqueue_indirect_dma source(%dma_start3A_175 : memref<8224x768xf32, #tpu.memory_space<hbm>>) target(%arg14 : memref<16x768xf32, #tpu.memory_space<vmem>>) offsets(%get3A_172 : vector<16xi32>) semaphore(%arg23 : memref<!tpu.dma_semaphore, #tpu.memory_space<semaphore_mem>>)
          %get3A_176 = arith.index_cast %mul3A_169 : i32 to index
          %get3A_177 = tpu.vector_load %arg9[%get3A_176] {strides = array<i32>} : memref<1024xi32, #tpu.memory_space<vmem>>, vector<16xi32>,
          %get3A_178 = vector.shape_cast %get3A_177 : vector<16xi32> to vector<16xi32>
          %dma_start3A_179 = arith.constant 0 : i32
          %dma_start3A_180 = arith.constant 0 : i32
          %dma_start3A_181 = tpu.memref_slice %arg2[%dma_start3A_179, %dma_start3A_180] : memref<8224x768xf32, #tpu.memory_space<hbm>> -> memref<8224x768xf32, #tpu.memory_space<hbm>>
          tpu.enqueue_indirect_dma source(%dma_start3A_181 : memref<8224x768xf32, #tpu.memory_space<hbm>>) target(%arg17 : memref<16x768xf32, #tpu.memory_space<vmem>>) offsets(%get3A_178 : vector<16xi32>) semaphore(%arg26 : memref<!tpu.dma_semaphore, #tpu.memory_space<semaphore_mem>>)
        } else {
        }
        %dma_wait3A_79 = arith.constant 0 : i32
        %dma_wait3A_80 = arith.constant 0 : i32
        %dma_wait3A_81 = tpu.memref_slice %arg2[%dma_wait3A_79, %dma_wait3A_80] : memref<8224x768xf32, #tpu.memory_space<hbm>> -> memref<16x768xf32, #tpu.memory_space<hbm>>
        %dma_wait3A_82 = arith.constant 0 : i32
        %dma_wait3A_83 = arith.constant 0 : i32
        %dma_wait3A_84 = tpu.memref_slice %arg2[%dma_wait3A_82, %dma_wait3A_83] : memref<8224x768xf32, #tpu.memory_space<hbm>> -> memref<16x768xf32, #tpu.memory_space<hbm>>
        tpu.wait_dma2 semaphore(%arg21 : memref<!tpu.dma_semaphore, #tpu.memory_space<semaphore_mem>>) src(%dma_wait3A_84 : memref<16x768xf32, #tpu.memory_space<hbm>>) dst(%arg12 : memref<16x768xf32, #tpu.memory_space<vmem>>)
        %dma_wait3A_85 = arith.constant 0 : i32
        %dma_wait3A_86 = arith.constant 0 : i32
        %dma_wait3A_87 = tpu.memref_slice %arg2[%dma_wait3A_85, %dma_wait3A_86] : memref<8224x768xf32, #tpu.memory_space<hbm>> -> memref<16x768xf32, #tpu.memory_space<hbm>>
        %dma_wait3A_88 = arith.constant 0 : i32
        %dma_wait3A_89 = arith.constant 0 : i32
        %dma_wait3A_90 = tpu.memref_slice %arg2[%dma_wait3A_88, %dma_wait3A_89] : memref<8224x768xf32, #tpu.memory_space<hbm>> -> memref<16x768xf32, #tpu.memory_space<hbm>>
        tpu.wait_dma2 semaphore(%arg24 : memref<!tpu.dma_semaphore, #tpu.memory_space<semaphore_mem>>) src(%dma_wait3A_90 : memref<16x768xf32, #tpu.memory_space<hbm>>) dst(%arg15 : memref<16x768xf32, #tpu.memory_space<vmem>>)
        %ge3A = arith.constant 3 : i32
        %ge3A_91 = arith.cmpi sge, %add3A_51, %ge3A : i32
        %convert_element_type3A_92 = arith.extui %ge3A_91 : i1 to i32
        %cond3A_93 = arith.constant 0 : i32
        %cond3A_94 = arith.cmpi ne, %convert_element_type3A_92, %cond3A_93 : i32
        scf.if %cond3A_94 {
          %dma_wait3A_166 = arith.constant 0 : i32
          %dma_wait3A_167 = arith.constant 0 : i32
          %dma_wait3A_168 = tpu.memref_slice %arg7[%dma_wait3A_166, %dma_wait3A_167] : memref<65536x768xf32, #tpu.memory_space<hbm>> -> memref<16x768xf32, #tpu.memory_space<hbm>>
          %dma_wait3A_169 = arith.constant 0 : i32
          %dma_wait3A_170 = arith.constant 0 : i32
          %dma_wait3A_171 = tpu.memref_slice %arg7[%dma_wait3A_169, %dma_wait3A_170] : memref<65536x768xf32, #tpu.memory_space<hbm>> -> memref<16x768xf32, #tpu.memory_space<hbm>>
          tpu.wait_dma2 semaphore(%arg27 : memref<!tpu.dma_semaphore, #tpu.memory_space<semaphore_mem>>) src(%arg18 : memref<16x768xf32, #tpu.memory_space<vmem>>) dst(%dma_wait3A_171 : memref<16x768xf32, #tpu.memory_space<hbm>>)
        } else {
        }
        %mul3A_95 = arith.constant 16 : i32
        %mul3A_96 = arith.muli %add3A_51, %mul3A_95 : i32
        %get3A_97 = arith.index_cast %mul3A_96 : i32 to index
        %get3A_98 = tpu.vector_load %arg10[%get3A_97] {strides = array<i32>} : memref<1024xf32, #tpu.memory_space<vmem>>, vector<16xf32>,
        %get3A_99 = vector.shape_cast %get3A_98 : vector<16xf32> to vector<16xf32>
        %slice3A = vector.extract_strided_slice %get3A_99 {offsets = [0], sizes = [1], strides = [1]} : vector<16xf32> to vector<1xf32>
        %squeeze3A = vector.extract %slice3A[0] : f32 from vector<1xf32>
        %broadcast_in_dim3A = vector.broadcast %squeeze3A : f32 to vector<16xf32>
        %slice3A_100 = vector.extract_strided_slice %get3A_99 {offsets = [1], sizes = [1], strides = [1]} : vector<16xf32> to vector<1xf32>
        %squeeze3A_101 = vector.extract %slice3A_100[0] : f32 from vector<1xf32>
        %broadcast_in_dim3A_102 = vector.broadcast %squeeze3A_101 : f32 to vector<16xf32>
        %slice3A_103 = vector.extract_strided_slice %get3A_99 {offsets = [2], sizes = [1], strides = [1]} : vector<16xf32> to vector<1xf32>
        %squeeze3A_104 = vector.extract %slice3A_103[0] : f32 from vector<1xf32>
        %broadcast_in_dim3A_105 = vector.broadcast %squeeze3A_104 : f32 to vector<16xf32>
        %slice3A_106 = vector.extract_strided_slice %get3A_99 {offsets = [3], sizes = [1], strides = [1]} : vector<16xf32> to vector<1xf32>
        %squeeze3A_107 = vector.extract %slice3A_106[0] : f32 from vector<1xf32>
        %broadcast_in_dim3A_108 = vector.broadcast %squeeze3A_107 : f32 to vector<16xf32>
        %slice3A_109 = vector.extract_strided_slice %get3A_99 {offsets = [4], sizes = [1], strides = [1]} : vector<16xf32> to vector<1xf32>
        %squeeze3A_110 = vector.extract %slice3A_109[0] : f32 from vector<1xf32>
        %broadcast_in_dim3A_111 = vector.broadcast %squeeze3A_110 : f32 to vector<16xf32>
        %slice3A_112 = vector.extract_strided_slice %get3A_99 {offsets = [5], sizes = [1], strides = [1]} : vector<16xf32> to vector<1xf32>
        %squeeze3A_113 = vector.extract %slice3A_112[0] : f32 from vector<1xf32>
        %broadcast_in_dim3A_114 = vector.broadcast %squeeze3A_113 : f32 to vector<16xf32>
        %slice3A_115 = vector.extract_strided_slice %get3A_99 {offsets = [6], sizes = [1], strides = [1]} : vector<16xf32> to vector<1xf32>
        %squeeze3A_116 = vector.extract %slice3A_115[0] : f32 from vector<1xf32>
        %broadcast_in_dim3A_117 = vector.broadcast %squeeze3A_116 : f32 to vector<16xf32>
        %slice3A_118 = vector.extract_strided_slice %get3A_99 {offsets = [7], sizes = [1], strides = [1]} : vector<16xf32> to vector<1xf32>
        %squeeze3A_119 = vector.extract %slice3A_118[0] : f32 from vector<1xf32>
        %broadcast_in_dim3A_120 = vector.broadcast %squeeze3A_119 : f32 to vector<16xf32>
        %slice3A_121 = vector.extract_strided_slice %get3A_99 {offsets = [8], sizes = [1], strides = [1]} : vector<16xf32> to vector<1xf32>
        %squeeze3A_122 = vector.extract %slice3A_121[0] : f32 from vector<1xf32>
        %broadcast_in_dim3A_123 = vector.broadcast %squeeze3A_122 : f32 to vector<16xf32>
        %slice3A_124 = vector.extract_strided_slice %get3A_99 {offsets = [9], sizes = [1], strides = [1]} : vector<16xf32> to vector<1xf32>
        %squeeze3A_125 = vector.extract %slice3A_124[0] : f32 from vector<1xf32>
        %broadcast_in_dim3A_126 = vector.broadcast %squeeze3A_125 : f32 to vector<16xf32>
        %slice3A_127 = vector.extract_strided_slice %get3A_99 {offsets = [10], sizes = [1], strides = [1]} : vector<16xf32> to vector<1xf32>
        %squeeze3A_128 = vector.extract %slice3A_127[0] : f32 from vector<1xf32>
        %broadcast_in_dim3A_129 = vector.broadcast %squeeze3A_128 : f32 to vector<16xf32>
        %slice3A_130 = vector.extract_strided_slice %get3A_99 {offsets = [11], sizes = [1], strides = [1]} : vector<16xf32> to vector<1xf32>
        %squeeze3A_131 = vector.extract %slice3A_130[0] : f32 from vector<1xf32>
        %broadcast_in_dim3A_132 = vector.broadcast %squeeze3A_131 : f32 to vector<16xf32>
        %slice3A_133 = vector.extract_strided_slice %get3A_99 {offsets = [12], sizes = [1], strides = [1]} : vector<16xf32> to vector<1xf32>
        %squeeze3A_134 = vector.extract %slice3A_133[0] : f32 from vector<1xf32>
        %broadcast_in_dim3A_135 = vector.broadcast %squeeze3A_134 : f32 to vector<16xf32>
        %slice3A_136 = vector.extract_strided_slice %get3A_99 {offsets = [13], sizes = [1], strides = [1]} : vector<16xf32> to vector<1xf32>
        %squeeze3A_137 = vector.extract %slice3A_136[0] : f32 from vector<1xf32>
        %broadcast_in_dim3A_138 = vector.broadcast %squeeze3A_137 : f32 to vector<16xf32>
        %slice3A_139 = vector.extract_strided_slice %get3A_99 {offsets = [14], sizes = [1], strides = [1]} : vector<16xf32> to vector<1xf32>
        %squeeze3A_140 = vector.extract %slice3A_139[0] : f32 from vector<1xf32>
        %broadcast_in_dim3A_141 = vector.broadcast %squeeze3A_140 : f32 to vector<16xf32>
        %slice3A_142 = vector.extract_strided_slice %get3A_99 {offsets = [15], sizes = [1], strides = [1]} : vector<16xf32> to vector<1xf32>
        %squeeze3A_143 = vector.extract %slice3A_142[0] : f32 from vector<1xf32>
        %broadcast_in_dim3A_144 = vector.broadcast %squeeze3A_143 : f32 to vector<16xf32>
        %scan3A_145 = arith.constant 0 : i32
        %scan3A_146 = arith.constant 0 : i32
        %scan3A_147 = arith.constant 48 : i32
        %scan3A_148 = arith.addi %scan3A_146, %scan3A_147 : i32
        %scan3A_149 = arith.constant 1 : i32
        scf.for %scan3A_166 = %scan3A_146 to %scan3A_148 step %scan3A_149  : i32 {
          %mul3A_167 = arith.constant 16 : i32
          %mul3A_168 = arith.muli %scan3A_166, %mul3A_167 : i32
          %get3A_169 = arith.index_cast %mul3A_168 : i32 to index
          %get3A_170 = tpu.vector_load %arg11[%get3A_169] {strides = array<i32>} : memref<768xf32, #tpu.memory_space<vmem>>, vector<16xf32>,
          %get3A_171 = vector.shape_cast %get3A_170 : vector<16xf32> to vector<16xf32>
          %get3A_172 = arith.constant 0 : i32
          %get3A_173 = arith.index_cast %get3A_172 : i32 to index
          %get3A_174 = arith.index_cast %mul3A_168 : i32 to index
          %get3A_175 = tpu.vector_load %arg15[%get3A_173, %get3A_174] {strides = array<i32>} : memref<16x768xf32, #tpu.memory_space<vmem>>, vector<1x16xf32>,
          %get3A_176 = vector.shape_cast %get3A_175 : vector<1x16xf32> to vector<16xf32>
          %get3A_177 = arith.constant 0 : i32
          %get3A_178 = arith.index_cast %get3A_177 : i32 to index
          %get3A_179 = arith.index_cast %mul3A_168 : i32 to index
          %get3A_180 = tpu.vector_load %arg12[%get3A_178, %get3A_179] {strides = array<i32>} : memref<16x768xf32, #tpu.memory_space<vmem>>, vector<1x16xf32>,
          %get3A_181 = vector.shape_cast %get3A_180 : vector<1x16xf32> to vector<16xf32>
          %sub3A_182 = arith.subf %get3A_176, %get3A_181 : vector<16xf32>
          %mul3A_183 = arith.mulf %sub3A_182, %broadcast_in_dim3A : vector<16xf32>
          %add3A_184 = arith.addf %mul3A_183, %get3A_171 : vector<16xf32>
          %max3A = arith.constant 0.000000e+00 : f32
          %max3A_185 = vector.broadcast %max3A : f32 to vector<16xf32>
          %max3A_186 = arith.maximumf %add3A_184, %max3A_185 : vector<16xf32>
          %swap3A = arith.constant 0 : i32
          %swap3A_187 = arith.index_cast %swap3A : i32 to index
          %swap3A_188 = arith.index_cast %mul3A_168 : i32 to index
          %swap3A_189 = tpu.vector_load %arg18[%swap3A_187, %swap3A_188] {strides = array<i32>} : memref<16x768xf32, #tpu.memory_space<vmem>>, vector<1x16xf32>,
          %swap3A_190 = vector.shape_cast %swap3A_189 : vector<1x16xf32> to vector<16xf32>
          %swap3A_191 = vector.shape_cast %max3A_186 : vector<16xf32> to vector<1x16xf32>
          tpu.vector_store %arg18[%swap3A_187, %swap3A_188], %swap3A_191 {strides = array<i32>} : memref<16x768xf32, #tpu.memory_space<vmem>>, vector<1x16xf32>,
          %get3A_192 = arith.constant 1 : i32
          %get3A_193 = arith.index_cast %get3A_192 : i32 to index
          %get3A_194 = arith.index_cast %mul3A_168 : i32 to index
          %get3A_195 = tpu.vector_load %arg15[%get3A_193, %get3A_194] {strides = array<i32>} : memref<16x768xf32, #tpu.memory_space<vmem>>, vector<1x16xf32>,
          %get3A_196 = vector.shape_cast %get3A_195 : vector<1x16xf32> to vector<16xf32>
          %get3A_197 = arith.constant 1 : i32
          %get3A_198 = arith.index_cast %get3A_197 : i32 to index
          %get3A_199 = arith.index_cast %mul3A_168 : i32 to index
          %get3A_200 = tpu.vector_load %arg12[%get3A_198, %get3A_199] {strides = array<i32>} : memref<16x768xf32, #tpu.memory_space<vmem>>, vector<1x16xf32>,
          %get3A_201 = vector.shape_cast %get3A_200 : vector<1x16xf32> to vector<16xf32>
          %sub3A_202 = arith.subf %get3A_196, %get3A_201 : vector<16xf32>
          %mul3A_203 = arith.mulf %sub3A_202, %broadcast_in_dim3A_102 : vector<16xf32>
          %add3A_204 = arith.addf %mul3A_203, %get3A_171 : vector<16xf32>
          %max3A_205 = arith.constant 0.000000e+00 : f32
          %max3A_206 = vector.broadcast %max3A_205 : f32 to vector<16xf32>
          %max3A_207 = arith.maximumf %add3A_204, %max3A_206 : vector<16xf32>
          %swap3A_208 = arith.constant 1 : i32
          %swap3A_209 = arith.index_cast %swap3A_208 : i32 to index
          %swap3A_210 = arith.index_cast %mul3A_168 : i32 to index
          %swap3A_211 = tpu.vector_load %arg18[%swap3A_209, %swap3A_210] {strides = array<i32>} : memref<16x768xf32, #tpu.memory_space<vmem>>, vector<1x16xf32>,
          %swap3A_212 = vector.shape_cast %swap3A_211 : vector<1x16xf32> to vector<16xf32>
          %swap3A_213 = vector.shape_cast %max3A_207 : vector<16xf32> to vector<1x16xf32>
          tpu.vector_store %arg18[%swap3A_209, %swap3A_210], %swap3A_213 {strides = array<i32>} : memref<16x768xf32, #tpu.memory_space<vmem>>, vector<1x16xf32>,
          %get3A_214 = arith.constant 2 : i32
          %get3A_215 = arith.index_cast %get3A_214 : i32 to index
          %get3A_216 = arith.index_cast %mul3A_168 : i32 to index
          %get3A_217 = tpu.vector_load %arg15[%get3A_215, %get3A_216] {strides = array<i32>} : memref<16x768xf32, #tpu.memory_space<vmem>>, vector<1x16xf32>,
          %get3A_218 = vector.shape_cast %get3A_217 : vector<1x16xf32> to vector<16xf32>
          %get3A_219 = arith.constant 2 : i32
          %get3A_220 = arith.index_cast %get3A_219 : i32 to index
          %get3A_221 = arith.index_cast %mul3A_168 : i32 to index
          %get3A_222 = tpu.vector_load %arg12[%get3A_220, %get3A_221] {strides = array<i32>} : memref<16x768xf32, #tpu.memory_space<vmem>>, vector<1x16xf32>,
          %get3A_223 = vector.shape_cast %get3A_222 : vector<1x16xf32> to vector<16xf32>
          %sub3A_224 = arith.subf %get3A_218, %get3A_223 : vector<16xf32>
          %mul3A_225 = arith.mulf %sub3A_224, %broadcast_in_dim3A_105 : vector<16xf32>
          %add3A_226 = arith.addf %mul3A_225, %get3A_171 : vector<16xf32>
          %max3A_227 = arith.constant 0.000000e+00 : f32
          %max3A_228 = vector.broadcast %max3A_227 : f32 to vector<16xf32>
          %max3A_229 = arith.maximumf %add3A_226, %max3A_228 : vector<16xf32>
          %swap3A_230 = arith.constant 2 : i32
          %swap3A_231 = arith.index_cast %swap3A_230 : i32 to index
          %swap3A_232 = arith.index_cast %mul3A_168 : i32 to index
          %swap3A_233 = tpu.vector_load %arg18[%swap3A_231, %swap3A_232] {strides = array<i32>} : memref<16x768xf32, #tpu.memory_space<vmem>>, vector<1x16xf32>,
          %swap3A_234 = vector.shape_cast %swap3A_233 : vector<1x16xf32> to vector<16xf32>
          %swap3A_235 = vector.shape_cast %max3A_229 : vector<16xf32> to vector<1x16xf32>
          tpu.vector_store %arg18[%swap3A_231, %swap3A_232], %swap3A_235 {strides = array<i32>} : memref<16x768xf32, #tpu.memory_space<vmem>>, vector<1x16xf32>,
          %get3A_236 = arith.constant 3 : i32
          %get3A_237 = arith.index_cast %get3A_236 : i32 to index
          %get3A_238 = arith.index_cast %mul3A_168 : i32 to index
          %get3A_239 = tpu.vector_load %arg15[%get3A_237, %get3A_238] {strides = array<i32>} : memref<16x768xf32, #tpu.memory_space<vmem>>, vector<1x16xf32>,
          %get3A_240 = vector.shape_cast %get3A_239 : vector<1x16xf32> to vector<16xf32>
          %get3A_241 = arith.constant 3 : i32
          %get3A_242 = arith.index_cast %get3A_241 : i32 to index
          %get3A_243 = arith.index_cast %mul3A_168 : i32 to index
          %get3A_244 = tpu.vector_load %arg12[%get3A_242, %get3A_243] {strides = array<i32>} : memref<16x768xf32, #tpu.memory_space<vmem>>, vector<1x16xf32>,
          %get3A_245 = vector.shape_cast %get3A_244 : vector<1x16xf32> to vector<16xf32>
          %sub3A_246 = arith.subf %get3A_240, %get3A_245 : vector<16xf32>
          %mul3A_247 = arith.mulf %sub3A_246, %broadcast_in_dim3A_108 : vector<16xf32>
          %add3A_248 = arith.addf %mul3A_247, %get3A_171 : vector<16xf32>
          %max3A_249 = arith.constant 0.000000e+00 : f32
          %max3A_250 = vector.broadcast %max3A_249 : f32 to vector<16xf32>
          %max3A_251 = arith.maximumf %add3A_248, %max3A_250 : vector<16xf32>
          %swap3A_252 = arith.constant 3 : i32
          %swap3A_253 = arith.index_cast %swap3A_252 : i32 to index
          %swap3A_254 = arith.index_cast %mul3A_168 : i32 to index
          %swap3A_255 = tpu.vector_load %arg18[%swap3A_253, %swap3A_254] {strides = array<i32>} : memref<16x768xf32, #tpu.memory_space<vmem>>, vector<1x16xf32>,
          %swap3A_256 = vector.shape_cast %swap3A_255 : vector<1x16xf32> to vector<16xf32>
          %swap3A_257 = vector.shape_cast %max3A_251 : vector<16xf32> to vector<1x16xf32>
          tpu.vector_store %arg18[%swap3A_253, %swap3A_254], %swap3A_257 {strides = array<i32>} : memref<16x768xf32, #tpu.memory_space<vmem>>, vector<1x16xf32>,
          %get3A_258 = arith.constant 4 : i32
          %get3A_259 = arith.index_cast %get3A_258 : i32 to index
          %get3A_260 = arith.index_cast %mul3A_168 : i32 to index
          %get3A_261 = tpu.vector_load %arg15[%get3A_259, %get3A_260] {strides = array<i32>} : memref<16x768xf32, #tpu.memory_space<vmem>>, vector<1x16xf32>,
          %get3A_262 = vector.shape_cast %get3A_261 : vector<1x16xf32> to vector<16xf32>
          %get3A_263 = arith.constant 4 : i32
          %get3A_264 = arith.index_cast %get3A_263 : i32 to index
          %get3A_265 = arith.index_cast %mul3A_168 : i32 to index
          %get3A_266 = tpu.vector_load %arg12[%get3A_264, %get3A_265] {strides = array<i32>} : memref<16x768xf32, #tpu.memory_space<vmem>>, vector<1x16xf32>,
          %get3A_267 = vector.shape_cast %get3A_266 : vector<1x16xf32> to vector<16xf32>
          %sub3A_268 = arith.subf %get3A_262, %get3A_267 : vector<16xf32>
          %mul3A_269 = arith.mulf %sub3A_268, %broadcast_in_dim3A_111 : vector<16xf32>
          %add3A_270 = arith.addf %mul3A_269, %get3A_171 : vector<16xf32>
          %max3A_271 = arith.constant 0.000000e+00 : f32
          %max3A_272 = vector.broadcast %max3A_271 : f32 to vector<16xf32>
          %max3A_273 = arith.maximumf %add3A_270, %max3A_272 : vector<16xf32>
          %swap3A_274 = arith.constant 4 : i32
          %swap3A_275 = arith.index_cast %swap3A_274 : i32 to index
          %swap3A_276 = arith.index_cast %mul3A_168 : i32 to index
          %swap3A_277 = tpu.vector_load %arg18[%swap3A_275, %swap3A_276] {strides = array<i32>} : memref<16x768xf32, #tpu.memory_space<vmem>>, vector<1x16xf32>,
          %swap3A_278 = vector.shape_cast %swap3A_277 : vector<1x16xf32> to vector<16xf32>
          %swap3A_279 = vector.shape_cast %max3A_273 : vector<16xf32> to vector<1x16xf32>
          tpu.vector_store %arg18[%swap3A_275, %swap3A_276], %swap3A_279 {strides = array<i32>} : memref<16x768xf32, #tpu.memory_space<vmem>>, vector<1x16xf32>,
          %get3A_280 = arith.constant 5 : i32
          %get3A_281 = arith.index_cast %get3A_280 : i32 to index
          %get3A_282 = arith.index_cast %mul3A_168 : i32 to index
          %get3A_283 = tpu.vector_load %arg15[%get3A_281, %get3A_282] {strides = array<i32>} : memref<16x768xf32, #tpu.memory_space<vmem>>, vector<1x16xf32>,
          %get3A_284 = vector.shape_cast %get3A_283 : vector<1x16xf32> to vector<16xf32>
          %get3A_285 = arith.constant 5 : i32
          %get3A_286 = arith.index_cast %get3A_285 : i32 to index
          %get3A_287 = arith.index_cast %mul3A_168 : i32 to index
          %get3A_288 = tpu.vector_load %arg12[%get3A_286, %get3A_287] {strides = array<i32>} : memref<16x768xf32, #tpu.memory_space<vmem>>, vector<1x16xf32>,
          %get3A_289 = vector.shape_cast %get3A_288 : vector<1x16xf32> to vector<16xf32>
          %sub3A_290 = arith.subf %get3A_284, %get3A_289 : vector<16xf32>
          %mul3A_291 = arith.mulf %sub3A_290, %broadcast_in_dim3A_114 : vector<16xf32>
          %add3A_292 = arith.addf %mul3A_291, %get3A_171 : vector<16xf32>
          %max3A_293 = arith.constant 0.000000e+00 : f32
          %max3A_294 = vector.broadcast %max3A_293 : f32 to vector<16xf32>
          %max3A_295 = arith.maximumf %add3A_292, %max3A_294 : vector<16xf32>
          %swap3A_296 = arith.constant 5 : i32
          %swap3A_297 = arith.index_cast %swap3A_296 : i32 to index
          %swap3A_298 = arith.index_cast %mul3A_168 : i32 to index
          %swap3A_299 = tpu.vector_load %arg18[%swap3A_297, %swap3A_298] {strides = array<i32>} : memref<16x768xf32, #tpu.memory_space<vmem>>, vector<1x16xf32>,
          %swap3A_300 = vector.shape_cast %swap3A_299 : vector<1x16xf32> to vector<16xf32>
          %swap3A_301 = vector.shape_cast %max3A_295 : vector<16xf32> to vector<1x16xf32>
          tpu.vector_store %arg18[%swap3A_297, %swap3A_298], %swap3A_301 {strides = array<i32>} : memref<16x768xf32, #tpu.memory_space<vmem>>, vector<1x16xf32>,
          %get3A_302 = arith.constant 6 : i32
          %get3A_303 = arith.index_cast %get3A_302 : i32 to index
          %get3A_304 = arith.index_cast %mul3A_168 : i32 to index
          %get3A_305 = tpu.vector_load %arg15[%get3A_303, %get3A_304] {strides = array<i32>} : memref<16x768xf32, #tpu.memory_space<vmem>>, vector<1x16xf32>,
          %get3A_306 = vector.shape_cast %get3A_305 : vector<1x16xf32> to vector<16xf32>
          %get3A_307 = arith.constant 6 : i32
          %get3A_308 = arith.index_cast %get3A_307 : i32 to index
          %get3A_309 = arith.index_cast %mul3A_168 : i32 to index
          %get3A_310 = tpu.vector_load %arg12[%get3A_308, %get3A_309] {strides = array<i32>} : memref<16x768xf32, #tpu.memory_space<vmem>>, vector<1x16xf32>,
          %get3A_311 = vector.shape_cast %get3A_310 : vector<1x16xf32> to vector<16xf32>
          %sub3A_312 = arith.subf %get3A_306, %get3A_311 : vector<16xf32>
          %mul3A_313 = arith.mulf %sub3A_312, %broadcast_in_dim3A_117 : vector<16xf32>
          %add3A_314 = arith.addf %mul3A_313, %get3A_171 : vector<16xf32>
          %max3A_315 = arith.constant 0.000000e+00 : f32
          %max3A_316 = vector.broadcast %max3A_315 : f32 to vector<16xf32>
          %max3A_317 = arith.maximumf %add3A_314, %max3A_316 : vector<16xf32>
          %swap3A_318 = arith.constant 6 : i32
          %swap3A_319 = arith.index_cast %swap3A_318 : i32 to index
          %swap3A_320 = arith.index_cast %mul3A_168 : i32 to index
          %swap3A_321 = tpu.vector_load %arg18[%swap3A_319, %swap3A_320] {strides = array<i32>} : memref<16x768xf32, #tpu.memory_space<vmem>>, vector<1x16xf32>,
          %swap3A_322 = vector.shape_cast %swap3A_321 : vector<1x16xf32> to vector<16xf32>
          %swap3A_323 = vector.shape_cast %max3A_317 : vector<16xf32> to vector<1x16xf32>
          tpu.vector_store %arg18[%swap3A_319, %swap3A_320], %swap3A_323 {strides = array<i32>} : memref<16x768xf32, #tpu.memory_space<vmem>>, vector<1x16xf32>,
          %get3A_324 = arith.constant 7 : i32
          %get3A_325 = arith.index_cast %get3A_324 : i32 to index
          %get3A_326 = arith.index_cast %mul3A_168 : i32 to index
          %get3A_327 = tpu.vector_load %arg15[%get3A_325, %get3A_326] {strides = array<i32>} : memref<16x768xf32, #tpu.memory_space<vmem>>, vector<1x16xf32>,
          %get3A_328 = vector.shape_cast %get3A_327 : vector<1x16xf32> to vector<16xf32>
          %get3A_329 = arith.constant 7 : i32
          %get3A_330 = arith.index_cast %get3A_329 : i32 to index
          %get3A_331 = arith.index_cast %mul3A_168 : i32 to index
          %get3A_332 = tpu.vector_load %arg12[%get3A_330, %get3A_331] {strides = array<i32>} : memref<16x768xf32, #tpu.memory_space<vmem>>, vector<1x16xf32>,
          %get3A_333 = vector.shape_cast %get3A_332 : vector<1x16xf32> to vector<16xf32>
          %sub3A_334 = arith.subf %get3A_328, %get3A_333 : vector<16xf32>
          %mul3A_335 = arith.mulf %sub3A_334, %broadcast_in_dim3A_120 : vector<16xf32>
          %add3A_336 = arith.addf %mul3A_335, %get3A_171 : vector<16xf32>
          %max3A_337 = arith.constant 0.000000e+00 : f32
          %max3A_338 = vector.broadcast %max3A_337 : f32 to vector<16xf32>
          %max3A_339 = arith.maximumf %add3A_336, %max3A_338 : vector<16xf32>
          %swap3A_340 = arith.constant 7 : i32
          %swap3A_341 = arith.index_cast %swap3A_340 : i32 to index
          %swap3A_342 = arith.index_cast %mul3A_168 : i32 to index
          %swap3A_343 = tpu.vector_load %arg18[%swap3A_341, %swap3A_342] {strides = array<i32>} : memref<16x768xf32, #tpu.memory_space<vmem>>, vector<1x16xf32>,
          %swap3A_344 = vector.shape_cast %swap3A_343 : vector<1x16xf32> to vector<16xf32>
          %swap3A_345 = vector.shape_cast %max3A_339 : vector<16xf32> to vector<1x16xf32>
          tpu.vector_store %arg18[%swap3A_341, %swap3A_342], %swap3A_345 {strides = array<i32>} : memref<16x768xf32, #tpu.memory_space<vmem>>, vector<1x16xf32>,
          %get3A_346 = arith.constant 8 : i32
          %get3A_347 = arith.index_cast %get3A_346 : i32 to index
          %get3A_348 = arith.index_cast %mul3A_168 : i32 to index
          %get3A_349 = tpu.vector_load %arg15[%get3A_347, %get3A_348] {strides = array<i32>} : memref<16x768xf32, #tpu.memory_space<vmem>>, vector<1x16xf32>,
          %get3A_350 = vector.shape_cast %get3A_349 : vector<1x16xf32> to vector<16xf32>
          %get3A_351 = arith.constant 8 : i32
          %get3A_352 = arith.index_cast %get3A_351 : i32 to index
          %get3A_353 = arith.index_cast %mul3A_168 : i32 to index
          %get3A_354 = tpu.vector_load %arg12[%get3A_352, %get3A_353] {strides = array<i32>} : memref<16x768xf32, #tpu.memory_space<vmem>>, vector<1x16xf32>,
          %get3A_355 = vector.shape_cast %get3A_354 : vector<1x16xf32> to vector<16xf32>
          %sub3A_356 = arith.subf %get3A_350, %get3A_355 : vector<16xf32>
          %mul3A_357 = arith.mulf %sub3A_356, %broadcast_in_dim3A_123 : vector<16xf32>
          %add3A_358 = arith.addf %mul3A_357, %get3A_171 : vector<16xf32>
          %max3A_359 = arith.constant 0.000000e+00 : f32
          %max3A_360 = vector.broadcast %max3A_359 : f32 to vector<16xf32>
          %max3A_361 = arith.maximumf %add3A_358, %max3A_360 : vector<16xf32>
          %swap3A_362 = arith.constant 8 : i32
          %swap3A_363 = arith.index_cast %swap3A_362 : i32 to index
          %swap3A_364 = arith.index_cast %mul3A_168 : i32 to index
          %swap3A_365 = tpu.vector_load %arg18[%swap3A_363, %swap3A_364] {strides = array<i32>} : memref<16x768xf32, #tpu.memory_space<vmem>>, vector<1x16xf32>,
          %swap3A_366 = vector.shape_cast %swap3A_365 : vector<1x16xf32> to vector<16xf32>
          %swap3A_367 = vector.shape_cast %max3A_361 : vector<16xf32> to vector<1x16xf32>
          tpu.vector_store %arg18[%swap3A_363, %swap3A_364], %swap3A_367 {strides = array<i32>} : memref<16x768xf32, #tpu.memory_space<vmem>>, vector<1x16xf32>,
          %get3A_368 = arith.constant 9 : i32
          %get3A_369 = arith.index_cast %get3A_368 : i32 to index
          %get3A_370 = arith.index_cast %mul3A_168 : i32 to index
          %get3A_371 = tpu.vector_load %arg15[%get3A_369, %get3A_370] {strides = array<i32>} : memref<16x768xf32, #tpu.memory_space<vmem>>, vector<1x16xf32>,
          %get3A_372 = vector.shape_cast %get3A_371 : vector<1x16xf32> to vector<16xf32>
          %get3A_373 = arith.constant 9 : i32
          %get3A_374 = arith.index_cast %get3A_373 : i32 to index
          %get3A_375 = arith.index_cast %mul3A_168 : i32 to index
          %get3A_376 = tpu.vector_load %arg12[%get3A_374, %get3A_375] {strides = array<i32>} : memref<16x768xf32, #tpu.memory_space<vmem>>, vector<1x16xf32>,
          %get3A_377 = vector.shape_cast %get3A_376 : vector<1x16xf32> to vector<16xf32>
          %sub3A_378 = arith.subf %get3A_372, %get3A_377 : vector<16xf32>
          %mul3A_379 = arith.mulf %sub3A_378, %broadcast_in_dim3A_126 : vector<16xf32>
          %add3A_380 = arith.addf %mul3A_379, %get3A_171 : vector<16xf32>
          %max3A_381 = arith.constant 0.000000e+00 : f32
          %max3A_382 = vector.broadcast %max3A_381 : f32 to vector<16xf32>
          %max3A_383 = arith.maximumf %add3A_380, %max3A_382 : vector<16xf32>
          %swap3A_384 = arith.constant 9 : i32
          %swap3A_385 = arith.index_cast %swap3A_384 : i32 to index
          %swap3A_386 = arith.index_cast %mul3A_168 : i32 to index
          %swap3A_387 = tpu.vector_load %arg18[%swap3A_385, %swap3A_386] {strides = array<i32>} : memref<16x768xf32, #tpu.memory_space<vmem>>, vector<1x16xf32>,
          %swap3A_388 = vector.shape_cast %swap3A_387 : vector<1x16xf32> to vector<16xf32>
          %swap3A_389 = vector.shape_cast %max3A_383 : vector<16xf32> to vector<1x16xf32>
          tpu.vector_store %arg18[%swap3A_385, %swap3A_386], %swap3A_389 {strides = array<i32>} : memref<16x768xf32, #tpu.memory_space<vmem>>, vector<1x16xf32>,
          %get3A_390 = arith.constant 10 : i32
          %get3A_391 = arith.index_cast %get3A_390 : i32 to index
          %get3A_392 = arith.index_cast %mul3A_168 : i32 to index
          %get3A_393 = tpu.vector_load %arg15[%get3A_391, %get3A_392] {strides = array<i32>} : memref<16x768xf32, #tpu.memory_space<vmem>>, vector<1x16xf32>,
          %get3A_394 = vector.shape_cast %get3A_393 : vector<1x16xf32> to vector<16xf32>
          %get3A_395 = arith.constant 10 : i32
          %get3A_396 = arith.index_cast %get3A_395 : i32 to index
          %get3A_397 = arith.index_cast %mul3A_168 : i32 to index
          %get3A_398 = tpu.vector_load %arg12[%get3A_396, %get3A_397] {strides = array<i32>} : memref<16x768xf32, #tpu.memory_space<vmem>>, vector<1x16xf32>,
          %get3A_399 = vector.shape_cast %get3A_398 : vector<1x16xf32> to vector<16xf32>
          %sub3A_400 = arith.subf %get3A_394, %get3A_399 : vector<16xf32>
          %mul3A_401 = arith.mulf %sub3A_400, %broadcast_in_dim3A_129 : vector<16xf32>
          %add3A_402 = arith.addf %mul3A_401, %get3A_171 : vector<16xf32>
          %max3A_403 = arith.constant 0.000000e+00 : f32
          %max3A_404 = vector.broadcast %max3A_403 : f32 to vector<16xf32>
          %max3A_405 = arith.maximumf %add3A_402, %max3A_404 : vector<16xf32>
          %swap3A_406 = arith.constant 10 : i32
          %swap3A_407 = arith.index_cast %swap3A_406 : i32 to index
          %swap3A_408 = arith.index_cast %mul3A_168 : i32 to index
          %swap3A_409 = tpu.vector_load %arg18[%swap3A_407, %swap3A_408] {strides = array<i32>} : memref<16x768xf32, #tpu.memory_space<vmem>>, vector<1x16xf32>,
          %swap3A_410 = vector.shape_cast %swap3A_409 : vector<1x16xf32> to vector<16xf32>
          %swap3A_411 = vector.shape_cast %max3A_405 : vector<16xf32> to vector<1x16xf32>
          tpu.vector_store %arg18[%swap3A_407, %swap3A_408], %swap3A_411 {strides = array<i32>} : memref<16x768xf32, #tpu.memory_space<vmem>>, vector<1x16xf32>,
          %get3A_412 = arith.constant 11 : i32
          %get3A_413 = arith.index_cast %get3A_412 : i32 to index
          %get3A_414 = arith.index_cast %mul3A_168 : i32 to index
          %get3A_415 = tpu.vector_load %arg15[%get3A_413, %get3A_414] {strides = array<i32>} : memref<16x768xf32, #tpu.memory_space<vmem>>, vector<1x16xf32>,
          %get3A_416 = vector.shape_cast %get3A_415 : vector<1x16xf32> to vector<16xf32>
          %get3A_417 = arith.constant 11 : i32
          %get3A_418 = arith.index_cast %get3A_417 : i32 to index
          %get3A_419 = arith.index_cast %mul3A_168 : i32 to index
          %get3A_420 = tpu.vector_load %arg12[%get3A_418, %get3A_419] {strides = array<i32>} : memref<16x768xf32, #tpu.memory_space<vmem>>, vector<1x16xf32>,
          %get3A_421 = vector.shape_cast %get3A_420 : vector<1x16xf32> to vector<16xf32>
          %sub3A_422 = arith.subf %get3A_416, %get3A_421 : vector<16xf32>
          %mul3A_423 = arith.mulf %sub3A_422, %broadcast_in_dim3A_132 : vector<16xf32>
          %add3A_424 = arith.addf %mul3A_423, %get3A_171 : vector<16xf32>
          %max3A_425 = arith.constant 0.000000e+00 : f32
          %max3A_426 = vector.broadcast %max3A_425 : f32 to vector<16xf32>
          %max3A_427 = arith.maximumf %add3A_424, %max3A_426 : vector<16xf32>
          %swap3A_428 = arith.constant 11 : i32
          %swap3A_429 = arith.index_cast %swap3A_428 : i32 to index
          %swap3A_430 = arith.index_cast %mul3A_168 : i32 to index
          %swap3A_431 = tpu.vector_load %arg18[%swap3A_429, %swap3A_430] {strides = array<i32>} : memref<16x768xf32, #tpu.memory_space<vmem>>, vector<1x16xf32>,
          %swap3A_432 = vector.shape_cast %swap3A_431 : vector<1x16xf32> to vector<16xf32>
          %swap3A_433 = vector.shape_cast %max3A_427 : vector<16xf32> to vector<1x16xf32>
          tpu.vector_store %arg18[%swap3A_429, %swap3A_430], %swap3A_433 {strides = array<i32>} : memref<16x768xf32, #tpu.memory_space<vmem>>, vector<1x16xf32>,
          %get3A_434 = arith.constant 12 : i32
          %get3A_435 = arith.index_cast %get3A_434 : i32 to index
          %get3A_436 = arith.index_cast %mul3A_168 : i32 to index
          %get3A_437 = tpu.vector_load %arg15[%get3A_435, %get3A_436] {strides = array<i32>} : memref<16x768xf32, #tpu.memory_space<vmem>>, vector<1x16xf32>,
          %get3A_438 = vector.shape_cast %get3A_437 : vector<1x16xf32> to vector<16xf32>
          %get3A_439 = arith.constant 12 : i32
          %get3A_440 = arith.index_cast %get3A_439 : i32 to index
          %get3A_441 = arith.index_cast %mul3A_168 : i32 to index
          %get3A_442 = tpu.vector_load %arg12[%get3A_440, %get3A_441] {strides = array<i32>} : memref<16x768xf32, #tpu.memory_space<vmem>>, vector<1x16xf32>,
          %get3A_443 = vector.shape_cast %get3A_442 : vector<1x16xf32> to vector<16xf32>
          %sub3A_444 = arith.subf %get3A_438, %get3A_443 : vector<16xf32>
          %mul3A_445 = arith.mulf %sub3A_444, %broadcast_in_dim3A_135 : vector<16xf32>
          %add3A_446 = arith.addf %mul3A_445, %get3A_171 : vector<16xf32>
          %max3A_447 = arith.constant 0.000000e+00 : f32
          %max3A_448 = vector.broadcast %max3A_447 : f32 to vector<16xf32>
          %max3A_449 = arith.maximumf %add3A_446, %max3A_448 : vector<16xf32>
          %swap3A_450 = arith.constant 12 : i32
          %swap3A_451 = arith.index_cast %swap3A_450 : i32 to index
          %swap3A_452 = arith.index_cast %mul3A_168 : i32 to index
          %swap3A_453 = tpu.vector_load %arg18[%swap3A_451, %swap3A_452] {strides = array<i32>} : memref<16x768xf32, #tpu.memory_space<vmem>>, vector<1x16xf32>,
          %swap3A_454 = vector.shape_cast %swap3A_453 : vector<1x16xf32> to vector<16xf32>
          %swap3A_455 = vector.shape_cast %max3A_449 : vector<16xf32> to vector<1x16xf32>
          tpu.vector_store %arg18[%swap3A_451, %swap3A_452], %swap3A_455 {strides = array<i32>} : memref<16x768xf32, #tpu.memory_space<vmem>>, vector<1x16xf32>,
          %get3A_456 = arith.constant 13 : i32
          %get3A_457 = arith.index_cast %get3A_456 : i32 to index
          %get3A_458 = arith.index_cast %mul3A_168 : i32 to index
          %get3A_459 = tpu.vector_load %arg15[%get3A_457, %get3A_458] {strides = array<i32>} : memref<16x768xf32, #tpu.memory_space<vmem>>, vector<1x16xf32>,
          %get3A_460 = vector.shape_cast %get3A_459 : vector<1x16xf32> to vector<16xf32>
          %get3A_461 = arith.constant 13 : i32
          %get3A_462 = arith.index_cast %get3A_461 : i32 to index
          %get3A_463 = arith.index_cast %mul3A_168 : i32 to index
          %get3A_464 = tpu.vector_load %arg12[%get3A_462, %get3A_463] {strides = array<i32>} : memref<16x768xf32, #tpu.memory_space<vmem>>, vector<1x16xf32>,
          %get3A_465 = vector.shape_cast %get3A_464 : vector<1x16xf32> to vector<16xf32>
          %sub3A_466 = arith.subf %get3A_460, %get3A_465 : vector<16xf32>
          %mul3A_467 = arith.mulf %sub3A_466, %broadcast_in_dim3A_138 : vector<16xf32>
          %add3A_468 = arith.addf %mul3A_467, %get3A_171 : vector<16xf32>
          %max3A_469 = arith.constant 0.000000e+00 : f32
          %max3A_470 = vector.broadcast %max3A_469 : f32 to vector<16xf32>
          %max3A_471 = arith.maximumf %add3A_468, %max3A_470 : vector<16xf32>
          %swap3A_472 = arith.constant 13 : i32
          %swap3A_473 = arith.index_cast %swap3A_472 : i32 to index
          %swap3A_474 = arith.index_cast %mul3A_168 : i32 to index
          %swap3A_475 = tpu.vector_load %arg18[%swap3A_473, %swap3A_474] {strides = array<i32>} : memref<16x768xf32, #tpu.memory_space<vmem>>, vector<1x16xf32>,
          %swap3A_476 = vector.shape_cast %swap3A_475 : vector<1x16xf32> to vector<16xf32>
          %swap3A_477 = vector.shape_cast %max3A_471 : vector<16xf32> to vector<1x16xf32>
          tpu.vector_store %arg18[%swap3A_473, %swap3A_474], %swap3A_477 {strides = array<i32>} : memref<16x768xf32, #tpu.memory_space<vmem>>, vector<1x16xf32>,
          %get3A_478 = arith.constant 14 : i32
          %get3A_479 = arith.index_cast %get3A_478 : i32 to index
          %get3A_480 = arith.index_cast %mul3A_168 : i32 to index
          %get3A_481 = tpu.vector_load %arg15[%get3A_479, %get3A_480] {strides = array<i32>} : memref<16x768xf32, #tpu.memory_space<vmem>>, vector<1x16xf32>,
          %get3A_482 = vector.shape_cast %get3A_481 : vector<1x16xf32> to vector<16xf32>
          %get3A_483 = arith.constant 14 : i32
          %get3A_484 = arith.index_cast %get3A_483 : i32 to index
          %get3A_485 = arith.index_cast %mul3A_168 : i32 to index
          %get3A_486 = tpu.vector_load %arg12[%get3A_484, %get3A_485] {strides = array<i32>} : memref<16x768xf32, #tpu.memory_space<vmem>>, vector<1x16xf32>,
          %get3A_487 = vector.shape_cast %get3A_486 : vector<1x16xf32> to vector<16xf32>
          %sub3A_488 = arith.subf %get3A_482, %get3A_487 : vector<16xf32>
          %mul3A_489 = arith.mulf %sub3A_488, %broadcast_in_dim3A_141 : vector<16xf32>
          %add3A_490 = arith.addf %mul3A_489, %get3A_171 : vector<16xf32>
          %max3A_491 = arith.constant 0.000000e+00 : f32
          %max3A_492 = vector.broadcast %max3A_491 : f32 to vector<16xf32>
          %max3A_493 = arith.maximumf %add3A_490, %max3A_492 : vector<16xf32>
          %swap3A_494 = arith.constant 14 : i32
          %swap3A_495 = arith.index_cast %swap3A_494 : i32 to index
          %swap3A_496 = arith.index_cast %mul3A_168 : i32 to index
          %swap3A_497 = tpu.vector_load %arg18[%swap3A_495, %swap3A_496] {strides = array<i32>} : memref<16x768xf32, #tpu.memory_space<vmem>>, vector<1x16xf32>,
          %swap3A_498 = vector.shape_cast %swap3A_497 : vector<1x16xf32> to vector<16xf32>
          %swap3A_499 = vector.shape_cast %max3A_493 : vector<16xf32> to vector<1x16xf32>
          tpu.vector_store %arg18[%swap3A_495, %swap3A_496], %swap3A_499 {strides = array<i32>} : memref<16x768xf32, #tpu.memory_space<vmem>>, vector<1x16xf32>,
          %get3A_500 = arith.constant 15 : i32
          %get3A_501 = arith.index_cast %get3A_500 : i32 to index
          %get3A_502 = arith.index_cast %mul3A_168 : i32 to index
          %get3A_503 = tpu.vector_load %arg15[%get3A_501, %get3A_502] {strides = array<i32>} : memref<16x768xf32, #tpu.memory_space<vmem>>, vector<1x16xf32>,
          %get3A_504 = vector.shape_cast %get3A_503 : vector<1x16xf32> to vector<16xf32>
          %get3A_505 = arith.constant 15 : i32
          %get3A_506 = arith.index_cast %get3A_505 : i32 to index
          %get3A_507 = arith.index_cast %mul3A_168 : i32 to index
          %get3A_508 = tpu.vector_load %arg12[%get3A_506, %get3A_507] {strides = array<i32>} : memref<16x768xf32, #tpu.memory_space<vmem>>, vector<1x16xf32>,
          %get3A_509 = vector.shape_cast %get3A_508 : vector<1x16xf32> to vector<16xf32>
          %sub3A_510 = arith.subf %get3A_504, %get3A_509 : vector<16xf32>
          %mul3A_511 = arith.mulf %sub3A_510, %broadcast_in_dim3A_144 : vector<16xf32>
          %add3A_512 = arith.addf %mul3A_511, %get3A_171 : vector<16xf32>
          %max3A_513 = arith.constant 0.000000e+00 : f32
          %max3A_514 = vector.broadcast %max3A_513 : f32 to vector<16xf32>
          %max3A_515 = arith.maximumf %add3A_512, %max3A_514 : vector<16xf32>
          %swap3A_516 = arith.constant 15 : i32
          %swap3A_517 = arith.index_cast %swap3A_516 : i32 to index
          %swap3A_518 = arith.index_cast %mul3A_168 : i32 to index
          %swap3A_519 = tpu.vector_load %arg18[%swap3A_517, %swap3A_518] {strides = array<i32>} : memref<16x768xf32, #tpu.memory_space<vmem>>, vector<1x16xf32>,
          %swap3A_520 = vector.shape_cast %swap3A_519 : vector<1x16xf32> to vector<16xf32>
          %swap3A_521 = vector.shape_cast %max3A_515 : vector<16xf32> to vector<1x16xf32>
          tpu.vector_store %arg18[%swap3A_517, %swap3A_518], %swap3A_521 {strides = array<i32>} : memref<16x768xf32, #tpu.memory_space<vmem>>, vector<1x16xf32>,
        }
        %scan3A_150 = arith.constant 48 : i32
        %iota3A = tpu.iota {dimensions = array<i32: 0>} : vector<16xi32>
        %mul3A_151 = arith.constant 2 : i32
        %mul3A_152 = vector.broadcast %mul3A_151 : i32 to vector<16xi32>
        %mul3A_153 = arith.muli %mul3A_152, %iota3A : vector<16xi32>
        %rem3A = arith.constant 4 : i32
        %rem3A_154 = vector.broadcast %rem3A : i32 to vector<16xi32>
        %rem3A_155 = arith.remsi %iota3A, %rem3A_154 : vector<16xi32>
        %sub3A = arith.subi %mul3A_153, %rem3A_155 : vector<16xi32>
        %mul3A_156 = arith.constant 16 : i32
        %mul3A_157 = arith.muli %add3A_51, %mul3A_156 : i32
        %add3A_158 = arith.addi %mul3A_2, %mul3A_157 : i32
        %mul3A_159 = arith.constant 2 : i32
        %mul3A_160 = arith.muli %mul3A_159, %add3A_158 : i32
        %add3A_161 = vector.broadcast %mul3A_160 : i32 to vector<16xi32>
        %add3A_162 = arith.addi %sub3A, %add3A_161 : vector<16xi32>
        %dma_start3A_163 = arith.constant 0 : i32
        %dma_start3A_164 = arith.constant 0 : i32
        %dma_start3A_165 = tpu.memref_slice %arg7[%dma_start3A_163, %dma_start3A_164] : memref<65536x768xf32, #tpu.memory_space<hbm>> -> memref<65536x768xf32, #tpu.memory_space<hbm>>
        tpu.enqueue_indirect_dma source(%arg18 : memref<16x768xf32, #tpu.memory_space<vmem>>) target(%dma_start3A_165 : memref<65536x768xf32, #tpu.memory_space<hbm>>) offsets(%add3A_162 : vector<16xi32>) semaphore(%arg27 : memref<!tpu.dma_semaphore, #tpu.memory_space<semaphore_mem>>)
      } else {
      }
      %mul3A_54 = arith.constant 3 : i32
      %mul3A_55 = arith.muli %mul3A_54, %scan3A_47 : i32
      %add3A_56 = arith.constant 1 : i32
      %add3A_57 = arith.addi %mul3A_55, %add3A_56 : i32
      %lt3A_58 = arith.constant 64 : i32
      %lt3A_59 = arith.cmpi slt, %add3A_57, %lt3A_58 : i32
      %convert_element_type3A_60 = arith.extui %lt3A_59 : i1 to i32
      %cond3A_61 = arith.constant 0 : i32
      %cond3A_62 = arith.cmpi ne, %convert_element_type3A_60, %cond3A_61 : i32
      scf.if %cond3A_62 {
        %add3A_72 = arith.constant 2 : i32
        %add3A_73 = arith.addi %add3A_57, %add3A_72 : i32
        %lt3A_74 = arith.constant 64 : i32
        %lt3A_75 = arith.cmpi slt, %add3A_73, %lt3A_74 : i32
        %convert_element_type3A_76 = arith.extui %lt3A_75 : i1 to i32
        %cond3A_77 = arith.constant 0 : i32
        %cond3A_78 = arith.cmpi ne, %convert_element_type3A_76, %cond3A_77 : i32
        scf.if %cond3A_78 {
          %add3A_166 = arith.constant 2 : i32
          %add3A_167 = arith.addi %add3A_57, %add3A_166 : i32
          %mul3A_168 = arith.constant 16 : i32
          %mul3A_169 = arith.muli %add3A_167, %mul3A_168 : i32
          %get3A_170 = arith.index_cast %mul3A_169 : i32 to index
          %get3A_171 = tpu.vector_load %arg8[%get3A_170] {strides = array<i32>} : memref<1024xi32, #tpu.memory_space<vmem>>, vector<16xi32>,
          %get3A_172 = vector.shape_cast %get3A_171 : vector<16xi32> to vector<16xi32>
          %dma_start3A_173 = arith.constant 0 : i32
          %dma_start3A_174 = arith.constant 0 : i32
          %dma_start3A_175 = tpu.memref_slice %arg2[%dma_start3A_173, %dma_start3A_174] : memref<8224x768xf32, #tpu.memory_space<hbm>> -> memref<8224x768xf32, #tpu.memory_space<hbm>>
          tpu.enqueue_indirect_dma source(%dma_start3A_175 : memref<8224x768xf32, #tpu.memory_space<hbm>>) target(%arg12 : memref<16x768xf32, #tpu.memory_space<vmem>>) offsets(%get3A_172 : vector<16xi32>) semaphore(%arg21 : memref<!tpu.dma_semaphore, #tpu.memory_space<semaphore_mem>>)
          %get3A_176 = arith.index_cast %mul3A_169 : i32 to index
          %get3A_177 = tpu.vector_load %arg9[%get3A_176] {strides = array<i32>} : memref<1024xi32, #tpu.memory_space<vmem>>, vector<16xi32>,
          %get3A_178 = vector.shape_cast %get3A_177 : vector<16xi32> to vector<16xi32>
          %dma_start3A_179 = arith.constant 0 : i32
          %dma_start3A_180 = arith.constant 0 : i32
          %dma_start3A_181 = tpu.memref_slice %arg2[%dma_start3A_179, %dma_start3A_180] : memref<8224x768xf32, #tpu.memory_space<hbm>> -> memref<8224x768xf32, #tpu.memory_space<hbm>>
          tpu.enqueue_indirect_dma source(%dma_start3A_181 : memref<8224x768xf32, #tpu.memory_space<hbm>>) target(%arg15 : memref<16x768xf32, #tpu.memory_space<vmem>>) offsets(%get3A_178 : vector<16xi32>) semaphore(%arg24 : memref<!tpu.dma_semaphore, #tpu.memory_space<semaphore_mem>>)
        } else {
        }
        %dma_wait3A_79 = arith.constant 0 : i32
        %dma_wait3A_80 = arith.constant 0 : i32
        %dma_wait3A_81 = tpu.memref_slice %arg2[%dma_wait3A_79, %dma_wait3A_80] : memref<8224x768xf32, #tpu.memory_space<hbm>> -> memref<16x768xf32, #tpu.memory_space<hbm>>
        %dma_wait3A_82 = arith.constant 0 : i32
        %dma_wait3A_83 = arith.constant 0 : i32
        %dma_wait3A_84 = tpu.memref_slice %arg2[%dma_wait3A_82, %dma_wait3A_83] : memref<8224x768xf32, #tpu.memory_space<hbm>> -> memref<16x768xf32, #tpu.memory_space<hbm>>
        tpu.wait_dma2 semaphore(%arg22 : memref<!tpu.dma_semaphore, #tpu.memory_space<semaphore_mem>>) src(%dma_wait3A_84 : memref<16x768xf32, #tpu.memory_space<hbm>>) dst(%arg13 : memref<16x768xf32, #tpu.memory_space<vmem>>)
        %dma_wait3A_85 = arith.constant 0 : i32
        %dma_wait3A_86 = arith.constant 0 : i32
        %dma_wait3A_87 = tpu.memref_slice %arg2[%dma_wait3A_85, %dma_wait3A_86] : memref<8224x768xf32, #tpu.memory_space<hbm>> -> memref<16x768xf32, #tpu.memory_space<hbm>>
        %dma_wait3A_88 = arith.constant 0 : i32
        %dma_wait3A_89 = arith.constant 0 : i32
        %dma_wait3A_90 = tpu.memref_slice %arg2[%dma_wait3A_88, %dma_wait3A_89] : memref<8224x768xf32, #tpu.memory_space<hbm>> -> memref<16x768xf32, #tpu.memory_space<hbm>>
        tpu.wait_dma2 semaphore(%arg25 : memref<!tpu.dma_semaphore, #tpu.memory_space<semaphore_mem>>) src(%dma_wait3A_90 : memref<16x768xf32, #tpu.memory_space<hbm>>) dst(%arg16 : memref<16x768xf32, #tpu.memory_space<vmem>>)
        %ge3A = arith.constant 3 : i32
        %ge3A_91 = arith.cmpi sge, %add3A_57, %ge3A : i32
        %convert_element_type3A_92 = arith.extui %ge3A_91 : i1 to i32
        %cond3A_93 = arith.constant 0 : i32
        %cond3A_94 = arith.cmpi ne, %convert_element_type3A_92, %cond3A_93 : i32
        scf.if %cond3A_94 {
          %dma_wait3A_166 = arith.constant 0 : i32
          %dma_wait3A_167 = arith.constant 0 : i32
          %dma_wait3A_168 = tpu.memref_slice %arg7[%dma_wait3A_166, %dma_wait3A_167] : memref<65536x768xf32, #tpu.memory_space<hbm>> -> memref<16x768xf32, #tpu.memory_space<hbm>>
          %dma_wait3A_169 = arith.constant 0 : i32
          %dma_wait3A_170 = arith.constant 0 : i32
          %dma_wait3A_171 = tpu.memref_slice %arg7[%dma_wait3A_169, %dma_wait3A_170] : memref<65536x768xf32, #tpu.memory_space<hbm>> -> memref<16x768xf32, #tpu.memory_space<hbm>>
          tpu.wait_dma2 semaphore(%arg28 : memref<!tpu.dma_semaphore, #tpu.memory_space<semaphore_mem>>) src(%arg19 : memref<16x768xf32, #tpu.memory_space<vmem>>) dst(%dma_wait3A_171 : memref<16x768xf32, #tpu.memory_space<hbm>>)
        } else {
        }
        %mul3A_95 = arith.constant 16 : i32
        %mul3A_96 = arith.muli %add3A_57, %mul3A_95 : i32
        %get3A_97 = arith.index_cast %mul3A_96 : i32 to index
        %get3A_98 = tpu.vector_load %arg10[%get3A_97] {strides = array<i32>} : memref<1024xf32, #tpu.memory_space<vmem>>, vector<16xf32>,
        %get3A_99 = vector.shape_cast %get3A_98 : vector<16xf32> to vector<16xf32>
        %slice3A = vector.extract_strided_slice %get3A_99 {offsets = [0], sizes = [1], strides = [1]} : vector<16xf32> to vector<1xf32>
        %squeeze3A = vector.extract %slice3A[0] : f32 from vector<1xf32>
        %broadcast_in_dim3A = vector.broadcast %squeeze3A : f32 to vector<16xf32>
        %slice3A_100 = vector.extract_strided_slice %get3A_99 {offsets = [1], sizes = [1], strides = [1]} : vector<16xf32> to vector<1xf32>
        %squeeze3A_101 = vector.extract %slice3A_100[0] : f32 from vector<1xf32>
        %broadcast_in_dim3A_102 = vector.broadcast %squeeze3A_101 : f32 to vector<16xf32>
        %slice3A_103 = vector.extract_strided_slice %get3A_99 {offsets = [2], sizes = [1], strides = [1]} : vector<16xf32> to vector<1xf32>
        %squeeze3A_104 = vector.extract %slice3A_103[0] : f32 from vector<1xf32>
        %broadcast_in_dim3A_105 = vector.broadcast %squeeze3A_104 : f32 to vector<16xf32>
        %slice3A_106 = vector.extract_strided_slice %get3A_99 {offsets = [3], sizes = [1], strides = [1]} : vector<16xf32> to vector<1xf32>
        %squeeze3A_107 = vector.extract %slice3A_106[0] : f32 from vector<1xf32>
        %broadcast_in_dim3A_108 = vector.broadcast %squeeze3A_107 : f32 to vector<16xf32>
        %slice3A_109 = vector.extract_strided_slice %get3A_99 {offsets = [4], sizes = [1], strides = [1]} : vector<16xf32> to vector<1xf32>
        %squeeze3A_110 = vector.extract %slice3A_109[0] : f32 from vector<1xf32>
        %broadcast_in_dim3A_111 = vector.broadcast %squeeze3A_110 : f32 to vector<16xf32>
        %slice3A_112 = vector.extract_strided_slice %get3A_99 {offsets = [5], sizes = [1], strides = [1]} : vector<16xf32> to vector<1xf32>
        %squeeze3A_113 = vector.extract %slice3A_112[0] : f32 from vector<1xf32>
        %broadcast_in_dim3A_114 = vector.broadcast %squeeze3A_113 : f32 to vector<16xf32>
        %slice3A_115 = vector.extract_strided_slice %get3A_99 {offsets = [6], sizes = [1], strides = [1]} : vector<16xf32> to vector<1xf32>
        %squeeze3A_116 = vector.extract %slice3A_115[0] : f32 from vector<1xf32>
        %broadcast_in_dim3A_117 = vector.broadcast %squeeze3A_116 : f32 to vector<16xf32>
        %slice3A_118 = vector.extract_strided_slice %get3A_99 {offsets = [7], sizes = [1], strides = [1]} : vector<16xf32> to vector<1xf32>
        %squeeze3A_119 = vector.extract %slice3A_118[0] : f32 from vector<1xf32>
        %broadcast_in_dim3A_120 = vector.broadcast %squeeze3A_119 : f32 to vector<16xf32>
        %slice3A_121 = vector.extract_strided_slice %get3A_99 {offsets = [8], sizes = [1], strides = [1]} : vector<16xf32> to vector<1xf32>
        %squeeze3A_122 = vector.extract %slice3A_121[0] : f32 from vector<1xf32>
        %broadcast_in_dim3A_123 = vector.broadcast %squeeze3A_122 : f32 to vector<16xf32>
        %slice3A_124 = vector.extract_strided_slice %get3A_99 {offsets = [9], sizes = [1], strides = [1]} : vector<16xf32> to vector<1xf32>
        %squeeze3A_125 = vector.extract %slice3A_124[0] : f32 from vector<1xf32>
        %broadcast_in_dim3A_126 = vector.broadcast %squeeze3A_125 : f32 to vector<16xf32>
        %slice3A_127 = vector.extract_strided_slice %get3A_99 {offsets = [10], sizes = [1], strides = [1]} : vector<16xf32> to vector<1xf32>
        %squeeze3A_128 = vector.extract %slice3A_127[0] : f32 from vector<1xf32>
        %broadcast_in_dim3A_129 = vector.broadcast %squeeze3A_128 : f32 to vector<16xf32>
        %slice3A_130 = vector.extract_strided_slice %get3A_99 {offsets = [11], sizes = [1], strides = [1]} : vector<16xf32> to vector<1xf32>
        %squeeze3A_131 = vector.extract %slice3A_130[0] : f32 from vector<1xf32>
        %broadcast_in_dim3A_132 = vector.broadcast %squeeze3A_131 : f32 to vector<16xf32>
        %slice3A_133 = vector.extract_strided_slice %get3A_99 {offsets = [12], sizes = [1], strides = [1]} : vector<16xf32> to vector<1xf32>
        %squeeze3A_134 = vector.extract %slice3A_133[0] : f32 from vector<1xf32>
        %broadcast_in_dim3A_135 = vector.broadcast %squeeze3A_134 : f32 to vector<16xf32>
        %slice3A_136 = vector.extract_strided_slice %get3A_99 {offsets = [13], sizes = [1], strides = [1]} : vector<16xf32> to vector<1xf32>
        %squeeze3A_137 = vector.extract %slice3A_136[0] : f32 from vector<1xf32>
        %broadcast_in_dim3A_138 = vector.broadcast %squeeze3A_137 : f32 to vector<16xf32>
        %slice3A_139 = vector.extract_strided_slice %get3A_99 {offsets = [14], sizes = [1], strides = [1]} : vector<16xf32> to vector<1xf32>
        %squeeze3A_140 = vector.extract %slice3A_139[0] : f32 from vector<1xf32>
        %broadcast_in_dim3A_141 = vector.broadcast %squeeze3A_140 : f32 to vector<16xf32>
        %slice3A_142 = vector.extract_strided_slice %get3A_99 {offsets = [15], sizes = [1], strides = [1]} : vector<16xf32> to vector<1xf32>
        %squeeze3A_143 = vector.extract %slice3A_142[0] : f32 from vector<1xf32>
        %broadcast_in_dim3A_144 = vector.broadcast %squeeze3A_143 : f32 to vector<16xf32>
        %scan3A_145 = arith.constant 0 : i32
        %scan3A_146 = arith.constant 0 : i32
        %scan3A_147 = arith.constant 48 : i32
        %scan3A_148 = arith.addi %scan3A_146, %scan3A_147 : i32
        %scan3A_149 = arith.constant 1 : i32
        scf.for %scan3A_166 = %scan3A_146 to %scan3A_148 step %scan3A_149  : i32 {
          %mul3A_167 = arith.constant 16 : i32
          %mul3A_168 = arith.muli %scan3A_166, %mul3A_167 : i32
          %get3A_169 = arith.index_cast %mul3A_168 : i32 to index
          %get3A_170 = tpu.vector_load %arg11[%get3A_169] {strides = array<i32>} : memref<768xf32, #tpu.memory_space<vmem>>, vector<16xf32>,
          %get3A_171 = vector.shape_cast %get3A_170 : vector<16xf32> to vector<16xf32>
          %get3A_172 = arith.constant 0 : i32
          %get3A_173 = arith.index_cast %get3A_172 : i32 to index
          %get3A_174 = arith.index_cast %mul3A_168 : i32 to index
          %get3A_175 = tpu.vector_load %arg16[%get3A_173, %get3A_174] {strides = array<i32>} : memref<16x768xf32, #tpu.memory_space<vmem>>, vector<1x16xf32>,
          %get3A_176 = vector.shape_cast %get3A_175 : vector<1x16xf32> to vector<16xf32>
          %get3A_177 = arith.constant 0 : i32
          %get3A_178 = arith.index_cast %get3A_177 : i32 to index
          %get3A_179 = arith.index_cast %mul3A_168 : i32 to index
          %get3A_180 = tpu.vector_load %arg13[%get3A_178, %get3A_179] {strides = array<i32>} : memref<16x768xf32, #tpu.memory_space<vmem>>, vector<1x16xf32>,
          %get3A_181 = vector.shape_cast %get3A_180 : vector<1x16xf32> to vector<16xf32>
          %sub3A_182 = arith.subf %get3A_176, %get3A_181 : vector<16xf32>
          %mul3A_183 = arith.mulf %sub3A_182, %broadcast_in_dim3A : vector<16xf32>
          %add3A_184 = arith.addf %mul3A_183, %get3A_171 : vector<16xf32>
          %max3A = arith.constant 0.000000e+00 : f32
          %max3A_185 = vector.broadcast %max3A : f32 to vector<16xf32>
          %max3A_186 = arith.maximumf %add3A_184, %max3A_185 : vector<16xf32>
          %swap3A = arith.constant 0 : i32
          %swap3A_187 = arith.index_cast %swap3A : i32 to index
          %swap3A_188 = arith.index_cast %mul3A_168 : i32 to index
          %swap3A_189 = tpu.vector_load %arg19[%swap3A_187, %swap3A_188] {strides = array<i32>} : memref<16x768xf32, #tpu.memory_space<vmem>>, vector<1x16xf32>,
          %swap3A_190 = vector.shape_cast %swap3A_189 : vector<1x16xf32> to vector<16xf32>
          %swap3A_191 = vector.shape_cast %max3A_186 : vector<16xf32> to vector<1x16xf32>
          tpu.vector_store %arg19[%swap3A_187, %swap3A_188], %swap3A_191 {strides = array<i32>} : memref<16x768xf32, #tpu.memory_space<vmem>>, vector<1x16xf32>,
          %get3A_192 = arith.constant 1 : i32
          %get3A_193 = arith.index_cast %get3A_192 : i32 to index
          %get3A_194 = arith.index_cast %mul3A_168 : i32 to index
          %get3A_195 = tpu.vector_load %arg16[%get3A_193, %get3A_194] {strides = array<i32>} : memref<16x768xf32, #tpu.memory_space<vmem>>, vector<1x16xf32>,
          %get3A_196 = vector.shape_cast %get3A_195 : vector<1x16xf32> to vector<16xf32>
          %get3A_197 = arith.constant 1 : i32
          %get3A_198 = arith.index_cast %get3A_197 : i32 to index
          %get3A_199 = arith.index_cast %mul3A_168 : i32 to index
          %get3A_200 = tpu.vector_load %arg13[%get3A_198, %get3A_199] {strides = array<i32>} : memref<16x768xf32, #tpu.memory_space<vmem>>, vector<1x16xf32>,
          %get3A_201 = vector.shape_cast %get3A_200 : vector<1x16xf32> to vector<16xf32>
          %sub3A_202 = arith.subf %get3A_196, %get3A_201 : vector<16xf32>
          %mul3A_203 = arith.mulf %sub3A_202, %broadcast_in_dim3A_102 : vector<16xf32>
          %add3A_204 = arith.addf %mul3A_203, %get3A_171 : vector<16xf32>
          %max3A_205 = arith.constant 0.000000e+00 : f32
          %max3A_206 = vector.broadcast %max3A_205 : f32 to vector<16xf32>
          %max3A_207 = arith.maximumf %add3A_204, %max3A_206 : vector<16xf32>
          %swap3A_208 = arith.constant 1 : i32
          %swap3A_209 = arith.index_cast %swap3A_208 : i32 to index
          %swap3A_210 = arith.index_cast %mul3A_168 : i32 to index
          %swap3A_211 = tpu.vector_load %arg19[%swap3A_209, %swap3A_210] {strides = array<i32>} : memref<16x768xf32, #tpu.memory_space<vmem>>, vector<1x16xf32>,
          %swap3A_212 = vector.shape_cast %swap3A_211 : vector<1x16xf32> to vector<16xf32>
          %swap3A_213 = vector.shape_cast %max3A_207 : vector<16xf32> to vector<1x16xf32>
          tpu.vector_store %arg19[%swap3A_209, %swap3A_210], %swap3A_213 {strides = array<i32>} : memref<16x768xf32, #tpu.memory_space<vmem>>, vector<1x16xf32>,
          %get3A_214 = arith.constant 2 : i32
          %get3A_215 = arith.index_cast %get3A_214 : i32 to index
          %get3A_216 = arith.index_cast %mul3A_168 : i32 to index
          %get3A_217 = tpu.vector_load %arg16[%get3A_215, %get3A_216] {strides = array<i32>} : memref<16x768xf32, #tpu.memory_space<vmem>>, vector<1x16xf32>,
          %get3A_218 = vector.shape_cast %get3A_217 : vector<1x16xf32> to vector<16xf32>
          %get3A_219 = arith.constant 2 : i32
          %get3A_220 = arith.index_cast %get3A_219 : i32 to index
          %get3A_221 = arith.index_cast %mul3A_168 : i32 to index
          %get3A_222 = tpu.vector_load %arg13[%get3A_220, %get3A_221] {strides = array<i32>} : memref<16x768xf32, #tpu.memory_space<vmem>>, vector<1x16xf32>,
          %get3A_223 = vector.shape_cast %get3A_222 : vector<1x16xf32> to vector<16xf32>
          %sub3A_224 = arith.subf %get3A_218, %get3A_223 : vector<16xf32>
          %mul3A_225 = arith.mulf %sub3A_224, %broadcast_in_dim3A_105 : vector<16xf32>
          %add3A_226 = arith.addf %mul3A_225, %get3A_171 : vector<16xf32>
          %max3A_227 = arith.constant 0.000000e+00 : f32
          %max3A_228 = vector.broadcast %max3A_227 : f32 to vector<16xf32>
          %max3A_229 = arith.maximumf %add3A_226, %max3A_228 : vector<16xf32>
          %swap3A_230 = arith.constant 2 : i32
          %swap3A_231 = arith.index_cast %swap3A_230 : i32 to index
          %swap3A_232 = arith.index_cast %mul3A_168 : i32 to index
          %swap3A_233 = tpu.vector_load %arg19[%swap3A_231, %swap3A_232] {strides = array<i32>} : memref<16x768xf32, #tpu.memory_space<vmem>>, vector<1x16xf32>,
          %swap3A_234 = vector.shape_cast %swap3A_233 : vector<1x16xf32> to vector<16xf32>
          %swap3A_235 = vector.shape_cast %max3A_229 : vector<16xf32> to vector<1x16xf32>
          tpu.vector_store %arg19[%swap3A_231, %swap3A_232], %swap3A_235 {strides = array<i32>} : memref<16x768xf32, #tpu.memory_space<vmem>>, vector<1x16xf32>,
          %get3A_236 = arith.constant 3 : i32
          %get3A_237 = arith.index_cast %get3A_236 : i32 to index
          %get3A_238 = arith.index_cast %mul3A_168 : i32 to index
          %get3A_239 = tpu.vector_load %arg16[%get3A_237, %get3A_238] {strides = array<i32>} : memref<16x768xf32, #tpu.memory_space<vmem>>, vector<1x16xf32>,
          %get3A_240 = vector.shape_cast %get3A_239 : vector<1x16xf32> to vector<16xf32>
          %get3A_241 = arith.constant 3 : i32
          %get3A_242 = arith.index_cast %get3A_241 : i32 to index
          %get3A_243 = arith.index_cast %mul3A_168 : i32 to index
          %get3A_244 = tpu.vector_load %arg13[%get3A_242, %get3A_243] {strides = array<i32>} : memref<16x768xf32, #tpu.memory_space<vmem>>, vector<1x16xf32>,
          %get3A_245 = vector.shape_cast %get3A_244 : vector<1x16xf32> to vector<16xf32>
          %sub3A_246 = arith.subf %get3A_240, %get3A_245 : vector<16xf32>
          %mul3A_247 = arith.mulf %sub3A_246, %broadcast_in_dim3A_108 : vector<16xf32>
          %add3A_248 = arith.addf %mul3A_247, %get3A_171 : vector<16xf32>
          %max3A_249 = arith.constant 0.000000e+00 : f32
          %max3A_250 = vector.broadcast %max3A_249 : f32 to vector<16xf32>
          %max3A_251 = arith.maximumf %add3A_248, %max3A_250 : vector<16xf32>
          %swap3A_252 = arith.constant 3 : i32
          %swap3A_253 = arith.index_cast %swap3A_252 : i32 to index
          %swap3A_254 = arith.index_cast %mul3A_168 : i32 to index
          %swap3A_255 = tpu.vector_load %arg19[%swap3A_253, %swap3A_254] {strides = array<i32>} : memref<16x768xf32, #tpu.memory_space<vmem>>, vector<1x16xf32>,
          %swap3A_256 = vector.shape_cast %swap3A_255 : vector<1x16xf32> to vector<16xf32>
          %swap3A_257 = vector.shape_cast %max3A_251 : vector<16xf32> to vector<1x16xf32>
          tpu.vector_store %arg19[%swap3A_253, %swap3A_254], %swap3A_257 {strides = array<i32>} : memref<16x768xf32, #tpu.memory_space<vmem>>, vector<1x16xf32>,
          %get3A_258 = arith.constant 4 : i32
          %get3A_259 = arith.index_cast %get3A_258 : i32 to index
          %get3A_260 = arith.index_cast %mul3A_168 : i32 to index
          %get3A_261 = tpu.vector_load %arg16[%get3A_259, %get3A_260] {strides = array<i32>} : memref<16x768xf32, #tpu.memory_space<vmem>>, vector<1x16xf32>,
          %get3A_262 = vector.shape_cast %get3A_261 : vector<1x16xf32> to vector<16xf32>
          %get3A_263 = arith.constant 4 : i32
          %get3A_264 = arith.index_cast %get3A_263 : i32 to index
          %get3A_265 = arith.index_cast %mul3A_168 : i32 to index
          %get3A_266 = tpu.vector_load %arg13[%get3A_264, %get3A_265] {strides = array<i32>} : memref<16x768xf32, #tpu.memory_space<vmem>>, vector<1x16xf32>,
          %get3A_267 = vector.shape_cast %get3A_266 : vector<1x16xf32> to vector<16xf32>
          %sub3A_268 = arith.subf %get3A_262, %get3A_267 : vector<16xf32>
          %mul3A_269 = arith.mulf %sub3A_268, %broadcast_in_dim3A_111 : vector<16xf32>
          %add3A_270 = arith.addf %mul3A_269, %get3A_171 : vector<16xf32>
          %max3A_271 = arith.constant 0.000000e+00 : f32
          %max3A_272 = vector.broadcast %max3A_271 : f32 to vector<16xf32>
          %max3A_273 = arith.maximumf %add3A_270, %max3A_272 : vector<16xf32>
          %swap3A_274 = arith.constant 4 : i32
          %swap3A_275 = arith.index_cast %swap3A_274 : i32 to index
          %swap3A_276 = arith.index_cast %mul3A_168 : i32 to index
          %swap3A_277 = tpu.vector_load %arg19[%swap3A_275, %swap3A_276] {strides = array<i32>} : memref<16x768xf32, #tpu.memory_space<vmem>>, vector<1x16xf32>,
          %swap3A_278 = vector.shape_cast %swap3A_277 : vector<1x16xf32> to vector<16xf32>
          %swap3A_279 = vector.shape_cast %max3A_273 : vector<16xf32> to vector<1x16xf32>
          tpu.vector_store %arg19[%swap3A_275, %swap3A_276], %swap3A_279 {strides = array<i32>} : memref<16x768xf32, #tpu.memory_space<vmem>>, vector<1x16xf32>,
          %get3A_280 = arith.constant 5 : i32
          %get3A_281 = arith.index_cast %get3A_280 : i32 to index
          %get3A_282 = arith.index_cast %mul3A_168 : i32 to index
          %get3A_283 = tpu.vector_load %arg16[%get3A_281, %get3A_282] {strides = array<i32>} : memref<16x768xf32, #tpu.memory_space<vmem>>, vector<1x16xf32>,
          %get3A_284 = vector.shape_cast %get3A_283 : vector<1x16xf32> to vector<16xf32>
          %get3A_285 = arith.constant 5 : i32
          %get3A_286 = arith.index_cast %get3A_285 : i32 to index
          %get3A_287 = arith.index_cast %mul3A_168 : i32 to index
          %get3A_288 = tpu.vector_load %arg13[%get3A_286, %get3A_287] {strides = array<i32>} : memref<16x768xf32, #tpu.memory_space<vmem>>, vector<1x16xf32>,
          %get3A_289 = vector.shape_cast %get3A_288 : vector<1x16xf32> to vector<16xf32>
          %sub3A_290 = arith.subf %get3A_284, %get3A_289 : vector<16xf32>
          %mul3A_291 = arith.mulf %sub3A_290, %broadcast_in_dim3A_114 : vector<16xf32>
          %add3A_292 = arith.addf %mul3A_291, %get3A_171 : vector<16xf32>
          %max3A_293 = arith.constant 0.000000e+00 : f32
          %max3A_294 = vector.broadcast %max3A_293 : f32 to vector<16xf32>
          %max3A_295 = arith.maximumf %add3A_292, %max3A_294 : vector<16xf32>
          %swap3A_296 = arith.constant 5 : i32
          %swap3A_297 = arith.index_cast %swap3A_296 : i32 to index
          %swap3A_298 = arith.index_cast %mul3A_168 : i32 to index
          %swap3A_299 = tpu.vector_load %arg19[%swap3A_297, %swap3A_298] {strides = array<i32>} : memref<16x768xf32, #tpu.memory_space<vmem>>, vector<1x16xf32>,
          %swap3A_300 = vector.shape_cast %swap3A_299 : vector<1x16xf32> to vector<16xf32>
          %swap3A_301 = vector.shape_cast %max3A_295 : vector<16xf32> to vector<1x16xf32>
          tpu.vector_store %arg19[%swap3A_297, %swap3A_298], %swap3A_301 {strides = array<i32>} : memref<16x768xf32, #tpu.memory_space<vmem>>, vector<1x16xf32>,
          %get3A_302 = arith.constant 6 : i32
          %get3A_303 = arith.index_cast %get3A_302 : i32 to index
          %get3A_304 = arith.index_cast %mul3A_168 : i32 to index
          %get3A_305 = tpu.vector_load %arg16[%get3A_303, %get3A_304] {strides = array<i32>} : memref<16x768xf32, #tpu.memory_space<vmem>>, vector<1x16xf32>,
          %get3A_306 = vector.shape_cast %get3A_305 : vector<1x16xf32> to vector<16xf32>
          %get3A_307 = arith.constant 6 : i32
          %get3A_308 = arith.index_cast %get3A_307 : i32 to index
          %get3A_309 = arith.index_cast %mul3A_168 : i32 to index
          %get3A_310 = tpu.vector_load %arg13[%get3A_308, %get3A_309] {strides = array<i32>} : memref<16x768xf32, #tpu.memory_space<vmem>>, vector<1x16xf32>,
          %get3A_311 = vector.shape_cast %get3A_310 : vector<1x16xf32> to vector<16xf32>
          %sub3A_312 = arith.subf %get3A_306, %get3A_311 : vector<16xf32>
          %mul3A_313 = arith.mulf %sub3A_312, %broadcast_in_dim3A_117 : vector<16xf32>
          %add3A_314 = arith.addf %mul3A_313, %get3A_171 : vector<16xf32>
          %max3A_315 = arith.constant 0.000000e+00 : f32
          %max3A_316 = vector.broadcast %max3A_315 : f32 to vector<16xf32>
          %max3A_317 = arith.maximumf %add3A_314, %max3A_316 : vector<16xf32>
          %swap3A_318 = arith.constant 6 : i32
          %swap3A_319 = arith.index_cast %swap3A_318 : i32 to index
          %swap3A_320 = arith.index_cast %mul3A_168 : i32 to index
          %swap3A_321 = tpu.vector_load %arg19[%swap3A_319, %swap3A_320] {strides = array<i32>} : memref<16x768xf32, #tpu.memory_space<vmem>>, vector<1x16xf32>,
          %swap3A_322 = vector.shape_cast %swap3A_321 : vector<1x16xf32> to vector<16xf32>
          %swap3A_323 = vector.shape_cast %max3A_317 : vector<16xf32> to vector<1x16xf32>
          tpu.vector_store %arg19[%swap3A_319, %swap3A_320], %swap3A_323 {strides = array<i32>} : memref<16x768xf32, #tpu.memory_space<vmem>>, vector<1x16xf32>,
          %get3A_324 = arith.constant 7 : i32
          %get3A_325 = arith.index_cast %get3A_324 : i32 to index
          %get3A_326 = arith.index_cast %mul3A_168 : i32 to index
          %get3A_327 = tpu.vector_load %arg16[%get3A_325, %get3A_326] {strides = array<i32>} : memref<16x768xf32, #tpu.memory_space<vmem>>, vector<1x16xf32>,
          %get3A_328 = vector.shape_cast %get3A_327 : vector<1x16xf32> to vector<16xf32>
          %get3A_329 = arith.constant 7 : i32
          %get3A_330 = arith.index_cast %get3A_329 : i32 to index
          %get3A_331 = arith.index_cast %mul3A_168 : i32 to index
          %get3A_332 = tpu.vector_load %arg13[%get3A_330, %get3A_331] {strides = array<i32>} : memref<16x768xf32, #tpu.memory_space<vmem>>, vector<1x16xf32>,
          %get3A_333 = vector.shape_cast %get3A_332 : vector<1x16xf32> to vector<16xf32>
          %sub3A_334 = arith.subf %get3A_328, %get3A_333 : vector<16xf32>
          %mul3A_335 = arith.mulf %sub3A_334, %broadcast_in_dim3A_120 : vector<16xf32>
          %add3A_336 = arith.addf %mul3A_335, %get3A_171 : vector<16xf32>
          %max3A_337 = arith.constant 0.000000e+00 : f32
          %max3A_338 = vector.broadcast %max3A_337 : f32 to vector<16xf32>
          %max3A_339 = arith.maximumf %add3A_336, %max3A_338 : vector<16xf32>
          %swap3A_340 = arith.constant 7 : i32
          %swap3A_341 = arith.index_cast %swap3A_340 : i32 to index
          %swap3A_342 = arith.index_cast %mul3A_168 : i32 to index
          %swap3A_343 = tpu.vector_load %arg19[%swap3A_341, %swap3A_342] {strides = array<i32>} : memref<16x768xf32, #tpu.memory_space<vmem>>, vector<1x16xf32>,
          %swap3A_344 = vector.shape_cast %swap3A_343 : vector<1x16xf32> to vector<16xf32>
          %swap3A_345 = vector.shape_cast %max3A_339 : vector<16xf32> to vector<1x16xf32>
          tpu.vector_store %arg19[%swap3A_341, %swap3A_342], %swap3A_345 {strides = array<i32>} : memref<16x768xf32, #tpu.memory_space<vmem>>, vector<1x16xf32>,
          %get3A_346 = arith.constant 8 : i32
          %get3A_347 = arith.index_cast %get3A_346 : i32 to index
          %get3A_348 = arith.index_cast %mul3A_168 : i32 to index
          %get3A_349 = tpu.vector_load %arg16[%get3A_347, %get3A_348] {strides = array<i32>} : memref<16x768xf32, #tpu.memory_space<vmem>>, vector<1x16xf32>,
          %get3A_350 = vector.shape_cast %get3A_349 : vector<1x16xf32> to vector<16xf32>
          %get3A_351 = arith.constant 8 : i32
          %get3A_352 = arith.index_cast %get3A_351 : i32 to index
          %get3A_353 = arith.index_cast %mul3A_168 : i32 to index
          %get3A_354 = tpu.vector_load %arg13[%get3A_352, %get3A_353] {strides = array<i32>} : memref<16x768xf32, #tpu.memory_space<vmem>>, vector<1x16xf32>,
          %get3A_355 = vector.shape_cast %get3A_354 : vector<1x16xf32> to vector<16xf32>
          %sub3A_356 = arith.subf %get3A_350, %get3A_355 : vector<16xf32>
          %mul3A_357 = arith.mulf %sub3A_356, %broadcast_in_dim3A_123 : vector<16xf32>
          %add3A_358 = arith.addf %mul3A_357, %get3A_171 : vector<16xf32>
          %max3A_359 = arith.constant 0.000000e+00 : f32
          %max3A_360 = vector.broadcast %max3A_359 : f32 to vector<16xf32>
          %max3A_361 = arith.maximumf %add3A_358, %max3A_360 : vector<16xf32>
          %swap3A_362 = arith.constant 8 : i32
          %swap3A_363 = arith.index_cast %swap3A_362 : i32 to index
          %swap3A_364 = arith.index_cast %mul3A_168 : i32 to index
          %swap3A_365 = tpu.vector_load %arg19[%swap3A_363, %swap3A_364] {strides = array<i32>} : memref<16x768xf32, #tpu.memory_space<vmem>>, vector<1x16xf32>,
          %swap3A_366 = vector.shape_cast %swap3A_365 : vector<1x16xf32> to vector<16xf32>
          %swap3A_367 = vector.shape_cast %max3A_361 : vector<16xf32> to vector<1x16xf32>
          tpu.vector_store %arg19[%swap3A_363, %swap3A_364], %swap3A_367 {strides = array<i32>} : memref<16x768xf32, #tpu.memory_space<vmem>>, vector<1x16xf32>,
          %get3A_368 = arith.constant 9 : i32
          %get3A_369 = arith.index_cast %get3A_368 : i32 to index
          %get3A_370 = arith.index_cast %mul3A_168 : i32 to index
          %get3A_371 = tpu.vector_load %arg16[%get3A_369, %get3A_370] {strides = array<i32>} : memref<16x768xf32, #tpu.memory_space<vmem>>, vector<1x16xf32>,
          %get3A_372 = vector.shape_cast %get3A_371 : vector<1x16xf32> to vector<16xf32>
          %get3A_373 = arith.constant 9 : i32
          %get3A_374 = arith.index_cast %get3A_373 : i32 to index
          %get3A_375 = arith.index_cast %mul3A_168 : i32 to index
          %get3A_376 = tpu.vector_load %arg13[%get3A_374, %get3A_375] {strides = array<i32>} : memref<16x768xf32, #tpu.memory_space<vmem>>, vector<1x16xf32>,
          %get3A_377 = vector.shape_cast %get3A_376 : vector<1x16xf32> to vector<16xf32>
          %sub3A_378 = arith.subf %get3A_372, %get3A_377 : vector<16xf32>
          %mul3A_379 = arith.mulf %sub3A_378, %broadcast_in_dim3A_126 : vector<16xf32>
          %add3A_380 = arith.addf %mul3A_379, %get3A_171 : vector<16xf32>
          %max3A_381 = arith.constant 0.000000e+00 : f32
          %max3A_382 = vector.broadcast %max3A_381 : f32 to vector<16xf32>
          %max3A_383 = arith.maximumf %add3A_380, %max3A_382 : vector<16xf32>
          %swap3A_384 = arith.constant 9 : i32
          %swap3A_385 = arith.index_cast %swap3A_384 : i32 to index
          %swap3A_386 = arith.index_cast %mul3A_168 : i32 to index
          %swap3A_387 = tpu.vector_load %arg19[%swap3A_385, %swap3A_386] {strides = array<i32>} : memref<16x768xf32, #tpu.memory_space<vmem>>, vector<1x16xf32>,
          %swap3A_388 = vector.shape_cast %swap3A_387 : vector<1x16xf32> to vector<16xf32>
          %swap3A_389 = vector.shape_cast %max3A_383 : vector<16xf32> to vector<1x16xf32>
          tpu.vector_store %arg19[%swap3A_385, %swap3A_386], %swap3A_389 {strides = array<i32>} : memref<16x768xf32, #tpu.memory_space<vmem>>, vector<1x16xf32>,
          %get3A_390 = arith.constant 10 : i32
          %get3A_391 = arith.index_cast %get3A_390 : i32 to index
          %get3A_392 = arith.index_cast %mul3A_168 : i32 to index
          %get3A_393 = tpu.vector_load %arg16[%get3A_391, %get3A_392] {strides = array<i32>} : memref<16x768xf32, #tpu.memory_space<vmem>>, vector<1x16xf32>,
          %get3A_394 = vector.shape_cast %get3A_393 : vector<1x16xf32> to vector<16xf32>
          %get3A_395 = arith.constant 10 : i32
          %get3A_396 = arith.index_cast %get3A_395 : i32 to index
          %get3A_397 = arith.index_cast %mul3A_168 : i32 to index
          %get3A_398 = tpu.vector_load %arg13[%get3A_396, %get3A_397] {strides = array<i32>} : memref<16x768xf32, #tpu.memory_space<vmem>>, vector<1x16xf32>,
          %get3A_399 = vector.shape_cast %get3A_398 : vector<1x16xf32> to vector<16xf32>
          %sub3A_400 = arith.subf %get3A_394, %get3A_399 : vector<16xf32>
          %mul3A_401 = arith.mulf %sub3A_400, %broadcast_in_dim3A_129 : vector<16xf32>
          %add3A_402 = arith.addf %mul3A_401, %get3A_171 : vector<16xf32>
          %max3A_403 = arith.constant 0.000000e+00 : f32
          %max3A_404 = vector.broadcast %max3A_403 : f32 to vector<16xf32>
          %max3A_405 = arith.maximumf %add3A_402, %max3A_404 : vector<16xf32>
          %swap3A_406 = arith.constant 10 : i32
          %swap3A_407 = arith.index_cast %swap3A_406 : i32 to index
          %swap3A_408 = arith.index_cast %mul3A_168 : i32 to index
          %swap3A_409 = tpu.vector_load %arg19[%swap3A_407, %swap3A_408] {strides = array<i32>} : memref<16x768xf32, #tpu.memory_space<vmem>>, vector<1x16xf32>,
          %swap3A_410 = vector.shape_cast %swap3A_409 : vector<1x16xf32> to vector<16xf32>
          %swap3A_411 = vector.shape_cast %max3A_405 : vector<16xf32> to vector<1x16xf32>
          tpu.vector_store %arg19[%swap3A_407, %swap3A_408], %swap3A_411 {strides = array<i32>} : memref<16x768xf32, #tpu.memory_space<vmem>>, vector<1x16xf32>,
          %get3A_412 = arith.constant 11 : i32
          %get3A_413 = arith.index_cast %get3A_412 : i32 to index
          %get3A_414 = arith.index_cast %mul3A_168 : i32 to index
          %get3A_415 = tpu.vector_load %arg16[%get3A_413, %get3A_414] {strides = array<i32>} : memref<16x768xf32, #tpu.memory_space<vmem>>, vector<1x16xf32>,
          %get3A_416 = vector.shape_cast %get3A_415 : vector<1x16xf32> to vector<16xf32>
          %get3A_417 = arith.constant 11 : i32
          %get3A_418 = arith.index_cast %get3A_417 : i32 to index
          %get3A_419 = arith.index_cast %mul3A_168 : i32 to index
          %get3A_420 = tpu.vector_load %arg13[%get3A_418, %get3A_419] {strides = array<i32>} : memref<16x768xf32, #tpu.memory_space<vmem>>, vector<1x16xf32>,
          %get3A_421 = vector.shape_cast %get3A_420 : vector<1x16xf32> to vector<16xf32>
          %sub3A_422 = arith.subf %get3A_416, %get3A_421 : vector<16xf32>
          %mul3A_423 = arith.mulf %sub3A_422, %broadcast_in_dim3A_132 : vector<16xf32>
          %add3A_424 = arith.addf %mul3A_423, %get3A_171 : vector<16xf32>
          %max3A_425 = arith.constant 0.000000e+00 : f32
          %max3A_426 = vector.broadcast %max3A_425 : f32 to vector<16xf32>
          %max3A_427 = arith.maximumf %add3A_424, %max3A_426 : vector<16xf32>
          %swap3A_428 = arith.constant 11 : i32
          %swap3A_429 = arith.index_cast %swap3A_428 : i32 to index
          %swap3A_430 = arith.index_cast %mul3A_168 : i32 to index
          %swap3A_431 = tpu.vector_load %arg19[%swap3A_429, %swap3A_430] {strides = array<i32>} : memref<16x768xf32, #tpu.memory_space<vmem>>, vector<1x16xf32>,
          %swap3A_432 = vector.shape_cast %swap3A_431 : vector<1x16xf32> to vector<16xf32>
          %swap3A_433 = vector.shape_cast %max3A_427 : vector<16xf32> to vector<1x16xf32>
          tpu.vector_store %arg19[%swap3A_429, %swap3A_430], %swap3A_433 {strides = array<i32>} : memref<16x768xf32, #tpu.memory_space<vmem>>, vector<1x16xf32>,
          %get3A_434 = arith.constant 12 : i32
          %get3A_435 = arith.index_cast %get3A_434 : i32 to index
          %get3A_436 = arith.index_cast %mul3A_168 : i32 to index
          %get3A_437 = tpu.vector_load %arg16[%get3A_435, %get3A_436] {strides = array<i32>} : memref<16x768xf32, #tpu.memory_space<vmem>>, vector<1x16xf32>,
          %get3A_438 = vector.shape_cast %get3A_437 : vector<1x16xf32> to vector<16xf32>
          %get3A_439 = arith.constant 12 : i32
          %get3A_440 = arith.index_cast %get3A_439 : i32 to index
          %get3A_441 = arith.index_cast %mul3A_168 : i32 to index
          %get3A_442 = tpu.vector_load %arg13[%get3A_440, %get3A_441] {strides = array<i32>} : memref<16x768xf32, #tpu.memory_space<vmem>>, vector<1x16xf32>,
          %get3A_443 = vector.shape_cast %get3A_442 : vector<1x16xf32> to vector<16xf32>
          %sub3A_444 = arith.subf %get3A_438, %get3A_443 : vector<16xf32>
          %mul3A_445 = arith.mulf %sub3A_444, %broadcast_in_dim3A_135 : vector<16xf32>
          %add3A_446 = arith.addf %mul3A_445, %get3A_171 : vector<16xf32>
          %max3A_447 = arith.constant 0.000000e+00 : f32
          %max3A_448 = vector.broadcast %max3A_447 : f32 to vector<16xf32>
          %max3A_449 = arith.maximumf %add3A_446, %max3A_448 : vector<16xf32>
          %swap3A_450 = arith.constant 12 : i32
          %swap3A_451 = arith.index_cast %swap3A_450 : i32 to index
          %swap3A_452 = arith.index_cast %mul3A_168 : i32 to index
          %swap3A_453 = tpu.vector_load %arg19[%swap3A_451, %swap3A_452] {strides = array<i32>} : memref<16x768xf32, #tpu.memory_space<vmem>>, vector<1x16xf32>,
          %swap3A_454 = vector.shape_cast %swap3A_453 : vector<1x16xf32> to vector<16xf32>
          %swap3A_455 = vector.shape_cast %max3A_449 : vector<16xf32> to vector<1x16xf32>
          tpu.vector_store %arg19[%swap3A_451, %swap3A_452], %swap3A_455 {strides = array<i32>} : memref<16x768xf32, #tpu.memory_space<vmem>>, vector<1x16xf32>,
          %get3A_456 = arith.constant 13 : i32
          %get3A_457 = arith.index_cast %get3A_456 : i32 to index
          %get3A_458 = arith.index_cast %mul3A_168 : i32 to index
          %get3A_459 = tpu.vector_load %arg16[%get3A_457, %get3A_458] {strides = array<i32>} : memref<16x768xf32, #tpu.memory_space<vmem>>, vector<1x16xf32>,
          %get3A_460 = vector.shape_cast %get3A_459 : vector<1x16xf32> to vector<16xf32>
          %get3A_461 = arith.constant 13 : i32
          %get3A_462 = arith.index_cast %get3A_461 : i32 to index
          %get3A_463 = arith.index_cast %mul3A_168 : i32 to index
          %get3A_464 = tpu.vector_load %arg13[%get3A_462, %get3A_463] {strides = array<i32>} : memref<16x768xf32, #tpu.memory_space<vmem>>, vector<1x16xf32>,
          %get3A_465 = vector.shape_cast %get3A_464 : vector<1x16xf32> to vector<16xf32>
          %sub3A_466 = arith.subf %get3A_460, %get3A_465 : vector<16xf32>
          %mul3A_467 = arith.mulf %sub3A_466, %broadcast_in_dim3A_138 : vector<16xf32>
          %add3A_468 = arith.addf %mul3A_467, %get3A_171 : vector<16xf32>
          %max3A_469 = arith.constant 0.000000e+00 : f32
          %max3A_470 = vector.broadcast %max3A_469 : f32 to vector<16xf32>
          %max3A_471 = arith.maximumf %add3A_468, %max3A_470 : vector<16xf32>
          %swap3A_472 = arith.constant 13 : i32
          %swap3A_473 = arith.index_cast %swap3A_472 : i32 to index
          %swap3A_474 = arith.index_cast %mul3A_168 : i32 to index
          %swap3A_475 = tpu.vector_load %arg19[%swap3A_473, %swap3A_474] {strides = array<i32>} : memref<16x768xf32, #tpu.memory_space<vmem>>, vector<1x16xf32>,
          %swap3A_476 = vector.shape_cast %swap3A_475 : vector<1x16xf32> to vector<16xf32>
          %swap3A_477 = vector.shape_cast %max3A_471 : vector<16xf32> to vector<1x16xf32>
          tpu.vector_store %arg19[%swap3A_473, %swap3A_474], %swap3A_477 {strides = array<i32>} : memref<16x768xf32, #tpu.memory_space<vmem>>, vector<1x16xf32>,
          %get3A_478 = arith.constant 14 : i32
          %get3A_479 = arith.index_cast %get3A_478 : i32 to index
          %get3A_480 = arith.index_cast %mul3A_168 : i32 to index
          %get3A_481 = tpu.vector_load %arg16[%get3A_479, %get3A_480] {strides = array<i32>} : memref<16x768xf32, #tpu.memory_space<vmem>>, vector<1x16xf32>,
          %get3A_482 = vector.shape_cast %get3A_481 : vector<1x16xf32> to vector<16xf32>
          %get3A_483 = arith.constant 14 : i32
          %get3A_484 = arith.index_cast %get3A_483 : i32 to index
          %get3A_485 = arith.index_cast %mul3A_168 : i32 to index
          %get3A_486 = tpu.vector_load %arg13[%get3A_484, %get3A_485] {strides = array<i32>} : memref<16x768xf32, #tpu.memory_space<vmem>>, vector<1x16xf32>,
          %get3A_487 = vector.shape_cast %get3A_486 : vector<1x16xf32> to vector<16xf32>
          %sub3A_488 = arith.subf %get3A_482, %get3A_487 : vector<16xf32>
          %mul3A_489 = arith.mulf %sub3A_488, %broadcast_in_dim3A_141 : vector<16xf32>
          %add3A_490 = arith.addf %mul3A_489, %get3A_171 : vector<16xf32>
          %max3A_491 = arith.constant 0.000000e+00 : f32
          %max3A_492 = vector.broadcast %max3A_491 : f32 to vector<16xf32>
          %max3A_493 = arith.maximumf %add3A_490, %max3A_492 : vector<16xf32>
          %swap3A_494 = arith.constant 14 : i32
          %swap3A_495 = arith.index_cast %swap3A_494 : i32 to index
          %swap3A_496 = arith.index_cast %mul3A_168 : i32 to index
          %swap3A_497 = tpu.vector_load %arg19[%swap3A_495, %swap3A_496] {strides = array<i32>} : memref<16x768xf32, #tpu.memory_space<vmem>>, vector<1x16xf32>,
          %swap3A_498 = vector.shape_cast %swap3A_497 : vector<1x16xf32> to vector<16xf32>
          %swap3A_499 = vector.shape_cast %max3A_493 : vector<16xf32> to vector<1x16xf32>
          tpu.vector_store %arg19[%swap3A_495, %swap3A_496], %swap3A_499 {strides = array<i32>} : memref<16x768xf32, #tpu.memory_space<vmem>>, vector<1x16xf32>,
          %get3A_500 = arith.constant 15 : i32
          %get3A_501 = arith.index_cast %get3A_500 : i32 to index
          %get3A_502 = arith.index_cast %mul3A_168 : i32 to index
          %get3A_503 = tpu.vector_load %arg16[%get3A_501, %get3A_502] {strides = array<i32>} : memref<16x768xf32, #tpu.memory_space<vmem>>, vector<1x16xf32>,
          %get3A_504 = vector.shape_cast %get3A_503 : vector<1x16xf32> to vector<16xf32>
          %get3A_505 = arith.constant 15 : i32
          %get3A_506 = arith.index_cast %get3A_505 : i32 to index
          %get3A_507 = arith.index_cast %mul3A_168 : i32 to index
          %get3A_508 = tpu.vector_load %arg13[%get3A_506, %get3A_507] {strides = array<i32>} : memref<16x768xf32, #tpu.memory_space<vmem>>, vector<1x16xf32>,
          %get3A_509 = vector.shape_cast %get3A_508 : vector<1x16xf32> to vector<16xf32>
          %sub3A_510 = arith.subf %get3A_504, %get3A_509 : vector<16xf32>
          %mul3A_511 = arith.mulf %sub3A_510, %broadcast_in_dim3A_144 : vector<16xf32>
          %add3A_512 = arith.addf %mul3A_511, %get3A_171 : vector<16xf32>
          %max3A_513 = arith.constant 0.000000e+00 : f32
          %max3A_514 = vector.broadcast %max3A_513 : f32 to vector<16xf32>
          %max3A_515 = arith.maximumf %add3A_512, %max3A_514 : vector<16xf32>
          %swap3A_516 = arith.constant 15 : i32
          %swap3A_517 = arith.index_cast %swap3A_516 : i32 to index
          %swap3A_518 = arith.index_cast %mul3A_168 : i32 to index
          %swap3A_519 = tpu.vector_load %arg19[%swap3A_517, %swap3A_518] {strides = array<i32>} : memref<16x768xf32, #tpu.memory_space<vmem>>, vector<1x16xf32>,
          %swap3A_520 = vector.shape_cast %swap3A_519 : vector<1x16xf32> to vector<16xf32>
          %swap3A_521 = vector.shape_cast %max3A_515 : vector<16xf32> to vector<1x16xf32>
          tpu.vector_store %arg19[%swap3A_517, %swap3A_518], %swap3A_521 {strides = array<i32>} : memref<16x768xf32, #tpu.memory_space<vmem>>, vector<1x16xf32>,
        }
        %scan3A_150 = arith.constant 48 : i32
        %iota3A = tpu.iota {dimensions = array<i32: 0>} : vector<16xi32>
        %mul3A_151 = arith.constant 2 : i32
        %mul3A_152 = vector.broadcast %mul3A_151 : i32 to vector<16xi32>
        %mul3A_153 = arith.muli %mul3A_152, %iota3A : vector<16xi32>
        %rem3A = arith.constant 4 : i32
        %rem3A_154 = vector.broadcast %rem3A : i32 to vector<16xi32>
        %rem3A_155 = arith.remsi %iota3A, %rem3A_154 : vector<16xi32>
        %sub3A = arith.subi %mul3A_153, %rem3A_155 : vector<16xi32>
        %mul3A_156 = arith.constant 16 : i32
        %mul3A_157 = arith.muli %add3A_57, %mul3A_156 : i32
        %add3A_158 = arith.addi %mul3A_2, %mul3A_157 : i32
        %mul3A_159 = arith.constant 2 : i32
        %mul3A_160 = arith.muli %mul3A_159, %add3A_158 : i32
        %add3A_161 = vector.broadcast %mul3A_160 : i32 to vector<16xi32>
        %add3A_162 = arith.addi %sub3A, %add3A_161 : vector<16xi32>
        %dma_start3A_163 = arith.constant 0 : i32
        %dma_start3A_164 = arith.constant 0 : i32
        %dma_start3A_165 = tpu.memref_slice %arg7[%dma_start3A_163, %dma_start3A_164] : memref<65536x768xf32, #tpu.memory_space<hbm>> -> memref<65536x768xf32, #tpu.memory_space<hbm>>
        tpu.enqueue_indirect_dma source(%arg19 : memref<16x768xf32, #tpu.memory_space<vmem>>) target(%dma_start3A_165 : memref<65536x768xf32, #tpu.memory_space<hbm>>) offsets(%add3A_162 : vector<16xi32>) semaphore(%arg28 : memref<!tpu.dma_semaphore, #tpu.memory_space<semaphore_mem>>)
      } else {
      }
      %mul3A_63 = arith.constant 3 : i32
      %mul3A_64 = arith.muli %mul3A_63, %scan3A_47 : i32
      %add3A_65 = arith.constant 2 : i32
      %add3A_66 = arith.addi %mul3A_64, %add3A_65 : i32
      %lt3A_67 = arith.constant 64 : i32
      %lt3A_68 = arith.cmpi slt, %add3A_66, %lt3A_67 : i32
      %convert_element_type3A_69 = arith.extui %lt3A_68 : i1 to i32
      %cond3A_70 = arith.constant 0 : i32
      %cond3A_71 = arith.cmpi ne, %convert_element_type3A_69, %cond3A_70 : i32
      scf.if %cond3A_71 {
        %add3A_72 = arith.constant 2 : i32
        %add3A_73 = arith.addi %add3A_66, %add3A_72 : i32
        %lt3A_74 = arith.constant 64 : i32
        %lt3A_75 = arith.cmpi slt, %add3A_73, %lt3A_74 : i32
        %convert_element_type3A_76 = arith.extui %lt3A_75 : i1 to i32
        %cond3A_77 = arith.constant 0 : i32
        %cond3A_78 = arith.cmpi ne, %convert_element_type3A_76, %cond3A_77 : i32
        scf.if %cond3A_78 {
          %add3A_166 = arith.constant 2 : i32
          %add3A_167 = arith.addi %add3A_66, %add3A_166 : i32
          %mul3A_168 = arith.constant 16 : i32
          %mul3A_169 = arith.muli %add3A_167, %mul3A_168 : i32
          %get3A_170 = arith.index_cast %mul3A_169 : i32 to index
          %get3A_171 = tpu.vector_load %arg8[%get3A_170] {strides = array<i32>} : memref<1024xi32, #tpu.memory_space<vmem>>, vector<16xi32>,
          %get3A_172 = vector.shape_cast %get3A_171 : vector<16xi32> to vector<16xi32>
          %dma_start3A_173 = arith.constant 0 : i32
          %dma_start3A_174 = arith.constant 0 : i32
          %dma_start3A_175 = tpu.memref_slice %arg2[%dma_start3A_173, %dma_start3A_174] : memref<8224x768xf32, #tpu.memory_space<hbm>> -> memref<8224x768xf32, #tpu.memory_space<hbm>>
          tpu.enqueue_indirect_dma source(%dma_start3A_175 : memref<8224x768xf32, #tpu.memory_space<hbm>>) target(%arg13 : memref<16x768xf32, #tpu.memory_space<vmem>>) offsets(%get3A_172 : vector<16xi32>) semaphore(%arg22 : memref<!tpu.dma_semaphore, #tpu.memory_space<semaphore_mem>>)
          %get3A_176 = arith.index_cast %mul3A_169 : i32 to index
          %get3A_177 = tpu.vector_load %arg9[%get3A_176] {strides = array<i32>} : memref<1024xi32, #tpu.memory_space<vmem>>, vector<16xi32>,
          %get3A_178 = vector.shape_cast %get3A_177 : vector<16xi32> to vector<16xi32>
          %dma_start3A_179 = arith.constant 0 : i32
          %dma_start3A_180 = arith.constant 0 : i32
          %dma_start3A_181 = tpu.memref_slice %arg2[%dma_start3A_179, %dma_start3A_180] : memref<8224x768xf32, #tpu.memory_space<hbm>> -> memref<8224x768xf32, #tpu.memory_space<hbm>>
          tpu.enqueue_indirect_dma source(%dma_start3A_181 : memref<8224x768xf32, #tpu.memory_space<hbm>>) target(%arg16 : memref<16x768xf32, #tpu.memory_space<vmem>>) offsets(%get3A_178 : vector<16xi32>) semaphore(%arg25 : memref<!tpu.dma_semaphore, #tpu.memory_space<semaphore_mem>>)
        } else {
        }
        %dma_wait3A_79 = arith.constant 0 : i32
        %dma_wait3A_80 = arith.constant 0 : i32
        %dma_wait3A_81 = tpu.memref_slice %arg2[%dma_wait3A_79, %dma_wait3A_80] : memref<8224x768xf32, #tpu.memory_space<hbm>> -> memref<16x768xf32, #tpu.memory_space<hbm>>
        %dma_wait3A_82 = arith.constant 0 : i32
        %dma_wait3A_83 = arith.constant 0 : i32
        %dma_wait3A_84 = tpu.memref_slice %arg2[%dma_wait3A_82, %dma_wait3A_83] : memref<8224x768xf32, #tpu.memory_space<hbm>> -> memref<16x768xf32, #tpu.memory_space<hbm>>
        tpu.wait_dma2 semaphore(%arg23 : memref<!tpu.dma_semaphore, #tpu.memory_space<semaphore_mem>>) src(%dma_wait3A_84 : memref<16x768xf32, #tpu.memory_space<hbm>>) dst(%arg14 : memref<16x768xf32, #tpu.memory_space<vmem>>)
        %dma_wait3A_85 = arith.constant 0 : i32
        %dma_wait3A_86 = arith.constant 0 : i32
        %dma_wait3A_87 = tpu.memref_slice %arg2[%dma_wait3A_85, %dma_wait3A_86] : memref<8224x768xf32, #tpu.memory_space<hbm>> -> memref<16x768xf32, #tpu.memory_space<hbm>>
        %dma_wait3A_88 = arith.constant 0 : i32
        %dma_wait3A_89 = arith.constant 0 : i32
        %dma_wait3A_90 = tpu.memref_slice %arg2[%dma_wait3A_88, %dma_wait3A_89] : memref<8224x768xf32, #tpu.memory_space<hbm>> -> memref<16x768xf32, #tpu.memory_space<hbm>>
        tpu.wait_dma2 semaphore(%arg26 : memref<!tpu.dma_semaphore, #tpu.memory_space<semaphore_mem>>) src(%dma_wait3A_90 : memref<16x768xf32, #tpu.memory_space<hbm>>) dst(%arg17 : memref<16x768xf32, #tpu.memory_space<vmem>>)
        %ge3A = arith.constant 3 : i32
        %ge3A_91 = arith.cmpi sge, %add3A_66, %ge3A : i32
        %convert_element_type3A_92 = arith.extui %ge3A_91 : i1 to i32
        %cond3A_93 = arith.constant 0 : i32
        %cond3A_94 = arith.cmpi ne, %convert_element_type3A_92, %cond3A_93 : i32
        scf.if %cond3A_94 {
          %dma_wait3A_166 = arith.constant 0 : i32
          %dma_wait3A_167 = arith.constant 0 : i32
          %dma_wait3A_168 = tpu.memref_slice %arg7[%dma_wait3A_166, %dma_wait3A_167] : memref<65536x768xf32, #tpu.memory_space<hbm>> -> memref<16x768xf32, #tpu.memory_space<hbm>>
          %dma_wait3A_169 = arith.constant 0 : i32
          %dma_wait3A_170 = arith.constant 0 : i32
          %dma_wait3A_171 = tpu.memref_slice %arg7[%dma_wait3A_169, %dma_wait3A_170] : memref<65536x768xf32, #tpu.memory_space<hbm>> -> memref<16x768xf32, #tpu.memory_space<hbm>>
          tpu.wait_dma2 semaphore(%arg29 : memref<!tpu.dma_semaphore, #tpu.memory_space<semaphore_mem>>) src(%arg20 : memref<16x768xf32, #tpu.memory_space<vmem>>) dst(%dma_wait3A_171 : memref<16x768xf32, #tpu.memory_space<hbm>>)
        } else {
        }
        %mul3A_95 = arith.constant 16 : i32
        %mul3A_96 = arith.muli %add3A_66, %mul3A_95 : i32
        %get3A_97 = arith.index_cast %mul3A_96 : i32 to index
        %get3A_98 = tpu.vector_load %arg10[%get3A_97] {strides = array<i32>} : memref<1024xf32, #tpu.memory_space<vmem>>, vector<16xf32>,
        %get3A_99 = vector.shape_cast %get3A_98 : vector<16xf32> to vector<16xf32>
        %slice3A = vector.extract_strided_slice %get3A_99 {offsets = [0], sizes = [1], strides = [1]} : vector<16xf32> to vector<1xf32>
        %squeeze3A = vector.extract %slice3A[0] : f32 from vector<1xf32>
        %broadcast_in_dim3A = vector.broadcast %squeeze3A : f32 to vector<16xf32>
        %slice3A_100 = vector.extract_strided_slice %get3A_99 {offsets = [1], sizes = [1], strides = [1]} : vector<16xf32> to vector<1xf32>
        %squeeze3A_101 = vector.extract %slice3A_100[0] : f32 from vector<1xf32>
        %broadcast_in_dim3A_102 = vector.broadcast %squeeze3A_101 : f32 to vector<16xf32>
        %slice3A_103 = vector.extract_strided_slice %get3A_99 {offsets = [2], sizes = [1], strides = [1]} : vector<16xf32> to vector<1xf32>
        %squeeze3A_104 = vector.extract %slice3A_103[0] : f32 from vector<1xf32>
        %broadcast_in_dim3A_105 = vector.broadcast %squeeze3A_104 : f32 to vector<16xf32>
        %slice3A_106 = vector.extract_strided_slice %get3A_99 {offsets = [3], sizes = [1], strides = [1]} : vector<16xf32> to vector<1xf32>
        %squeeze3A_107 = vector.extract %slice3A_106[0] : f32 from vector<1xf32>
        %broadcast_in_dim3A_108 = vector.broadcast %squeeze3A_107 : f32 to vector<16xf32>
        %slice3A_109 = vector.extract_strided_slice %get3A_99 {offsets = [4], sizes = [1], strides = [1]} : vector<16xf32> to vector<1xf32>
        %squeeze3A_110 = vector.extract %slice3A_109[0] : f32 from vector<1xf32>
        %broadcast_in_dim3A_111 = vector.broadcast %squeeze3A_110 : f32 to vector<16xf32>
        %slice3A_112 = vector.extract_strided_slice %get3A_99 {offsets = [5], sizes = [1], strides = [1]} : vector<16xf32> to vector<1xf32>
        %squeeze3A_113 = vector.extract %slice3A_112[0] : f32 from vector<1xf32>
        %broadcast_in_dim3A_114 = vector.broadcast %squeeze3A_113 : f32 to vector<16xf32>
        %slice3A_115 = vector.extract_strided_slice %get3A_99 {offsets = [6], sizes = [1], strides = [1]} : vector<16xf32> to vector<1xf32>
        %squeeze3A_116 = vector.extract %slice3A_115[0] : f32 from vector<1xf32>
        %broadcast_in_dim3A_117 = vector.broadcast %squeeze3A_116 : f32 to vector<16xf32>
        %slice3A_118 = vector.extract_strided_slice %get3A_99 {offsets = [7], sizes = [1], strides = [1]} : vector<16xf32> to vector<1xf32>
        %squeeze3A_119 = vector.extract %slice3A_118[0] : f32 from vector<1xf32>
        %broadcast_in_dim3A_120 = vector.broadcast %squeeze3A_119 : f32 to vector<16xf32>
        %slice3A_121 = vector.extract_strided_slice %get3A_99 {offsets = [8], sizes = [1], strides = [1]} : vector<16xf32> to vector<1xf32>
        %squeeze3A_122 = vector.extract %slice3A_121[0] : f32 from vector<1xf32>
        %broadcast_in_dim3A_123 = vector.broadcast %squeeze3A_122 : f32 to vector<16xf32>
        %slice3A_124 = vector.extract_strided_slice %get3A_99 {offsets = [9], sizes = [1], strides = [1]} : vector<16xf32> to vector<1xf32>
        %squeeze3A_125 = vector.extract %slice3A_124[0] : f32 from vector<1xf32>
        %broadcast_in_dim3A_126 = vector.broadcast %squeeze3A_125 : f32 to vector<16xf32>
        %slice3A_127 = vector.extract_strided_slice %get3A_99 {offsets = [10], sizes = [1], strides = [1]} : vector<16xf32> to vector<1xf32>
        %squeeze3A_128 = vector.extract %slice3A_127[0] : f32 from vector<1xf32>
        %broadcast_in_dim3A_129 = vector.broadcast %squeeze3A_128 : f32 to vector<16xf32>
        %slice3A_130 = vector.extract_strided_slice %get3A_99 {offsets = [11], sizes = [1], strides = [1]} : vector<16xf32> to vector<1xf32>
        %squeeze3A_131 = vector.extract %slice3A_130[0] : f32 from vector<1xf32>
        %broadcast_in_dim3A_132 = vector.broadcast %squeeze3A_131 : f32 to vector<16xf32>
        %slice3A_133 = vector.extract_strided_slice %get3A_99 {offsets = [12], sizes = [1], strides = [1]} : vector<16xf32> to vector<1xf32>
        %squeeze3A_134 = vector.extract %slice3A_133[0] : f32 from vector<1xf32>
        %broadcast_in_dim3A_135 = vector.broadcast %squeeze3A_134 : f32 to vector<16xf32>
        %slice3A_136 = vector.extract_strided_slice %get3A_99 {offsets = [13], sizes = [1], strides = [1]} : vector<16xf32> to vector<1xf32>
        %squeeze3A_137 = vector.extract %slice3A_136[0] : f32 from vector<1xf32>
        %broadcast_in_dim3A_138 = vector.broadcast %squeeze3A_137 : f32 to vector<16xf32>
        %slice3A_139 = vector.extract_strided_slice %get3A_99 {offsets = [14], sizes = [1], strides = [1]} : vector<16xf32> to vector<1xf32>
        %squeeze3A_140 = vector.extract %slice3A_139[0] : f32 from vector<1xf32>
        %broadcast_in_dim3A_141 = vector.broadcast %squeeze3A_140 : f32 to vector<16xf32>
        %slice3A_142 = vector.extract_strided_slice %get3A_99 {offsets = [15], sizes = [1], strides = [1]} : vector<16xf32> to vector<1xf32>
        %squeeze3A_143 = vector.extract %slice3A_142[0] : f32 from vector<1xf32>
        %broadcast_in_dim3A_144 = vector.broadcast %squeeze3A_143 : f32 to vector<16xf32>
        %scan3A_145 = arith.constant 0 : i32
        %scan3A_146 = arith.constant 0 : i32
        %scan3A_147 = arith.constant 48 : i32
        %scan3A_148 = arith.addi %scan3A_146, %scan3A_147 : i32
        %scan3A_149 = arith.constant 1 : i32
        scf.for %scan3A_166 = %scan3A_146 to %scan3A_148 step %scan3A_149  : i32 {
          %mul3A_167 = arith.constant 16 : i32
          %mul3A_168 = arith.muli %scan3A_166, %mul3A_167 : i32
          %get3A_169 = arith.index_cast %mul3A_168 : i32 to index
          %get3A_170 = tpu.vector_load %arg11[%get3A_169] {strides = array<i32>} : memref<768xf32, #tpu.memory_space<vmem>>, vector<16xf32>,
          %get3A_171 = vector.shape_cast %get3A_170 : vector<16xf32> to vector<16xf32>
          %get3A_172 = arith.constant 0 : i32
          %get3A_173 = arith.index_cast %get3A_172 : i32 to index
          %get3A_174 = arith.index_cast %mul3A_168 : i32 to index
          %get3A_175 = tpu.vector_load %arg17[%get3A_173, %get3A_174] {strides = array<i32>} : memref<16x768xf32, #tpu.memory_space<vmem>>, vector<1x16xf32>,
          %get3A_176 = vector.shape_cast %get3A_175 : vector<1x16xf32> to vector<16xf32>
          %get3A_177 = arith.constant 0 : i32
          %get3A_178 = arith.index_cast %get3A_177 : i32 to index
          %get3A_179 = arith.index_cast %mul3A_168 : i32 to index
          %get3A_180 = tpu.vector_load %arg14[%get3A_178, %get3A_179] {strides = array<i32>} : memref<16x768xf32, #tpu.memory_space<vmem>>, vector<1x16xf32>,
          %get3A_181 = vector.shape_cast %get3A_180 : vector<1x16xf32> to vector<16xf32>
          %sub3A_182 = arith.subf %get3A_176, %get3A_181 : vector<16xf32>
          %mul3A_183 = arith.mulf %sub3A_182, %broadcast_in_dim3A : vector<16xf32>
          %add3A_184 = arith.addf %mul3A_183, %get3A_171 : vector<16xf32>
          %max3A = arith.constant 0.000000e+00 : f32
          %max3A_185 = vector.broadcast %max3A : f32 to vector<16xf32>
          %max3A_186 = arith.maximumf %add3A_184, %max3A_185 : vector<16xf32>
          %swap3A = arith.constant 0 : i32
          %swap3A_187 = arith.index_cast %swap3A : i32 to index
          %swap3A_188 = arith.index_cast %mul3A_168 : i32 to index
          %swap3A_189 = tpu.vector_load %arg20[%swap3A_187, %swap3A_188] {strides = array<i32>} : memref<16x768xf32, #tpu.memory_space<vmem>>, vector<1x16xf32>,
          %swap3A_190 = vector.shape_cast %swap3A_189 : vector<1x16xf32> to vector<16xf32>
          %swap3A_191 = vector.shape_cast %max3A_186 : vector<16xf32> to vector<1x16xf32>
          tpu.vector_store %arg20[%swap3A_187, %swap3A_188], %swap3A_191 {strides = array<i32>} : memref<16x768xf32, #tpu.memory_space<vmem>>, vector<1x16xf32>,
          %get3A_192 = arith.constant 1 : i32
          %get3A_193 = arith.index_cast %get3A_192 : i32 to index
          %get3A_194 = arith.index_cast %mul3A_168 : i32 to index
          %get3A_195 = tpu.vector_load %arg17[%get3A_193, %get3A_194] {strides = array<i32>} : memref<16x768xf32, #tpu.memory_space<vmem>>, vector<1x16xf32>,
          %get3A_196 = vector.shape_cast %get3A_195 : vector<1x16xf32> to vector<16xf32>
          %get3A_197 = arith.constant 1 : i32
          %get3A_198 = arith.index_cast %get3A_197 : i32 to index
          %get3A_199 = arith.index_cast %mul3A_168 : i32 to index
          %get3A_200 = tpu.vector_load %arg14[%get3A_198, %get3A_199] {strides = array<i32>} : memref<16x768xf32, #tpu.memory_space<vmem>>, vector<1x16xf32>,
          %get3A_201 = vector.shape_cast %get3A_200 : vector<1x16xf32> to vector<16xf32>
          %sub3A_202 = arith.subf %get3A_196, %get3A_201 : vector<16xf32>
          %mul3A_203 = arith.mulf %sub3A_202, %broadcast_in_dim3A_102 : vector<16xf32>
          %add3A_204 = arith.addf %mul3A_203, %get3A_171 : vector<16xf32>
          %max3A_205 = arith.constant 0.000000e+00 : f32
          %max3A_206 = vector.broadcast %max3A_205 : f32 to vector<16xf32>
          %max3A_207 = arith.maximumf %add3A_204, %max3A_206 : vector<16xf32>
          %swap3A_208 = arith.constant 1 : i32
          %swap3A_209 = arith.index_cast %swap3A_208 : i32 to index
          %swap3A_210 = arith.index_cast %mul3A_168 : i32 to index
          %swap3A_211 = tpu.vector_load %arg20[%swap3A_209, %swap3A_210] {strides = array<i32>} : memref<16x768xf32, #tpu.memory_space<vmem>>, vector<1x16xf32>,
          %swap3A_212 = vector.shape_cast %swap3A_211 : vector<1x16xf32> to vector<16xf32>
          %swap3A_213 = vector.shape_cast %max3A_207 : vector<16xf32> to vector<1x16xf32>
          tpu.vector_store %arg20[%swap3A_209, %swap3A_210], %swap3A_213 {strides = array<i32>} : memref<16x768xf32, #tpu.memory_space<vmem>>, vector<1x16xf32>,
          %get3A_214 = arith.constant 2 : i32
          %get3A_215 = arith.index_cast %get3A_214 : i32 to index
          %get3A_216 = arith.index_cast %mul3A_168 : i32 to index
          %get3A_217 = tpu.vector_load %arg17[%get3A_215, %get3A_216] {strides = array<i32>} : memref<16x768xf32, #tpu.memory_space<vmem>>, vector<1x16xf32>,
          %get3A_218 = vector.shape_cast %get3A_217 : vector<1x16xf32> to vector<16xf32>
          %get3A_219 = arith.constant 2 : i32
          %get3A_220 = arith.index_cast %get3A_219 : i32 to index
          %get3A_221 = arith.index_cast %mul3A_168 : i32 to index
          %get3A_222 = tpu.vector_load %arg14[%get3A_220, %get3A_221] {strides = array<i32>} : memref<16x768xf32, #tpu.memory_space<vmem>>, vector<1x16xf32>,
          %get3A_223 = vector.shape_cast %get3A_222 : vector<1x16xf32> to vector<16xf32>
          %sub3A_224 = arith.subf %get3A_218, %get3A_223 : vector<16xf32>
          %mul3A_225 = arith.mulf %sub3A_224, %broadcast_in_dim3A_105 : vector<16xf32>
          %add3A_226 = arith.addf %mul3A_225, %get3A_171 : vector<16xf32>
          %max3A_227 = arith.constant 0.000000e+00 : f32
          %max3A_228 = vector.broadcast %max3A_227 : f32 to vector<16xf32>
          %max3A_229 = arith.maximumf %add3A_226, %max3A_228 : vector<16xf32>
          %swap3A_230 = arith.constant 2 : i32
          %swap3A_231 = arith.index_cast %swap3A_230 : i32 to index
          %swap3A_232 = arith.index_cast %mul3A_168 : i32 to index
          %swap3A_233 = tpu.vector_load %arg20[%swap3A_231, %swap3A_232] {strides = array<i32>} : memref<16x768xf32, #tpu.memory_space<vmem>>, vector<1x16xf32>,
          %swap3A_234 = vector.shape_cast %swap3A_233 : vector<1x16xf32> to vector<16xf32>
          %swap3A_235 = vector.shape_cast %max3A_229 : vector<16xf32> to vector<1x16xf32>
          tpu.vector_store %arg20[%swap3A_231, %swap3A_232], %swap3A_235 {strides = array<i32>} : memref<16x768xf32, #tpu.memory_space<vmem>>, vector<1x16xf32>,
          %get3A_236 = arith.constant 3 : i32
          %get3A_237 = arith.index_cast %get3A_236 : i32 to index
          %get3A_238 = arith.index_cast %mul3A_168 : i32 to index
          %get3A_239 = tpu.vector_load %arg17[%get3A_237, %get3A_238] {strides = array<i32>} : memref<16x768xf32, #tpu.memory_space<vmem>>, vector<1x16xf32>,
          %get3A_240 = vector.shape_cast %get3A_239 : vector<1x16xf32> to vector<16xf32>
          %get3A_241 = arith.constant 3 : i32
          %get3A_242 = arith.index_cast %get3A_241 : i32 to index
          %get3A_243 = arith.index_cast %mul3A_168 : i32 to index
          %get3A_244 = tpu.vector_load %arg14[%get3A_242, %get3A_243] {strides = array<i32>} : memref<16x768xf32, #tpu.memory_space<vmem>>, vector<1x16xf32>,
          %get3A_245 = vector.shape_cast %get3A_244 : vector<1x16xf32> to vector<16xf32>
          %sub3A_246 = arith.subf %get3A_240, %get3A_245 : vector<16xf32>
          %mul3A_247 = arith.mulf %sub3A_246, %broadcast_in_dim3A_108 : vector<16xf32>
          %add3A_248 = arith.addf %mul3A_247, %get3A_171 : vector<16xf32>
          %max3A_249 = arith.constant 0.000000e+00 : f32
          %max3A_250 = vector.broadcast %max3A_249 : f32 to vector<16xf32>
          %max3A_251 = arith.maximumf %add3A_248, %max3A_250 : vector<16xf32>
          %swap3A_252 = arith.constant 3 : i32
          %swap3A_253 = arith.index_cast %swap3A_252 : i32 to index
          %swap3A_254 = arith.index_cast %mul3A_168 : i32 to index
          %swap3A_255 = tpu.vector_load %arg20[%swap3A_253, %swap3A_254] {strides = array<i32>} : memref<16x768xf32, #tpu.memory_space<vmem>>, vector<1x16xf32>,
          %swap3A_256 = vector.shape_cast %swap3A_255 : vector<1x16xf32> to vector<16xf32>
          %swap3A_257 = vector.shape_cast %max3A_251 : vector<16xf32> to vector<1x16xf32>
          tpu.vector_store %arg20[%swap3A_253, %swap3A_254], %swap3A_257 {strides = array<i32>} : memref<16x768xf32, #tpu.memory_space<vmem>>, vector<1x16xf32>,
          %get3A_258 = arith.constant 4 : i32
          %get3A_259 = arith.index_cast %get3A_258 : i32 to index
          %get3A_260 = arith.index_cast %mul3A_168 : i32 to index
          %get3A_261 = tpu.vector_load %arg17[%get3A_259, %get3A_260] {strides = array<i32>} : memref<16x768xf32, #tpu.memory_space<vmem>>, vector<1x16xf32>,
          %get3A_262 = vector.shape_cast %get3A_261 : vector<1x16xf32> to vector<16xf32>
          %get3A_263 = arith.constant 4 : i32
          %get3A_264 = arith.index_cast %get3A_263 : i32 to index
          %get3A_265 = arith.index_cast %mul3A_168 : i32 to index
          %get3A_266 = tpu.vector_load %arg14[%get3A_264, %get3A_265] {strides = array<i32>} : memref<16x768xf32, #tpu.memory_space<vmem>>, vector<1x16xf32>,
          %get3A_267 = vector.shape_cast %get3A_266 : vector<1x16xf32> to vector<16xf32>
          %sub3A_268 = arith.subf %get3A_262, %get3A_267 : vector<16xf32>
          %mul3A_269 = arith.mulf %sub3A_268, %broadcast_in_dim3A_111 : vector<16xf32>
          %add3A_270 = arith.addf %mul3A_269, %get3A_171 : vector<16xf32>
          %max3A_271 = arith.constant 0.000000e+00 : f32
          %max3A_272 = vector.broadcast %max3A_271 : f32 to vector<16xf32>
          %max3A_273 = arith.maximumf %add3A_270, %max3A_272 : vector<16xf32>
          %swap3A_274 = arith.constant 4 : i32
          %swap3A_275 = arith.index_cast %swap3A_274 : i32 to index
          %swap3A_276 = arith.index_cast %mul3A_168 : i32 to index
          %swap3A_277 = tpu.vector_load %arg20[%swap3A_275, %swap3A_276] {strides = array<i32>} : memref<16x768xf32, #tpu.memory_space<vmem>>, vector<1x16xf32>,
          %swap3A_278 = vector.shape_cast %swap3A_277 : vector<1x16xf32> to vector<16xf32>
          %swap3A_279 = vector.shape_cast %max3A_273 : vector<16xf32> to vector<1x16xf32>
          tpu.vector_store %arg20[%swap3A_275, %swap3A_276], %swap3A_279 {strides = array<i32>} : memref<16x768xf32, #tpu.memory_space<vmem>>, vector<1x16xf32>,
          %get3A_280 = arith.constant 5 : i32
          %get3A_281 = arith.index_cast %get3A_280 : i32 to index
          %get3A_282 = arith.index_cast %mul3A_168 : i32 to index
          %get3A_283 = tpu.vector_load %arg17[%get3A_281, %get3A_282] {strides = array<i32>} : memref<16x768xf32, #tpu.memory_space<vmem>>, vector<1x16xf32>,
          %get3A_284 = vector.shape_cast %get3A_283 : vector<1x16xf32> to vector<16xf32>
          %get3A_285 = arith.constant 5 : i32
          %get3A_286 = arith.index_cast %get3A_285 : i32 to index
          %get3A_287 = arith.index_cast %mul3A_168 : i32 to index
          %get3A_288 = tpu.vector_load %arg14[%get3A_286, %get3A_287] {strides = array<i32>} : memref<16x768xf32, #tpu.memory_space<vmem>>, vector<1x16xf32>,
          %get3A_289 = vector.shape_cast %get3A_288 : vector<1x16xf32> to vector<16xf32>
          %sub3A_290 = arith.subf %get3A_284, %get3A_289 : vector<16xf32>
          %mul3A_291 = arith.mulf %sub3A_290, %broadcast_in_dim3A_114 : vector<16xf32>
          %add3A_292 = arith.addf %mul3A_291, %get3A_171 : vector<16xf32>
          %max3A_293 = arith.constant 0.000000e+00 : f32
          %max3A_294 = vector.broadcast %max3A_293 : f32 to vector<16xf32>
          %max3A_295 = arith.maximumf %add3A_292, %max3A_294 : vector<16xf32>
          %swap3A_296 = arith.constant 5 : i32
          %swap3A_297 = arith.index_cast %swap3A_296 : i32 to index
          %swap3A_298 = arith.index_cast %mul3A_168 : i32 to index
          %swap3A_299 = tpu.vector_load %arg20[%swap3A_297, %swap3A_298] {strides = array<i32>} : memref<16x768xf32, #tpu.memory_space<vmem>>, vector<1x16xf32>,
          %swap3A_300 = vector.shape_cast %swap3A_299 : vector<1x16xf32> to vector<16xf32>
          %swap3A_301 = vector.shape_cast %max3A_295 : vector<16xf32> to vector<1x16xf32>
          tpu.vector_store %arg20[%swap3A_297, %swap3A_298], %swap3A_301 {strides = array<i32>} : memref<16x768xf32, #tpu.memory_space<vmem>>, vector<1x16xf32>,
          %get3A_302 = arith.constant 6 : i32
          %get3A_303 = arith.index_cast %get3A_302 : i32 to index
          %get3A_304 = arith.index_cast %mul3A_168 : i32 to index
          %get3A_305 = tpu.vector_load %arg17[%get3A_303, %get3A_304] {strides = array<i32>} : memref<16x768xf32, #tpu.memory_space<vmem>>, vector<1x16xf32>,
          %get3A_306 = vector.shape_cast %get3A_305 : vector<1x16xf32> to vector<16xf32>
          %get3A_307 = arith.constant 6 : i32
          %get3A_308 = arith.index_cast %get3A_307 : i32 to index
          %get3A_309 = arith.index_cast %mul3A_168 : i32 to index
          %get3A_310 = tpu.vector_load %arg14[%get3A_308, %get3A_309] {strides = array<i32>} : memref<16x768xf32, #tpu.memory_space<vmem>>, vector<1x16xf32>,
          %get3A_311 = vector.shape_cast %get3A_310 : vector<1x16xf32> to vector<16xf32>
          %sub3A_312 = arith.subf %get3A_306, %get3A_311 : vector<16xf32>
          %mul3A_313 = arith.mulf %sub3A_312, %broadcast_in_dim3A_117 : vector<16xf32>
          %add3A_314 = arith.addf %mul3A_313, %get3A_171 : vector<16xf32>
          %max3A_315 = arith.constant 0.000000e+00 : f32
          %max3A_316 = vector.broadcast %max3A_315 : f32 to vector<16xf32>
          %max3A_317 = arith.maximumf %add3A_314, %max3A_316 : vector<16xf32>
          %swap3A_318 = arith.constant 6 : i32
          %swap3A_319 = arith.index_cast %swap3A_318 : i32 to index
          %swap3A_320 = arith.index_cast %mul3A_168 : i32 to index
          %swap3A_321 = tpu.vector_load %arg20[%swap3A_319, %swap3A_320] {strides = array<i32>} : memref<16x768xf32, #tpu.memory_space<vmem>>, vector<1x16xf32>,
          %swap3A_322 = vector.shape_cast %swap3A_321 : vector<1x16xf32> to vector<16xf32>
          %swap3A_323 = vector.shape_cast %max3A_317 : vector<16xf32> to vector<1x16xf32>
          tpu.vector_store %arg20[%swap3A_319, %swap3A_320], %swap3A_323 {strides = array<i32>} : memref<16x768xf32, #tpu.memory_space<vmem>>, vector<1x16xf32>,
          %get3A_324 = arith.constant 7 : i32
          %get3A_325 = arith.index_cast %get3A_324 : i32 to index
          %get3A_326 = arith.index_cast %mul3A_168 : i32 to index
          %get3A_327 = tpu.vector_load %arg17[%get3A_325, %get3A_326] {strides = array<i32>} : memref<16x768xf32, #tpu.memory_space<vmem>>, vector<1x16xf32>,
          %get3A_328 = vector.shape_cast %get3A_327 : vector<1x16xf32> to vector<16xf32>
          %get3A_329 = arith.constant 7 : i32
          %get3A_330 = arith.index_cast %get3A_329 : i32 to index
          %get3A_331 = arith.index_cast %mul3A_168 : i32 to index
          %get3A_332 = tpu.vector_load %arg14[%get3A_330, %get3A_331] {strides = array<i32>} : memref<16x768xf32, #tpu.memory_space<vmem>>, vector<1x16xf32>,
          %get3A_333 = vector.shape_cast %get3A_332 : vector<1x16xf32> to vector<16xf32>
          %sub3A_334 = arith.subf %get3A_328, %get3A_333 : vector<16xf32>
          %mul3A_335 = arith.mulf %sub3A_334, %broadcast_in_dim3A_120 : vector<16xf32>
          %add3A_336 = arith.addf %mul3A_335, %get3A_171 : vector<16xf32>
          %max3A_337 = arith.constant 0.000000e+00 : f32
          %max3A_338 = vector.broadcast %max3A_337 : f32 to vector<16xf32>
          %max3A_339 = arith.maximumf %add3A_336, %max3A_338 : vector<16xf32>
          %swap3A_340 = arith.constant 7 : i32
          %swap3A_341 = arith.index_cast %swap3A_340 : i32 to index
          %swap3A_342 = arith.index_cast %mul3A_168 : i32 to index
          %swap3A_343 = tpu.vector_load %arg20[%swap3A_341, %swap3A_342] {strides = array<i32>} : memref<16x768xf32, #tpu.memory_space<vmem>>, vector<1x16xf32>,
          %swap3A_344 = vector.shape_cast %swap3A_343 : vector<1x16xf32> to vector<16xf32>
          %swap3A_345 = vector.shape_cast %max3A_339 : vector<16xf32> to vector<1x16xf32>
          tpu.vector_store %arg20[%swap3A_341, %swap3A_342], %swap3A_345 {strides = array<i32>} : memref<16x768xf32, #tpu.memory_space<vmem>>, vector<1x16xf32>,
          %get3A_346 = arith.constant 8 : i32
          %get3A_347 = arith.index_cast %get3A_346 : i32 to index
          %get3A_348 = arith.index_cast %mul3A_168 : i32 to index
          %get3A_349 = tpu.vector_load %arg17[%get3A_347, %get3A_348] {strides = array<i32>} : memref<16x768xf32, #tpu.memory_space<vmem>>, vector<1x16xf32>,
          %get3A_350 = vector.shape_cast %get3A_349 : vector<1x16xf32> to vector<16xf32>
          %get3A_351 = arith.constant 8 : i32
          %get3A_352 = arith.index_cast %get3A_351 : i32 to index
          %get3A_353 = arith.index_cast %mul3A_168 : i32 to index
          %get3A_354 = tpu.vector_load %arg14[%get3A_352, %get3A_353] {strides = array<i32>} : memref<16x768xf32, #tpu.memory_space<vmem>>, vector<1x16xf32>,
          %get3A_355 = vector.shape_cast %get3A_354 : vector<1x16xf32> to vector<16xf32>
          %sub3A_356 = arith.subf %get3A_350, %get3A_355 : vector<16xf32>
          %mul3A_357 = arith.mulf %sub3A_356, %broadcast_in_dim3A_123 : vector<16xf32>
          %add3A_358 = arith.addf %mul3A_357, %get3A_171 : vector<16xf32>
          %max3A_359 = arith.constant 0.000000e+00 : f32
          %max3A_360 = vector.broadcast %max3A_359 : f32 to vector<16xf32>
          %max3A_361 = arith.maximumf %add3A_358, %max3A_360 : vector<16xf32>
          %swap3A_362 = arith.constant 8 : i32
          %swap3A_363 = arith.index_cast %swap3A_362 : i32 to index
          %swap3A_364 = arith.index_cast %mul3A_168 : i32 to index
          %swap3A_365 = tpu.vector_load %arg20[%swap3A_363, %swap3A_364] {strides = array<i32>} : memref<16x768xf32, #tpu.memory_space<vmem>>, vector<1x16xf32>,
          %swap3A_366 = vector.shape_cast %swap3A_365 : vector<1x16xf32> to vector<16xf32>
          %swap3A_367 = vector.shape_cast %max3A_361 : vector<16xf32> to vector<1x16xf32>
          tpu.vector_store %arg20[%swap3A_363, %swap3A_364], %swap3A_367 {strides = array<i32>} : memref<16x768xf32, #tpu.memory_space<vmem>>, vector<1x16xf32>,
          %get3A_368 = arith.constant 9 : i32
          %get3A_369 = arith.index_cast %get3A_368 : i32 to index
          %get3A_370 = arith.index_cast %mul3A_168 : i32 to index
          %get3A_371 = tpu.vector_load %arg17[%get3A_369, %get3A_370] {strides = array<i32>} : memref<16x768xf32, #tpu.memory_space<vmem>>, vector<1x16xf32>,
          %get3A_372 = vector.shape_cast %get3A_371 : vector<1x16xf32> to vector<16xf32>
          %get3A_373 = arith.constant 9 : i32
          %get3A_374 = arith.index_cast %get3A_373 : i32 to index
          %get3A_375 = arith.index_cast %mul3A_168 : i32 to index
          %get3A_376 = tpu.vector_load %arg14[%get3A_374, %get3A_375] {strides = array<i32>} : memref<16x768xf32, #tpu.memory_space<vmem>>, vector<1x16xf32>,
          %get3A_377 = vector.shape_cast %get3A_376 : vector<1x16xf32> to vector<16xf32>
          %sub3A_378 = arith.subf %get3A_372, %get3A_377 : vector<16xf32>
          %mul3A_379 = arith.mulf %sub3A_378, %broadcast_in_dim3A_126 : vector<16xf32>
          %add3A_380 = arith.addf %mul3A_379, %get3A_171 : vector<16xf32>
          %max3A_381 = arith.constant 0.000000e+00 : f32
          %max3A_382 = vector.broadcast %max3A_381 : f32 to vector<16xf32>
          %max3A_383 = arith.maximumf %add3A_380, %max3A_382 : vector<16xf32>
          %swap3A_384 = arith.constant 9 : i32
          %swap3A_385 = arith.index_cast %swap3A_384 : i32 to index
          %swap3A_386 = arith.index_cast %mul3A_168 : i32 to index
          %swap3A_387 = tpu.vector_load %arg20[%swap3A_385, %swap3A_386] {strides = array<i32>} : memref<16x768xf32, #tpu.memory_space<vmem>>, vector<1x16xf32>,
          %swap3A_388 = vector.shape_cast %swap3A_387 : vector<1x16xf32> to vector<16xf32>
          %swap3A_389 = vector.shape_cast %max3A_383 : vector<16xf32> to vector<1x16xf32>
          tpu.vector_store %arg20[%swap3A_385, %swap3A_386], %swap3A_389 {strides = array<i32>} : memref<16x768xf32, #tpu.memory_space<vmem>>, vector<1x16xf32>,
          %get3A_390 = arith.constant 10 : i32
          %get3A_391 = arith.index_cast %get3A_390 : i32 to index
          %get3A_392 = arith.index_cast %mul3A_168 : i32 to index
          %get3A_393 = tpu.vector_load %arg17[%get3A_391, %get3A_392] {strides = array<i32>} : memref<16x768xf32, #tpu.memory_space<vmem>>, vector<1x16xf32>,
          %get3A_394 = vector.shape_cast %get3A_393 : vector<1x16xf32> to vector<16xf32>
          %get3A_395 = arith.constant 10 : i32
          %get3A_396 = arith.index_cast %get3A_395 : i32 to index
          %get3A_397 = arith.index_cast %mul3A_168 : i32 to index
          %get3A_398 = tpu.vector_load %arg14[%get3A_396, %get3A_397] {strides = array<i32>} : memref<16x768xf32, #tpu.memory_space<vmem>>, vector<1x16xf32>,
          %get3A_399 = vector.shape_cast %get3A_398 : vector<1x16xf32> to vector<16xf32>
          %sub3A_400 = arith.subf %get3A_394, %get3A_399 : vector<16xf32>
          %mul3A_401 = arith.mulf %sub3A_400, %broadcast_in_dim3A_129 : vector<16xf32>
          %add3A_402 = arith.addf %mul3A_401, %get3A_171 : vector<16xf32>
          %max3A_403 = arith.constant 0.000000e+00 : f32
          %max3A_404 = vector.broadcast %max3A_403 : f32 to vector<16xf32>
          %max3A_405 = arith.maximumf %add3A_402, %max3A_404 : vector<16xf32>
          %swap3A_406 = arith.constant 10 : i32
          %swap3A_407 = arith.index_cast %swap3A_406 : i32 to index
          %swap3A_408 = arith.index_cast %mul3A_168 : i32 to index
          %swap3A_409 = tpu.vector_load %arg20[%swap3A_407, %swap3A_408] {strides = array<i32>} : memref<16x768xf32, #tpu.memory_space<vmem>>, vector<1x16xf32>,
          %swap3A_410 = vector.shape_cast %swap3A_409 : vector<1x16xf32> to vector<16xf32>
          %swap3A_411 = vector.shape_cast %max3A_405 : vector<16xf32> to vector<1x16xf32>
          tpu.vector_store %arg20[%swap3A_407, %swap3A_408], %swap3A_411 {strides = array<i32>} : memref<16x768xf32, #tpu.memory_space<vmem>>, vector<1x16xf32>,
          %get3A_412 = arith.constant 11 : i32
          %get3A_413 = arith.index_cast %get3A_412 : i32 to index
          %get3A_414 = arith.index_cast %mul3A_168 : i32 to index
          %get3A_415 = tpu.vector_load %arg17[%get3A_413, %get3A_414] {strides = array<i32>} : memref<16x768xf32, #tpu.memory_space<vmem>>, vector<1x16xf32>,
          %get3A_416 = vector.shape_cast %get3A_415 : vector<1x16xf32> to vector<16xf32>
          %get3A_417 = arith.constant 11 : i32
          %get3A_418 = arith.index_cast %get3A_417 : i32 to index
          %get3A_419 = arith.index_cast %mul3A_168 : i32 to index
          %get3A_420 = tpu.vector_load %arg14[%get3A_418, %get3A_419] {strides = array<i32>} : memref<16x768xf32, #tpu.memory_space<vmem>>, vector<1x16xf32>,
          %get3A_421 = vector.shape_cast %get3A_420 : vector<1x16xf32> to vector<16xf32>
          %sub3A_422 = arith.subf %get3A_416, %get3A_421 : vector<16xf32>
          %mul3A_423 = arith.mulf %sub3A_422, %broadcast_in_dim3A_132 : vector<16xf32>
          %add3A_424 = arith.addf %mul3A_423, %get3A_171 : vector<16xf32>
          %max3A_425 = arith.constant 0.000000e+00 : f32
          %max3A_426 = vector.broadcast %max3A_425 : f32 to vector<16xf32>
          %max3A_427 = arith.maximumf %add3A_424, %max3A_426 : vector<16xf32>
          %swap3A_428 = arith.constant 11 : i32
          %swap3A_429 = arith.index_cast %swap3A_428 : i32 to index
          %swap3A_430 = arith.index_cast %mul3A_168 : i32 to index
          %swap3A_431 = tpu.vector_load %arg20[%swap3A_429, %swap3A_430] {strides = array<i32>} : memref<16x768xf32, #tpu.memory_space<vmem>>, vector<1x16xf32>,
          %swap3A_432 = vector.shape_cast %swap3A_431 : vector<1x16xf32> to vector<16xf32>
          %swap3A_433 = vector.shape_cast %max3A_427 : vector<16xf32> to vector<1x16xf32>
          tpu.vector_store %arg20[%swap3A_429, %swap3A_430], %swap3A_433 {strides = array<i32>} : memref<16x768xf32, #tpu.memory_space<vmem>>, vector<1x16xf32>,
          %get3A_434 = arith.constant 12 : i32
          %get3A_435 = arith.index_cast %get3A_434 : i32 to index
          %get3A_436 = arith.index_cast %mul3A_168 : i32 to index
          %get3A_437 = tpu.vector_load %arg17[%get3A_435, %get3A_436] {strides = array<i32>} : memref<16x768xf32, #tpu.memory_space<vmem>>, vector<1x16xf32>,
          %get3A_438 = vector.shape_cast %get3A_437 : vector<1x16xf32> to vector<16xf32>
          %get3A_439 = arith.constant 12 : i32
          %get3A_440 = arith.index_cast %get3A_439 : i32 to index
          %get3A_441 = arith.index_cast %mul3A_168 : i32 to index
          %get3A_442 = tpu.vector_load %arg14[%get3A_440, %get3A_441] {strides = array<i32>} : memref<16x768xf32, #tpu.memory_space<vmem>>, vector<1x16xf32>,
          %get3A_443 = vector.shape_cast %get3A_442 : vector<1x16xf32> to vector<16xf32>
          %sub3A_444 = arith.subf %get3A_438, %get3A_443 : vector<16xf32>
          %mul3A_445 = arith.mulf %sub3A_444, %broadcast_in_dim3A_135 : vector<16xf32>
          %add3A_446 = arith.addf %mul3A_445, %get3A_171 : vector<16xf32>
          %max3A_447 = arith.constant 0.000000e+00 : f32
          %max3A_448 = vector.broadcast %max3A_447 : f32 to vector<16xf32>
          %max3A_449 = arith.maximumf %add3A_446, %max3A_448 : vector<16xf32>
          %swap3A_450 = arith.constant 12 : i32
          %swap3A_451 = arith.index_cast %swap3A_450 : i32 to index
          %swap3A_452 = arith.index_cast %mul3A_168 : i32 to index
          %swap3A_453 = tpu.vector_load %arg20[%swap3A_451, %swap3A_452] {strides = array<i32>} : memref<16x768xf32, #tpu.memory_space<vmem>>, vector<1x16xf32>,
          %swap3A_454 = vector.shape_cast %swap3A_453 : vector<1x16xf32> to vector<16xf32>
          %swap3A_455 = vector.shape_cast %max3A_449 : vector<16xf32> to vector<1x16xf32>
          tpu.vector_store %arg20[%swap3A_451, %swap3A_452], %swap3A_455 {strides = array<i32>} : memref<16x768xf32, #tpu.memory_space<vmem>>, vector<1x16xf32>,
          %get3A_456 = arith.constant 13 : i32
          %get3A_457 = arith.index_cast %get3A_456 : i32 to index
          %get3A_458 = arith.index_cast %mul3A_168 : i32 to index
          %get3A_459 = tpu.vector_load %arg17[%get3A_457, %get3A_458] {strides = array<i32>} : memref<16x768xf32, #tpu.memory_space<vmem>>, vector<1x16xf32>,
          %get3A_460 = vector.shape_cast %get3A_459 : vector<1x16xf32> to vector<16xf32>
          %get3A_461 = arith.constant 13 : i32
          %get3A_462 = arith.index_cast %get3A_461 : i32 to index
          %get3A_463 = arith.index_cast %mul3A_168 : i32 to index
          %get3A_464 = tpu.vector_load %arg14[%get3A_462, %get3A_463] {strides = array<i32>} : memref<16x768xf32, #tpu.memory_space<vmem>>, vector<1x16xf32>,
          %get3A_465 = vector.shape_cast %get3A_464 : vector<1x16xf32> to vector<16xf32>
          %sub3A_466 = arith.subf %get3A_460, %get3A_465 : vector<16xf32>
          %mul3A_467 = arith.mulf %sub3A_466, %broadcast_in_dim3A_138 : vector<16xf32>
          %add3A_468 = arith.addf %mul3A_467, %get3A_171 : vector<16xf32>
          %max3A_469 = arith.constant 0.000000e+00 : f32
          %max3A_470 = vector.broadcast %max3A_469 : f32 to vector<16xf32>
          %max3A_471 = arith.maximumf %add3A_468, %max3A_470 : vector<16xf32>
          %swap3A_472 = arith.constant 13 : i32
          %swap3A_473 = arith.index_cast %swap3A_472 : i32 to index
          %swap3A_474 = arith.index_cast %mul3A_168 : i32 to index
          %swap3A_475 = tpu.vector_load %arg20[%swap3A_473, %swap3A_474] {strides = array<i32>} : memref<16x768xf32, #tpu.memory_space<vmem>>, vector<1x16xf32>,
          %swap3A_476 = vector.shape_cast %swap3A_475 : vector<1x16xf32> to vector<16xf32>
          %swap3A_477 = vector.shape_cast %max3A_471 : vector<16xf32> to vector<1x16xf32>
          tpu.vector_store %arg20[%swap3A_473, %swap3A_474], %swap3A_477 {strides = array<i32>} : memref<16x768xf32, #tpu.memory_space<vmem>>, vector<1x16xf32>,
          %get3A_478 = arith.constant 14 : i32
          %get3A_479 = arith.index_cast %get3A_478 : i32 to index
          %get3A_480 = arith.index_cast %mul3A_168 : i32 to index
          %get3A_481 = tpu.vector_load %arg17[%get3A_479, %get3A_480] {strides = array<i32>} : memref<16x768xf32, #tpu.memory_space<vmem>>, vector<1x16xf32>,
          %get3A_482 = vector.shape_cast %get3A_481 : vector<1x16xf32> to vector<16xf32>
          %get3A_483 = arith.constant 14 : i32
          %get3A_484 = arith.index_cast %get3A_483 : i32 to index
          %get3A_485 = arith.index_cast %mul3A_168 : i32 to index
          %get3A_486 = tpu.vector_load %arg14[%get3A_484, %get3A_485] {strides = array<i32>} : memref<16x768xf32, #tpu.memory_space<vmem>>, vector<1x16xf32>,
          %get3A_487 = vector.shape_cast %get3A_486 : vector<1x16xf32> to vector<16xf32>
          %sub3A_488 = arith.subf %get3A_482, %get3A_487 : vector<16xf32>
          %mul3A_489 = arith.mulf %sub3A_488, %broadcast_in_dim3A_141 : vector<16xf32>
          %add3A_490 = arith.addf %mul3A_489, %get3A_171 : vector<16xf32>
          %max3A_491 = arith.constant 0.000000e+00 : f32
          %max3A_492 = vector.broadcast %max3A_491 : f32 to vector<16xf32>
          %max3A_493 = arith.maximumf %add3A_490, %max3A_492 : vector<16xf32>
          %swap3A_494 = arith.constant 14 : i32
          %swap3A_495 = arith.index_cast %swap3A_494 : i32 to index
          %swap3A_496 = arith.index_cast %mul3A_168 : i32 to index
          %swap3A_497 = tpu.vector_load %arg20[%swap3A_495, %swap3A_496] {strides = array<i32>} : memref<16x768xf32, #tpu.memory_space<vmem>>, vector<1x16xf32>,
          %swap3A_498 = vector.shape_cast %swap3A_497 : vector<1x16xf32> to vector<16xf32>
          %swap3A_499 = vector.shape_cast %max3A_493 : vector<16xf32> to vector<1x16xf32>
          tpu.vector_store %arg20[%swap3A_495, %swap3A_496], %swap3A_499 {strides = array<i32>} : memref<16x768xf32, #tpu.memory_space<vmem>>, vector<1x16xf32>,
          %get3A_500 = arith.constant 15 : i32
          %get3A_501 = arith.index_cast %get3A_500 : i32 to index
          %get3A_502 = arith.index_cast %mul3A_168 : i32 to index
          %get3A_503 = tpu.vector_load %arg17[%get3A_501, %get3A_502] {strides = array<i32>} : memref<16x768xf32, #tpu.memory_space<vmem>>, vector<1x16xf32>,
          %get3A_504 = vector.shape_cast %get3A_503 : vector<1x16xf32> to vector<16xf32>
          %get3A_505 = arith.constant 15 : i32
          %get3A_506 = arith.index_cast %get3A_505 : i32 to index
          %get3A_507 = arith.index_cast %mul3A_168 : i32 to index
          %get3A_508 = tpu.vector_load %arg14[%get3A_506, %get3A_507] {strides = array<i32>} : memref<16x768xf32, #tpu.memory_space<vmem>>, vector<1x16xf32>,
          %get3A_509 = vector.shape_cast %get3A_508 : vector<1x16xf32> to vector<16xf32>
          %sub3A_510 = arith.subf %get3A_504, %get3A_509 : vector<16xf32>
          %mul3A_511 = arith.mulf %sub3A_510, %broadcast_in_dim3A_144 : vector<16xf32>
          %add3A_512 = arith.addf %mul3A_511, %get3A_171 : vector<16xf32>
          %max3A_513 = arith.constant 0.000000e+00 : f32
          %max3A_514 = vector.broadcast %max3A_513 : f32 to vector<16xf32>
          %max3A_515 = arith.maximumf %add3A_512, %max3A_514 : vector<16xf32>
          %swap3A_516 = arith.constant 15 : i32
          %swap3A_517 = arith.index_cast %swap3A_516 : i32 to index
          %swap3A_518 = arith.index_cast %mul3A_168 : i32 to index
          %swap3A_519 = tpu.vector_load %arg20[%swap3A_517, %swap3A_518] {strides = array<i32>} : memref<16x768xf32, #tpu.memory_space<vmem>>, vector<1x16xf32>,
          %swap3A_520 = vector.shape_cast %swap3A_519 : vector<1x16xf32> to vector<16xf32>
          %swap3A_521 = vector.shape_cast %max3A_515 : vector<16xf32> to vector<1x16xf32>
          tpu.vector_store %arg20[%swap3A_517, %swap3A_518], %swap3A_521 {strides = array<i32>} : memref<16x768xf32, #tpu.memory_space<vmem>>, vector<1x16xf32>,
        }
        %scan3A_150 = arith.constant 48 : i32
        %iota3A = tpu.iota {dimensions = array<i32: 0>} : vector<16xi32>
        %mul3A_151 = arith.constant 2 : i32
        %mul3A_152 = vector.broadcast %mul3A_151 : i32 to vector<16xi32>
        %mul3A_153 = arith.muli %mul3A_152, %iota3A : vector<16xi32>
        %rem3A = arith.constant 4 : i32
        %rem3A_154 = vector.broadcast %rem3A : i32 to vector<16xi32>
        %rem3A_155 = arith.remsi %iota3A, %rem3A_154 : vector<16xi32>
        %sub3A = arith.subi %mul3A_153, %rem3A_155 : vector<16xi32>
        %mul3A_156 = arith.constant 16 : i32
        %mul3A_157 = arith.muli %add3A_66, %mul3A_156 : i32
        %add3A_158 = arith.addi %mul3A_2, %mul3A_157 : i32
        %mul3A_159 = arith.constant 2 : i32
        %mul3A_160 = arith.muli %mul3A_159, %add3A_158 : i32
        %add3A_161 = vector.broadcast %mul3A_160 : i32 to vector<16xi32>
        %add3A_162 = arith.addi %sub3A, %add3A_161 : vector<16xi32>
        %dma_start3A_163 = arith.constant 0 : i32
        %dma_start3A_164 = arith.constant 0 : i32
        %dma_start3A_165 = tpu.memref_slice %arg7[%dma_start3A_163, %dma_start3A_164] : memref<65536x768xf32, #tpu.memory_space<hbm>> -> memref<65536x768xf32, #tpu.memory_space<hbm>>
        tpu.enqueue_indirect_dma source(%arg20 : memref<16x768xf32, #tpu.memory_space<vmem>>) target(%dma_start3A_165 : memref<65536x768xf32, #tpu.memory_space<hbm>>) offsets(%add3A_162 : vector<16xi32>) semaphore(%arg29 : memref<!tpu.dma_semaphore, #tpu.memory_space<semaphore_mem>>)
      } else {
      }
    }
    %scan3A_29 = arith.constant 22 : i32
    %dma_wait3A = arith.constant 0 : i32
    %dma_wait3A_30 = arith.constant 0 : i32
    %dma_wait3A_31 = tpu.memref_slice %arg7[%dma_wait3A, %dma_wait3A_30] : memref<65536x768xf32, #tpu.memory_space<hbm>> -> memref<16x768xf32, #tpu.memory_space<hbm>>
    %dma_wait3A_32 = arith.constant 0 : i32
    %dma_wait3A_33 = arith.constant 0 : i32
    %dma_wait3A_34 = tpu.memref_slice %arg7[%dma_wait3A_32, %dma_wait3A_33] : memref<65536x768xf32, #tpu.memory_space<hbm>> -> memref<16x768xf32, #tpu.memory_space<hbm>>
    tpu.wait_dma2 semaphore(%arg28 : memref<!tpu.dma_semaphore, #tpu.memory_space<semaphore_mem>>) src(%arg19 : memref<16x768xf32, #tpu.memory_space<vmem>>) dst(%dma_wait3A_34 : memref<16x768xf32, #tpu.memory_space<hbm>>)
    %dma_wait3A_35 = arith.constant 0 : i32
    %dma_wait3A_36 = arith.constant 0 : i32
    %dma_wait3A_37 = tpu.memref_slice %arg7[%dma_wait3A_35, %dma_wait3A_36] : memref<65536x768xf32, #tpu.memory_space<hbm>> -> memref<16x768xf32, #tpu.memory_space<hbm>>
    %dma_wait3A_38 = arith.constant 0 : i32
    %dma_wait3A_39 = arith.constant 0 : i32
    %dma_wait3A_40 = tpu.memref_slice %arg7[%dma_wait3A_38, %dma_wait3A_39] : memref<65536x768xf32, #tpu.memory_space<hbm>> -> memref<16x768xf32, #tpu.memory_space<hbm>>
    tpu.wait_dma2 semaphore(%arg29 : memref<!tpu.dma_semaphore, #tpu.memory_space<semaphore_mem>>) src(%arg20 : memref<16x768xf32, #tpu.memory_space<vmem>>) dst(%dma_wait3A_40 : memref<16x768xf32, #tpu.memory_space<hbm>>)
    %dma_wait3A_41 = arith.constant 0 : i32
    %dma_wait3A_42 = arith.constant 0 : i32
    %dma_wait3A_43 = tpu.memref_slice %arg7[%dma_wait3A_41, %dma_wait3A_42] : memref<65536x768xf32, #tpu.memory_space<hbm>> -> memref<16x768xf32, #tpu.memory_space<hbm>>
    %dma_wait3A_44 = arith.constant 0 : i32
    %dma_wait3A_45 = arith.constant 0 : i32
    %dma_wait3A_46 = tpu.memref_slice %arg7[%dma_wait3A_44, %dma_wait3A_45] : memref<65536x768xf32, #tpu.memory_space<hbm>> -> memref<16x768xf32, #tpu.memory_space<hbm>>
    tpu.wait_dma2 semaphore(%arg27 : memref<!tpu.dma_semaphore, #tpu.memory_space<semaphore_mem>>) src(%arg18 : memref<16x768xf32, #tpu.memory_space<vmem>>) dst(%dma_wait3A_46 : memref<16x768xf32, #tpu.memory_space<hbm>>)
    return
  }
}

module attributes {stable_mosaic.version = 14 : i64} {
  func.func @_tc_prep_body(%arg0: i32, %arg1: memref<1x2048x768xf32, #tpu.memory_space<vmem>>, %arg2: memref<768x768xf32, #tpu.memory_space<vmem>>, %arg3: memref<1x64x128xi32, #tpu.memory_space<vmem>>, %arg4: memref<1x64x128xi32, #tpu.memory_space<vmem>>, %arg5: memref<1x2056x768xf32, #tpu.memory_space<vmem>>, %arg6: memref<1x64x128xi32, #tpu.memory_space<vmem>>, %arg7: memref<1x64x128xi32, #tpu.memory_space<vmem>>, %arg8: memref<1x64x128xf32, #tpu.memory_space<vmem>>) attributes {dimension_semantics = [#tpu.dimension_semantics<arbitrary>], iteration_bounds = array<i64: 4>, scalar_prefetch = 0 : i64, scratch_operands = 0 : i64, tpu.core_type = #tpu.core_type<tc>, window_params = [{transform_indices = @transform_0, window_bounds = array<i64: 1, 2048, 768>}, {pipeline_mode = #tpu.pipeline_mode<synchronous>, transform_indices = @transform_1, window_bounds = array<i64: 768, 768>}, {transform_indices = @transform_2, window_bounds = array<i64: 1, 64, 128>}, {transform_indices = @transform_3, window_bounds = array<i64: 1, 64, 128>}, {transform_indices = @transform_4, window_bounds = array<i64: 1, 2056, 768>}, {transform_indices = @transform_5, window_bounds = array<i64: 1, 64, 128>}, {transform_indices = @transform_6, window_bounds = array<i64: 1, 64, 128>}, {transform_indices = @transform_7, window_bounds = array<i64: 1, 64, 128>}]} {
    %get3A = arith.constant 0 : index
    %get3A_0 = arith.constant 0 : index
    %get3A_1 = arith.constant 0 : index
    %get3A_2 = vector.load %arg1[%get3A, %get3A_0, %get3A_1] : memref<1x2048x768xf32, #tpu.memory_space<vmem>>, vector<1x2048x768xf32>
    %get3A_3 = vector.shape_cast %get3A_2 : vector<1x2048x768xf32> to vector<2048x768xf32>
    %get3A_4 = arith.constant 0 : index
    %get3A_5 = arith.constant 0 : index
    %get3A_6 = vector.load %arg2[%get3A_4, %get3A_5] : memref<768x768xf32, #tpu.memory_space<vmem>>, vector<768x768xf32>
    %dot_general3A = arith.constant dense<0.000000e+00> : vector<2048x768xf32>
    %dot_general3A_7 = tpu.matmul %get3A_3, %get3A_6, %dot_general3A {dimension_numbers = #tpu.dot_dimension_numbers<[1], [1], [0], [0], [0, 0, 1, 0], [], []>, transpose_lhs_hint = false} : vector<2048x768xf32>, vector<768x768xf32>, vector<2048x768xf32> -> vector<2048x768xf32>
    %iota3A = tpu.iota {dimensions = array<i32: 0>} : vector<128x128xi32>
    %iota3A_8 = tpu.iota {dimensions = array<i32: 1>} : vector<128x128xi32>
    %gt3A = arith.cmpi sgt, %iota3A, %iota3A_8 : vector<128x128xi32>
    %jit3A = arith.constant 1.000000e+00 : f32
    %jit3A_9 = arith.constant 0.000000e+00 : f32
    %broadcast_in_dim3A = vector.broadcast %jit3A : f32 to vector<128x128xf32>
    %broadcast_in_dim3A_10 = vector.broadcast %jit3A_9 : f32 to vector<128x128xf32>
    %select_n3A = arith.select %gt3A, %broadcast_in_dim3A, %broadcast_in_dim3A_10 : vector<128x128xi1>, vector<128x128xf32>
    %broadcast_in_dim3A_11 = arith.constant 0.000000e+00 : f32
    %broadcast_in_dim3A_12 = vector.broadcast %broadcast_in_dim3A_11 : f32 to vector<1x768xf32>
    %slice3A = vector.extract_strided_slice %dot_general3A_7 {offsets = [0, 0], sizes = [128, 768], strides = [1, 1]} : vector<2048x768xf32> to vector<128x768xf32>
    %dot_general3A_13 = arith.constant dense<0.000000e+00> : vector<128x768xf32>
    %dot_general3A_14 = tpu.matmul %select_n3A, %slice3A, %dot_general3A_13 {dimension_numbers = #tpu.dot_dimension_numbers<[1], [0], [0], [1], [0, 0, 1, 1], [], []>, transpose_lhs_hint = false} : vector<128x128xf32>, vector<128x768xf32>, vector<128x768xf32> -> vector<128x768xf32>
    %add3A = vector.broadcast %broadcast_in_dim3A_12 : vector<1x768xf32> to vector<128x768xf32>
    %add3A_15 = arith.addf %dot_general3A_14, %add3A : vector<128x768xf32>
    %swap3A = arith.constant 0 : index
    %swap3A_16 = arith.constant 0 : index
    %swap3A_17 = arith.constant 0 : index
    %swap3A_18 = vector.load %arg5[%swap3A, %swap3A_16, %swap3A_17] : memref<1x2056x768xf32, #tpu.memory_space<vmem>>, vector<1x128x768xf32>
    %swap3A_19 = vector.shape_cast %swap3A_18 : vector<1x128x768xf32> to vector<128x768xf32>
    %swap3A_20 = vector.shape_cast %add3A_15 : vector<128x768xf32> to vector<1x128x768xf32>
    tpu.vector_store %arg5[%swap3A, %swap3A_16, %swap3A_17], %swap3A_20 {strides = array<i32>} : memref<1x2056x768xf32, #tpu.memory_space<vmem>>, vector<1x128x768xf32>,
    %reduce_sum3A = arith.constant dense<0.000000e+00> : vector<768xf32>
    %reduce_sum3A_21 = vector.multi_reduction <add>, %slice3A, %reduce_sum3A [0] : vector<128x768xf32> to vector<768xf32>
    %broadcast_in_dim3A_22 = vector.shape_cast %reduce_sum3A_21 : vector<768xf32> to vector<1x768xf32>
    %add3A_23 = arith.addf %broadcast_in_dim3A_12, %broadcast_in_dim3A_22 : vector<1x768xf32>
    %slice3A_24 = vector.extract_strided_slice %dot_general3A_7 {offsets = [128, 0], sizes = [128, 768], strides = [1, 1]} : vector<2048x768xf32> to vector<128x768xf32>
    %dot_general3A_25 = arith.constant dense<0.000000e+00> : vector<128x768xf32>
    %dot_general3A_26 = tpu.matmul %select_n3A, %slice3A_24, %dot_general3A_25 {dimension_numbers = #tpu.dot_dimension_numbers<[1], [0], [0], [1], [0, 0, 1, 1], [], []>, transpose_lhs_hint = false} : vector<128x128xf32>, vector<128x768xf32>, vector<128x768xf32> -> vector<128x768xf32>
    %add3A_27 = vector.broadcast %add3A_23 : vector<1x768xf32> to vector<128x768xf32>
    %add3A_28 = arith.addf %dot_general3A_26, %add3A_27 : vector<128x768xf32>
    %swap3A_29 = arith.constant 0 : index
    %swap3A_30 = arith.constant 128 : index
    %swap3A_31 = arith.constant 0 : index
    %swap3A_32 = vector.load %arg5[%swap3A_29, %swap3A_30, %swap3A_31] : memref<1x2056x768xf32, #tpu.memory_space<vmem>>, vector<1x128x768xf32>
    %swap3A_33 = vector.shape_cast %swap3A_32 : vector<1x128x768xf32> to vector<128x768xf32>
    %swap3A_34 = vector.shape_cast %add3A_28 : vector<128x768xf32> to vector<1x128x768xf32>
    tpu.vector_store %arg5[%swap3A_29, %swap3A_30, %swap3A_31], %swap3A_34 {strides = array<i32>} : memref<1x2056x768xf32, #tpu.memory_space<vmem>>, vector<1x128x768xf32>,
    %reduce_sum3A_35 = arith.constant dense<0.000000e+00> : vector<768xf32>
    %reduce_sum3A_36 = vector.multi_reduction <add>, %slice3A_24, %reduce_sum3A_35 [0] : vector<128x768xf32> to vector<768xf32>
    %broadcast_in_dim3A_37 = vector.shape_cast %reduce_sum3A_36 : vector<768xf32> to vector<1x768xf32>
    %add3A_38 = arith.addf %add3A_23, %broadcast_in_dim3A_37 : vector<1x768xf32>
    %slice3A_39 = vector.extract_strided_slice %dot_general3A_7 {offsets = [256, 0], sizes = [128, 768], strides = [1, 1]} : vector<2048x768xf32> to vector<128x768xf32>
    %dot_general3A_40 = arith.constant dense<0.000000e+00> : vector<128x768xf32>
    %dot_general3A_41 = tpu.matmul %select_n3A, %slice3A_39, %dot_general3A_40 {dimension_numbers = #tpu.dot_dimension_numbers<[1], [0], [0], [1], [0, 0, 1, 1], [], []>, transpose_lhs_hint = false} : vector<128x128xf32>, vector<128x768xf32>, vector<128x768xf32> -> vector<128x768xf32>
    %add3A_42 = vector.broadcast %add3A_38 : vector<1x768xf32> to vector<128x768xf32>
    %add3A_43 = arith.addf %dot_general3A_41, %add3A_42 : vector<128x768xf32>
    %swap3A_44 = arith.constant 0 : index
    %swap3A_45 = arith.constant 256 : index
    %swap3A_46 = arith.constant 0 : index
    %swap3A_47 = vector.load %arg5[%swap3A_44, %swap3A_45, %swap3A_46] : memref<1x2056x768xf32, #tpu.memory_space<vmem>>, vector<1x128x768xf32>
    %swap3A_48 = vector.shape_cast %swap3A_47 : vector<1x128x768xf32> to vector<128x768xf32>
    %swap3A_49 = vector.shape_cast %add3A_43 : vector<128x768xf32> to vector<1x128x768xf32>
    tpu.vector_store %arg5[%swap3A_44, %swap3A_45, %swap3A_46], %swap3A_49 {strides = array<i32>} : memref<1x2056x768xf32, #tpu.memory_space<vmem>>, vector<1x128x768xf32>,
    %reduce_sum3A_50 = arith.constant dense<0.000000e+00> : vector<768xf32>
    %reduce_sum3A_51 = vector.multi_reduction <add>, %slice3A_39, %reduce_sum3A_50 [0] : vector<128x768xf32> to vector<768xf32>
    %broadcast_in_dim3A_52 = vector.shape_cast %reduce_sum3A_51 : vector<768xf32> to vector<1x768xf32>
    %add3A_53 = arith.addf %add3A_38, %broadcast_in_dim3A_52 : vector<1x768xf32>
    %slice3A_54 = vector.extract_strided_slice %dot_general3A_7 {offsets = [384, 0], sizes = [128, 768], strides = [1, 1]} : vector<2048x768xf32> to vector<128x768xf32>
    %dot_general3A_55 = arith.constant dense<0.000000e+00> : vector<128x768xf32>
    %dot_general3A_56 = tpu.matmul %select_n3A, %slice3A_54, %dot_general3A_55 {dimension_numbers = #tpu.dot_dimension_numbers<[1], [0], [0], [1], [0, 0, 1, 1], [], []>, transpose_lhs_hint = false} : vector<128x128xf32>, vector<128x768xf32>, vector<128x768xf32> -> vector<128x768xf32>
    %add3A_57 = vector.broadcast %add3A_53 : vector<1x768xf32> to vector<128x768xf32>
    %add3A_58 = arith.addf %dot_general3A_56, %add3A_57 : vector<128x768xf32>
    %swap3A_59 = arith.constant 0 : index
    %swap3A_60 = arith.constant 384 : index
    %swap3A_61 = arith.constant 0 : index
    %swap3A_62 = vector.load %arg5[%swap3A_59, %swap3A_60, %swap3A_61] : memref<1x2056x768xf32, #tpu.memory_space<vmem>>, vector<1x128x768xf32>
    %swap3A_63 = vector.shape_cast %swap3A_62 : vector<1x128x768xf32> to vector<128x768xf32>
    %swap3A_64 = vector.shape_cast %add3A_58 : vector<128x768xf32> to vector<1x128x768xf32>
    tpu.vector_store %arg5[%swap3A_59, %swap3A_60, %swap3A_61], %swap3A_64 {strides = array<i32>} : memref<1x2056x768xf32, #tpu.memory_space<vmem>>, vector<1x128x768xf32>,
    %reduce_sum3A_65 = arith.constant dense<0.000000e+00> : vector<768xf32>
    %reduce_sum3A_66 = vector.multi_reduction <add>, %slice3A_54, %reduce_sum3A_65 [0] : vector<128x768xf32> to vector<768xf32>
    %broadcast_in_dim3A_67 = vector.shape_cast %reduce_sum3A_66 : vector<768xf32> to vector<1x768xf32>
    %add3A_68 = arith.addf %add3A_53, %broadcast_in_dim3A_67 : vector<1x768xf32>
    %slice3A_69 = vector.extract_strided_slice %dot_general3A_7 {offsets = [512, 0], sizes = [128, 768], strides = [1, 1]} : vector<2048x768xf32> to vector<128x768xf32>
    %dot_general3A_70 = arith.constant dense<0.000000e+00> : vector<128x768xf32>
    %dot_general3A_71 = tpu.matmul %select_n3A, %slice3A_69, %dot_general3A_70 {dimension_numbers = #tpu.dot_dimension_numbers<[1], [0], [0], [1], [0, 0, 1, 1], [], []>, transpose_lhs_hint = false} : vector<128x128xf32>, vector<128x768xf32>, vector<128x768xf32> -> vector<128x768xf32>
    %add3A_72 = vector.broadcast %add3A_68 : vector<1x768xf32> to vector<128x768xf32>
    %add3A_73 = arith.addf %dot_general3A_71, %add3A_72 : vector<128x768xf32>
    %swap3A_74 = arith.constant 0 : index
    %swap3A_75 = arith.constant 512 : index
    %swap3A_76 = arith.constant 0 : index
    %swap3A_77 = vector.load %arg5[%swap3A_74, %swap3A_75, %swap3A_76] : memref<1x2056x768xf32, #tpu.memory_space<vmem>>, vector<1x128x768xf32>
    %swap3A_78 = vector.shape_cast %swap3A_77 : vector<1x128x768xf32> to vector<128x768xf32>
    %swap3A_79 = vector.shape_cast %add3A_73 : vector<128x768xf32> to vector<1x128x768xf32>
    tpu.vector_store %arg5[%swap3A_74, %swap3A_75, %swap3A_76], %swap3A_79 {strides = array<i32>} : memref<1x2056x768xf32, #tpu.memory_space<vmem>>, vector<1x128x768xf32>,
    %reduce_sum3A_80 = arith.constant dense<0.000000e+00> : vector<768xf32>
    %reduce_sum3A_81 = vector.multi_reduction <add>, %slice3A_69, %reduce_sum3A_80 [0] : vector<128x768xf32> to vector<768xf32>
    %broadcast_in_dim3A_82 = vector.shape_cast %reduce_sum3A_81 : vector<768xf32> to vector<1x768xf32>
    %add3A_83 = arith.addf %add3A_68, %broadcast_in_dim3A_82 : vector<1x768xf32>
    %slice3A_84 = vector.extract_strided_slice %dot_general3A_7 {offsets = [640, 0], sizes = [128, 768], strides = [1, 1]} : vector<2048x768xf32> to vector<128x768xf32>
    %dot_general3A_85 = arith.constant dense<0.000000e+00> : vector<128x768xf32>
    %dot_general3A_86 = tpu.matmul %select_n3A, %slice3A_84, %dot_general3A_85 {dimension_numbers = #tpu.dot_dimension_numbers<[1], [0], [0], [1], [0, 0, 1, 1], [], []>, transpose_lhs_hint = false} : vector<128x128xf32>, vector<128x768xf32>, vector<128x768xf32> -> vector<128x768xf32>
    %add3A_87 = vector.broadcast %add3A_83 : vector<1x768xf32> to vector<128x768xf32>
    %add3A_88 = arith.addf %dot_general3A_86, %add3A_87 : vector<128x768xf32>
    %swap3A_89 = arith.constant 0 : index
    %swap3A_90 = arith.constant 640 : index
    %swap3A_91 = arith.constant 0 : index
    %swap3A_92 = vector.load %arg5[%swap3A_89, %swap3A_90, %swap3A_91] : memref<1x2056x768xf32, #tpu.memory_space<vmem>>, vector<1x128x768xf32>
    %swap3A_93 = vector.shape_cast %swap3A_92 : vector<1x128x768xf32> to vector<128x768xf32>
    %swap3A_94 = vector.shape_cast %add3A_88 : vector<128x768xf32> to vector<1x128x768xf32>
    tpu.vector_store %arg5[%swap3A_89, %swap3A_90, %swap3A_91], %swap3A_94 {strides = array<i32>} : memref<1x2056x768xf32, #tpu.memory_space<vmem>>, vector<1x128x768xf32>,
    %reduce_sum3A_95 = arith.constant dense<0.000000e+00> : vector<768xf32>
    %reduce_sum3A_96 = vector.multi_reduction <add>, %slice3A_84, %reduce_sum3A_95 [0] : vector<128x768xf32> to vector<768xf32>
    %broadcast_in_dim3A_97 = vector.shape_cast %reduce_sum3A_96 : vector<768xf32> to vector<1x768xf32>
    %add3A_98 = arith.addf %add3A_83, %broadcast_in_dim3A_97 : vector<1x768xf32>
    %slice3A_99 = vector.extract_strided_slice %dot_general3A_7 {offsets = [768, 0], sizes = [128, 768], strides = [1, 1]} : vector<2048x768xf32> to vector<128x768xf32>
    %dot_general3A_100 = arith.constant dense<0.000000e+00> : vector<128x768xf32>
    %dot_general3A_101 = tpu.matmul %select_n3A, %slice3A_99, %dot_general3A_100 {dimension_numbers = #tpu.dot_dimension_numbers<[1], [0], [0], [1], [0, 0, 1, 1], [], []>, transpose_lhs_hint = false} : vector<128x128xf32>, vector<128x768xf32>, vector<128x768xf32> -> vector<128x768xf32>
    %add3A_102 = vector.broadcast %add3A_98 : vector<1x768xf32> to vector<128x768xf32>
    %add3A_103 = arith.addf %dot_general3A_101, %add3A_102 : vector<128x768xf32>
    %swap3A_104 = arith.constant 0 : index
    %swap3A_105 = arith.constant 768 : index
    %swap3A_106 = arith.constant 0 : index
    %swap3A_107 = vector.load %arg5[%swap3A_104, %swap3A_105, %swap3A_106] : memref<1x2056x768xf32, #tpu.memory_space<vmem>>, vector<1x128x768xf32>
    %swap3A_108 = vector.shape_cast %swap3A_107 : vector<1x128x768xf32> to vector<128x768xf32>
    %swap3A_109 = vector.shape_cast %add3A_103 : vector<128x768xf32> to vector<1x128x768xf32>
    tpu.vector_store %arg5[%swap3A_104, %swap3A_105, %swap3A_106], %swap3A_109 {strides = array<i32>} : memref<1x2056x768xf32, #tpu.memory_space<vmem>>, vector<1x128x768xf32>,
    %reduce_sum3A_110 = arith.constant dense<0.000000e+00> : vector<768xf32>
    %reduce_sum3A_111 = vector.multi_reduction <add>, %slice3A_99, %reduce_sum3A_110 [0] : vector<128x768xf32> to vector<768xf32>
    %broadcast_in_dim3A_112 = vector.shape_cast %reduce_sum3A_111 : vector<768xf32> to vector<1x768xf32>
    %add3A_113 = arith.addf %add3A_98, %broadcast_in_dim3A_112 : vector<1x768xf32>
    %slice3A_114 = vector.extract_strided_slice %dot_general3A_7 {offsets = [896, 0], sizes = [128, 768], strides = [1, 1]} : vector<2048x768xf32> to vector<128x768xf32>
    %dot_general3A_115 = arith.constant dense<0.000000e+00> : vector<128x768xf32>
    %dot_general3A_116 = tpu.matmul %select_n3A, %slice3A_114, %dot_general3A_115 {dimension_numbers = #tpu.dot_dimension_numbers<[1], [0], [0], [1], [0, 0, 1, 1], [], []>, transpose_lhs_hint = false} : vector<128x128xf32>, vector<128x768xf32>, vector<128x768xf32> -> vector<128x768xf32>
    %add3A_117 = vector.broadcast %add3A_113 : vector<1x768xf32> to vector<128x768xf32>
    %add3A_118 = arith.addf %dot_general3A_116, %add3A_117 : vector<128x768xf32>
    %swap3A_119 = arith.constant 0 : index
    %swap3A_120 = arith.constant 896 : index
    %swap3A_121 = arith.constant 0 : index
    %swap3A_122 = vector.load %arg5[%swap3A_119, %swap3A_120, %swap3A_121] : memref<1x2056x768xf32, #tpu.memory_space<vmem>>, vector<1x128x768xf32>
    %swap3A_123 = vector.shape_cast %swap3A_122 : vector<1x128x768xf32> to vector<128x768xf32>
    %swap3A_124 = vector.shape_cast %add3A_118 : vector<128x768xf32> to vector<1x128x768xf32>
    tpu.vector_store %arg5[%swap3A_119, %swap3A_120, %swap3A_121], %swap3A_124 {strides = array<i32>} : memref<1x2056x768xf32, #tpu.memory_space<vmem>>, vector<1x128x768xf32>,
    %reduce_sum3A_125 = arith.constant dense<0.000000e+00> : vector<768xf32>
    %reduce_sum3A_126 = vector.multi_reduction <add>, %slice3A_114, %reduce_sum3A_125 [0] : vector<128x768xf32> to vector<768xf32>
    %broadcast_in_dim3A_127 = vector.shape_cast %reduce_sum3A_126 : vector<768xf32> to vector<1x768xf32>
    %add3A_128 = arith.addf %add3A_113, %broadcast_in_dim3A_127 : vector<1x768xf32>
    %slice3A_129 = vector.extract_strided_slice %dot_general3A_7 {offsets = [1024, 0], sizes = [128, 768], strides = [1, 1]} : vector<2048x768xf32> to vector<128x768xf32>
    %dot_general3A_130 = arith.constant dense<0.000000e+00> : vector<128x768xf32>
    %dot_general3A_131 = tpu.matmul %select_n3A, %slice3A_129, %dot_general3A_130 {dimension_numbers = #tpu.dot_dimension_numbers<[1], [0], [0], [1], [0, 0, 1, 1], [], []>, transpose_lhs_hint = false} : vector<128x128xf32>, vector<128x768xf32>, vector<128x768xf32> -> vector<128x768xf32>
    %add3A_132 = vector.broadcast %add3A_128 : vector<1x768xf32> to vector<128x768xf32>
    %add3A_133 = arith.addf %dot_general3A_131, %add3A_132 : vector<128x768xf32>
    %swap3A_134 = arith.constant 0 : index
    %swap3A_135 = arith.constant 1024 : index
    %swap3A_136 = arith.constant 0 : index
    %swap3A_137 = vector.load %arg5[%swap3A_134, %swap3A_135, %swap3A_136] : memref<1x2056x768xf32, #tpu.memory_space<vmem>>, vector<1x128x768xf32>
    %swap3A_138 = vector.shape_cast %swap3A_137 : vector<1x128x768xf32> to vector<128x768xf32>
    %swap3A_139 = vector.shape_cast %add3A_133 : vector<128x768xf32> to vector<1x128x768xf32>
    tpu.vector_store %arg5[%swap3A_134, %swap3A_135, %swap3A_136], %swap3A_139 {strides = array<i32>} : memref<1x2056x768xf32, #tpu.memory_space<vmem>>, vector<1x128x768xf32>,
    %reduce_sum3A_140 = arith.constant dense<0.000000e+00> : vector<768xf32>
    %reduce_sum3A_141 = vector.multi_reduction <add>, %slice3A_129, %reduce_sum3A_140 [0] : vector<128x768xf32> to vector<768xf32>
    %broadcast_in_dim3A_142 = vector.shape_cast %reduce_sum3A_141 : vector<768xf32> to vector<1x768xf32>
    %add3A_143 = arith.addf %add3A_128, %broadcast_in_dim3A_142 : vector<1x768xf32>
    %slice3A_144 = vector.extract_strided_slice %dot_general3A_7 {offsets = [1152, 0], sizes = [128, 768], strides = [1, 1]} : vector<2048x768xf32> to vector<128x768xf32>
    %dot_general3A_145 = arith.constant dense<0.000000e+00> : vector<128x768xf32>
    %dot_general3A_146 = tpu.matmul %select_n3A, %slice3A_144, %dot_general3A_145 {dimension_numbers = #tpu.dot_dimension_numbers<[1], [0], [0], [1], [0, 0, 1, 1], [], []>, transpose_lhs_hint = false} : vector<128x128xf32>, vector<128x768xf32>, vector<128x768xf32> -> vector<128x768xf32>
    %add3A_147 = vector.broadcast %add3A_143 : vector<1x768xf32> to vector<128x768xf32>
    %add3A_148 = arith.addf %dot_general3A_146, %add3A_147 : vector<128x768xf32>
    %swap3A_149 = arith.constant 0 : index
    %swap3A_150 = arith.constant 1152 : index
    %swap3A_151 = arith.constant 0 : index
    %swap3A_152 = vector.load %arg5[%swap3A_149, %swap3A_150, %swap3A_151] : memref<1x2056x768xf32, #tpu.memory_space<vmem>>, vector<1x128x768xf32>
    %swap3A_153 = vector.shape_cast %swap3A_152 : vector<1x128x768xf32> to vector<128x768xf32>
    %swap3A_154 = vector.shape_cast %add3A_148 : vector<128x768xf32> to vector<1x128x768xf32>
    tpu.vector_store %arg5[%swap3A_149, %swap3A_150, %swap3A_151], %swap3A_154 {strides = array<i32>} : memref<1x2056x768xf32, #tpu.memory_space<vmem>>, vector<1x128x768xf32>,
    %reduce_sum3A_155 = arith.constant dense<0.000000e+00> : vector<768xf32>
    %reduce_sum3A_156 = vector.multi_reduction <add>, %slice3A_144, %reduce_sum3A_155 [0] : vector<128x768xf32> to vector<768xf32>
    %broadcast_in_dim3A_157 = vector.shape_cast %reduce_sum3A_156 : vector<768xf32> to vector<1x768xf32>
    %add3A_158 = arith.addf %add3A_143, %broadcast_in_dim3A_157 : vector<1x768xf32>
    %slice3A_159 = vector.extract_strided_slice %dot_general3A_7 {offsets = [1280, 0], sizes = [128, 768], strides = [1, 1]} : vector<2048x768xf32> to vector<128x768xf32>
    %dot_general3A_160 = arith.constant dense<0.000000e+00> : vector<128x768xf32>
    %dot_general3A_161 = tpu.matmul %select_n3A, %slice3A_159, %dot_general3A_160 {dimension_numbers = #tpu.dot_dimension_numbers<[1], [0], [0], [1], [0, 0, 1, 1], [], []>, transpose_lhs_hint = false} : vector<128x128xf32>, vector<128x768xf32>, vector<128x768xf32> -> vector<128x768xf32>
    %add3A_162 = vector.broadcast %add3A_158 : vector<1x768xf32> to vector<128x768xf32>
    %add3A_163 = arith.addf %dot_general3A_161, %add3A_162 : vector<128x768xf32>
    %swap3A_164 = arith.constant 0 : index
    %swap3A_165 = arith.constant 1280 : index
    %swap3A_166 = arith.constant 0 : index
    %swap3A_167 = vector.load %arg5[%swap3A_164, %swap3A_165, %swap3A_166] : memref<1x2056x768xf32, #tpu.memory_space<vmem>>, vector<1x128x768xf32>
    %swap3A_168 = vector.shape_cast %swap3A_167 : vector<1x128x768xf32> to vector<128x768xf32>
    %swap3A_169 = vector.shape_cast %add3A_163 : vector<128x768xf32> to vector<1x128x768xf32>
    tpu.vector_store %arg5[%swap3A_164, %swap3A_165, %swap3A_166], %swap3A_169 {strides = array<i32>} : memref<1x2056x768xf32, #tpu.memory_space<vmem>>, vector<1x128x768xf32>,
    %reduce_sum3A_170 = arith.constant dense<0.000000e+00> : vector<768xf32>
    %reduce_sum3A_171 = vector.multi_reduction <add>, %slice3A_159, %reduce_sum3A_170 [0] : vector<128x768xf32> to vector<768xf32>
    %broadcast_in_dim3A_172 = vector.shape_cast %reduce_sum3A_171 : vector<768xf32> to vector<1x768xf32>
    %add3A_173 = arith.addf %add3A_158, %broadcast_in_dim3A_172 : vector<1x768xf32>
    %slice3A_174 = vector.extract_strided_slice %dot_general3A_7 {offsets = [1408, 0], sizes = [128, 768], strides = [1, 1]} : vector<2048x768xf32> to vector<128x768xf32>
    %dot_general3A_175 = arith.constant dense<0.000000e+00> : vector<128x768xf32>
    %dot_general3A_176 = tpu.matmul %select_n3A, %slice3A_174, %dot_general3A_175 {dimension_numbers = #tpu.dot_dimension_numbers<[1], [0], [0], [1], [0, 0, 1, 1], [], []>, transpose_lhs_hint = false} : vector<128x128xf32>, vector<128x768xf32>, vector<128x768xf32> -> vector<128x768xf32>
    %add3A_177 = vector.broadcast %add3A_173 : vector<1x768xf32> to vector<128x768xf32>
    %add3A_178 = arith.addf %dot_general3A_176, %add3A_177 : vector<128x768xf32>
    %swap3A_179 = arith.constant 0 : index
    %swap3A_180 = arith.constant 1408 : index
    %swap3A_181 = arith.constant 0 : index
    %swap3A_182 = vector.load %arg5[%swap3A_179, %swap3A_180, %swap3A_181] : memref<1x2056x768xf32, #tpu.memory_space<vmem>>, vector<1x128x768xf32>
    %swap3A_183 = vector.shape_cast %swap3A_182 : vector<1x128x768xf32> to vector<128x768xf32>
    %swap3A_184 = vector.shape_cast %add3A_178 : vector<128x768xf32> to vector<1x128x768xf32>
    tpu.vector_store %arg5[%swap3A_179, %swap3A_180, %swap3A_181], %swap3A_184 {strides = array<i32>} : memref<1x2056x768xf32, #tpu.memory_space<vmem>>, vector<1x128x768xf32>,
    %reduce_sum3A_185 = arith.constant dense<0.000000e+00> : vector<768xf32>
    %reduce_sum3A_186 = vector.multi_reduction <add>, %slice3A_174, %reduce_sum3A_185 [0] : vector<128x768xf32> to vector<768xf32>
    %broadcast_in_dim3A_187 = vector.shape_cast %reduce_sum3A_186 : vector<768xf32> to vector<1x768xf32>
    %add3A_188 = arith.addf %add3A_173, %broadcast_in_dim3A_187 : vector<1x768xf32>
    %slice3A_189 = vector.extract_strided_slice %dot_general3A_7 {offsets = [1536, 0], sizes = [128, 768], strides = [1, 1]} : vector<2048x768xf32> to vector<128x768xf32>
    %dot_general3A_190 = arith.constant dense<0.000000e+00> : vector<128x768xf32>
    %dot_general3A_191 = tpu.matmul %select_n3A, %slice3A_189, %dot_general3A_190 {dimension_numbers = #tpu.dot_dimension_numbers<[1], [0], [0], [1], [0, 0, 1, 1], [], []>, transpose_lhs_hint = false} : vector<128x128xf32>, vector<128x768xf32>, vector<128x768xf32> -> vector<128x768xf32>
    %add3A_192 = vector.broadcast %add3A_188 : vector<1x768xf32> to vector<128x768xf32>
    %add3A_193 = arith.addf %dot_general3A_191, %add3A_192 : vector<128x768xf32>
    %swap3A_194 = arith.constant 0 : index
    %swap3A_195 = arith.constant 1536 : index
    %swap3A_196 = arith.constant 0 : index
    %swap3A_197 = vector.load %arg5[%swap3A_194, %swap3A_195, %swap3A_196] : memref<1x2056x768xf32, #tpu.memory_space<vmem>>, vector<1x128x768xf32>
    %swap3A_198 = vector.shape_cast %swap3A_197 : vector<1x128x768xf32> to vector<128x768xf32>
    %swap3A_199 = vector.shape_cast %add3A_193 : vector<128x768xf32> to vector<1x128x768xf32>
    tpu.vector_store %arg5[%swap3A_194, %swap3A_195, %swap3A_196], %swap3A_199 {strides = array<i32>} : memref<1x2056x768xf32, #tpu.memory_space<vmem>>, vector<1x128x768xf32>,
    %reduce_sum3A_200 = arith.constant dense<0.000000e+00> : vector<768xf32>
    %reduce_sum3A_201 = vector.multi_reduction <add>, %slice3A_189, %reduce_sum3A_200 [0] : vector<128x768xf32> to vector<768xf32>
    %broadcast_in_dim3A_202 = vector.shape_cast %reduce_sum3A_201 : vector<768xf32> to vector<1x768xf32>
    %add3A_203 = arith.addf %add3A_188, %broadcast_in_dim3A_202 : vector<1x768xf32>
    %slice3A_204 = vector.extract_strided_slice %dot_general3A_7 {offsets = [1664, 0], sizes = [128, 768], strides = [1, 1]} : vector<2048x768xf32> to vector<128x768xf32>
    %dot_general3A_205 = arith.constant dense<0.000000e+00> : vector<128x768xf32>
    %dot_general3A_206 = tpu.matmul %select_n3A, %slice3A_204, %dot_general3A_205 {dimension_numbers = #tpu.dot_dimension_numbers<[1], [0], [0], [1], [0, 0, 1, 1], [], []>, transpose_lhs_hint = false} : vector<128x128xf32>, vector<128x768xf32>, vector<128x768xf32> -> vector<128x768xf32>
    %add3A_207 = vector.broadcast %add3A_203 : vector<1x768xf32> to vector<128x768xf32>
    %add3A_208 = arith.addf %dot_general3A_206, %add3A_207 : vector<128x768xf32>
    %swap3A_209 = arith.constant 0 : index
    %swap3A_210 = arith.constant 1664 : index
    %swap3A_211 = arith.constant 0 : index
    %swap3A_212 = vector.load %arg5[%swap3A_209, %swap3A_210, %swap3A_211] : memref<1x2056x768xf32, #tpu.memory_space<vmem>>, vector<1x128x768xf32>
    %swap3A_213 = vector.shape_cast %swap3A_212 : vector<1x128x768xf32> to vector<128x768xf32>
    %swap3A_214 = vector.shape_cast %add3A_208 : vector<128x768xf32> to vector<1x128x768xf32>
    tpu.vector_store %arg5[%swap3A_209, %swap3A_210, %swap3A_211], %swap3A_214 {strides = array<i32>} : memref<1x2056x768xf32, #tpu.memory_space<vmem>>, vector<1x128x768xf32>,
    %reduce_sum3A_215 = arith.constant dense<0.000000e+00> : vector<768xf32>
    %reduce_sum3A_216 = vector.multi_reduction <add>, %slice3A_204, %reduce_sum3A_215 [0] : vector<128x768xf32> to vector<768xf32>
    %broadcast_in_dim3A_217 = vector.shape_cast %reduce_sum3A_216 : vector<768xf32> to vector<1x768xf32>
    %add3A_218 = arith.addf %add3A_203, %broadcast_in_dim3A_217 : vector<1x768xf32>
    %slice3A_219 = vector.extract_strided_slice %dot_general3A_7 {offsets = [1792, 0], sizes = [128, 768], strides = [1, 1]} : vector<2048x768xf32> to vector<128x768xf32>
    %dot_general3A_220 = arith.constant dense<0.000000e+00> : vector<128x768xf32>
    %dot_general3A_221 = tpu.matmul %select_n3A, %slice3A_219, %dot_general3A_220 {dimension_numbers = #tpu.dot_dimension_numbers<[1], [0], [0], [1], [0, 0, 1, 1], [], []>, transpose_lhs_hint = false} : vector<128x128xf32>, vector<128x768xf32>, vector<128x768xf32> -> vector<128x768xf32>
    %add3A_222 = vector.broadcast %add3A_218 : vector<1x768xf32> to vector<128x768xf32>
    %add3A_223 = arith.addf %dot_general3A_221, %add3A_222 : vector<128x768xf32>
    %swap3A_224 = arith.constant 0 : index
    %swap3A_225 = arith.constant 1792 : index
    %swap3A_226 = arith.constant 0 : index
    %swap3A_227 = vector.load %arg5[%swap3A_224, %swap3A_225, %swap3A_226] : memref<1x2056x768xf32, #tpu.memory_space<vmem>>, vector<1x128x768xf32>
    %swap3A_228 = vector.shape_cast %swap3A_227 : vector<1x128x768xf32> to vector<128x768xf32>
    %swap3A_229 = vector.shape_cast %add3A_223 : vector<128x768xf32> to vector<1x128x768xf32>
    tpu.vector_store %arg5[%swap3A_224, %swap3A_225, %swap3A_226], %swap3A_229 {strides = array<i32>} : memref<1x2056x768xf32, #tpu.memory_space<vmem>>, vector<1x128x768xf32>,
    %reduce_sum3A_230 = arith.constant dense<0.000000e+00> : vector<768xf32>
    %reduce_sum3A_231 = vector.multi_reduction <add>, %slice3A_219, %reduce_sum3A_230 [0] : vector<128x768xf32> to vector<768xf32>
    %broadcast_in_dim3A_232 = vector.shape_cast %reduce_sum3A_231 : vector<768xf32> to vector<1x768xf32>
    %add3A_233 = arith.addf %add3A_218, %broadcast_in_dim3A_232 : vector<1x768xf32>
    %slice3A_234 = vector.extract_strided_slice %dot_general3A_7 {offsets = [1920, 0], sizes = [128, 768], strides = [1, 1]} : vector<2048x768xf32> to vector<128x768xf32>
    %dot_general3A_235 = arith.constant dense<0.000000e+00> : vector<128x768xf32>
    %dot_general3A_236 = tpu.matmul %select_n3A, %slice3A_234, %dot_general3A_235 {dimension_numbers = #tpu.dot_dimension_numbers<[1], [0], [0], [1], [0, 0, 1, 1], [], []>, transpose_lhs_hint = false} : vector<128x128xf32>, vector<128x768xf32>, vector<128x768xf32> -> vector<128x768xf32>
    %add3A_237 = vector.broadcast %add3A_233 : vector<1x768xf32> to vector<128x768xf32>
    %add3A_238 = arith.addf %dot_general3A_236, %add3A_237 : vector<128x768xf32>
    %swap3A_239 = arith.constant 0 : index
    %swap3A_240 = arith.constant 1920 : index
    %swap3A_241 = arith.constant 0 : index
    %swap3A_242 = vector.load %arg5[%swap3A_239, %swap3A_240, %swap3A_241] : memref<1x2056x768xf32, #tpu.memory_space<vmem>>, vector<1x128x768xf32>
    %swap3A_243 = vector.shape_cast %swap3A_242 : vector<1x128x768xf32> to vector<128x768xf32>
    %swap3A_244 = vector.shape_cast %add3A_238 : vector<128x768xf32> to vector<1x128x768xf32>
    tpu.vector_store %arg5[%swap3A_239, %swap3A_240, %swap3A_241], %swap3A_244 {strides = array<i32>} : memref<1x2056x768xf32, #tpu.memory_space<vmem>>, vector<1x128x768xf32>,
    %reduce_sum3A_245 = arith.constant dense<0.000000e+00> : vector<768xf32>
    %reduce_sum3A_246 = vector.multi_reduction <add>, %slice3A_234, %reduce_sum3A_245 [0] : vector<128x768xf32> to vector<768xf32>
    %broadcast_in_dim3A_247 = vector.shape_cast %reduce_sum3A_246 : vector<768xf32> to vector<1x768xf32>
    %add3A_248 = arith.addf %add3A_233, %broadcast_in_dim3A_247 : vector<1x768xf32>
    %broadcast_in_dim3A_249 = arith.constant 0.000000e+00 : f32
    %broadcast_in_dim3A_250 = vector.broadcast %broadcast_in_dim3A_249 : f32 to vector<7x768xf32>
    %concatenate3A = tpu.concatenate %add3A_248, %broadcast_in_dim3A_250 in 0 : vector<1x768xf32>, vector<7x768xf32> -> vector<8x768xf32>
    %swap3A_251 = arith.constant 0 : index
    %swap3A_252 = arith.constant 2048 : index
    %swap3A_253 = arith.constant 0 : index
    %swap3A_254 = vector.load %arg5[%swap3A_251, %swap3A_252, %swap3A_253] : memref<1x2056x768xf32, #tpu.memory_space<vmem>>, vector<1x8x768xf32>
    %swap3A_255 = vector.shape_cast %swap3A_254 : vector<1x8x768xf32> to vector<8x768xf32>
    %swap3A_256 = vector.shape_cast %concatenate3A : vector<8x768xf32> to vector<1x8x768xf32>
    tpu.vector_store %arg5[%swap3A_251, %swap3A_252, %swap3A_253], %swap3A_256 {strides = array<i32>} : memref<1x2056x768xf32, #tpu.memory_space<vmem>>, vector<1x8x768xf32>,
    %get3A_257 = arith.constant 0 : index
    %get3A_258 = arith.constant 0 : index
    %get3A_259 = arith.constant 0 : index
    %get3A_260 = vector.load %arg3[%get3A_257, %get3A_258, %get3A_259] : memref<1x64x128xi32, #tpu.memory_space<vmem>>, vector<1x64x128xi32>
    %get3A_261 = vector.shape_cast %get3A_260 : vector<1x64x128xi32> to vector<64x128xi32>
    %jit3A_262 = arith.constant 0 : i32
    %jit3A_263 = arith.constant 2047 : i32
    %max3A = vector.broadcast %jit3A_262 : i32 to vector<64x128xi32>
    %max3A_264 = arith.maxsi %max3A, %get3A_261 : vector<64x128xi32>
    %min3A = vector.broadcast %jit3A_263 : i32 to vector<64x128xi32>
    %min3A_265 = arith.minsi %min3A, %max3A_264 : vector<64x128xi32>
    %get3A_266 = arith.constant 0 : index
    %get3A_267 = arith.constant 0 : index
    %get3A_268 = arith.constant 0 : index
    %get3A_269 = vector.load %arg4[%get3A_266, %get3A_267, %get3A_268] : memref<1x64x128xi32, #tpu.memory_space<vmem>>, vector<1x64x128xi32>
    %get3A_270 = vector.shape_cast %get3A_269 : vector<1x64x128xi32> to vector<64x128xi32>
    %jit3A_271 = arith.constant 0 : i32
    %jit3A_272 = arith.constant 2047 : i32
    %max3A_273 = vector.broadcast %jit3A_271 : i32 to vector<64x128xi32>
    %max3A_274 = arith.maxsi %max3A_273, %get3A_270 : vector<64x128xi32>
    %min3A_275 = vector.broadcast %jit3A_272 : i32 to vector<64x128xi32>
    %min3A_276 = arith.minsi %min3A_275, %max3A_274 : vector<64x128xi32>
    %le3A = arith.cmpi sle, %min3A_265, %min3A_276 : vector<64x128xi32>
    %sub3A = arith.subi %min3A_276, %min3A_265 : vector<64x128xi32>
    %add3A_277 = arith.constant 1 : i32
    %add3A_278 = vector.broadcast %add3A_277 : i32 to vector<64x128xi32>
    %add3A_279 = arith.addi %sub3A, %add3A_278 : vector<64x128xi32>
    %convert_element_type3A = arith.sitofp %add3A_279 : vector<64x128xi32> to vector<64x128xf32>
    %div3A = arith.constant 1.000000e+00 : f32
    %div3A_280 = vector.broadcast %div3A : f32 to vector<64x128xf32>
    %div3A_281 = arith.divf %div3A_280, %convert_element_type3A : vector<64x128xf32>
    %jit3A_282 = arith.constant 0.000000e+00 : f32
    %broadcast_in_dim3A_283 = vector.broadcast %jit3A_282 : f32 to vector<64x128xf32>
    %select_n3A_284 = arith.select %le3A, %div3A_281, %broadcast_in_dim3A_283 : vector<64x128xi1>, vector<64x128xf32>
    %swap3A_285 = arith.constant 0 : index
    %swap3A_286 = arith.constant 0 : index
    %swap3A_287 = arith.constant 0 : index
    %swap3A_288 = vector.load %arg8[%swap3A_285, %swap3A_286, %swap3A_287] : memref<1x64x128xf32, #tpu.memory_space<vmem>>, vector<1x64x128xf32>
    %swap3A_289 = vector.shape_cast %swap3A_288 : vector<1x64x128xf32> to vector<64x128xf32>
    %swap3A_290 = vector.shape_cast %select_n3A_284 : vector<64x128xf32> to vector<1x64x128xf32>
    tpu.vector_store %arg8[%swap3A_285, %swap3A_286, %swap3A_287], %swap3A_290 {strides = array<i32>} : memref<1x64x128xf32, #tpu.memory_space<vmem>>, vector<1x64x128xf32>,
    %mul3A = arith.constant 2056 : i32
    %mul3A_291 = arith.muli %arg0, %mul3A : i32
    %add3A_292 = vector.broadcast %mul3A_291 : i32 to vector<64x128xi32>
    %add3A_293 = arith.addi %min3A_265, %add3A_292 : vector<64x128xi32>
    %swap3A_294 = arith.constant 0 : index
    %swap3A_295 = arith.constant 0 : index
    %swap3A_296 = arith.constant 0 : index
    %swap3A_297 = vector.load %arg6[%swap3A_294, %swap3A_295, %swap3A_296] : memref<1x64x128xi32, #tpu.memory_space<vmem>>, vector<1x64x128xi32>
    %swap3A_298 = vector.shape_cast %swap3A_297 : vector<1x64x128xi32> to vector<64x128xi32>
    %swap3A_299 = vector.shape_cast %add3A_293 : vector<64x128xi32> to vector<1x64x128xi32>
    tpu.vector_store %arg6[%swap3A_294, %swap3A_295, %swap3A_296], %swap3A_299 {strides = array<i32>} : memref<1x64x128xi32, #tpu.memory_space<vmem>>, vector<1x64x128xi32>,
    %add3A_300 = arith.constant 1 : i32
    %add3A_301 = vector.broadcast %add3A_300 : i32 to vector<64x128xi32>
    %add3A_302 = arith.addi %min3A_276, %add3A_301 : vector<64x128xi32>
    %add3A_303 = vector.broadcast %mul3A_291 : i32 to vector<64x128xi32>
    %add3A_304 = arith.addi %add3A_302, %add3A_303 : vector<64x128xi32>
    %swap3A_305 = arith.constant 0 : index
    %swap3A_306 = arith.constant 0 : index
    %swap3A_307 = arith.constant 0 : index
    %swap3A_308 = vector.load %arg7[%swap3A_305, %swap3A_306, %swap3A_307] : memref<1x64x128xi32, #tpu.memory_space<vmem>>, vector<1x64x128xi32>
    %swap3A_309 = vector.shape_cast %swap3A_308 : vector<1x64x128xi32> to vector<64x128xi32>
    %swap3A_310 = vector.shape_cast %add3A_304 : vector<64x128xi32> to vector<1x64x128xi32>
    tpu.vector_store %arg7[%swap3A_305, %swap3A_306, %swap3A_307], %swap3A_310 {strides = array<i32>} : memref<1x64x128xi32, #tpu.memory_space<vmem>>, vector<1x64x128xi32>,
    return
  }
  func.func @transform_0(%arg0: i32) -> (i32, i32, i32) {
    %c0_i32 = arith.constant 0 : i32
    %c0_i32_0 = arith.constant 0 : i32
    %c0_i32_1 = arith.constant 0 : i32
    return %arg0, %c0_i32, %c0_i32_0 : i32, i32, i32
  }
  func.func @transform_1(%arg0: i32) -> (i32, i32) {
    %c0_i32 = arith.constant 0 : i32
    %c0_i32_0 = arith.constant 0 : i32
    %c0_i32_1 = arith.constant 0 : i32
    return %c0_i32, %c0_i32_0 : i32, i32
  }
  func.func @transform_2(%arg0: i32) -> (i32, i32, i32) {
    %c0_i32 = arith.constant 0 : i32
    %c0_i32_0 = arith.constant 0 : i32
    %c0_i32_1 = arith.constant 0 : i32
    return %arg0, %c0_i32, %c0_i32_0 : i32, i32, i32
  }
  func.func @transform_3(%arg0: i32) -> (i32, i32, i32) {
    %c0_i32 = arith.constant 0 : i32
    %c0_i32_0 = arith.constant 0 : i32
    %c0_i32_1 = arith.constant 0 : i32
    return %arg0, %c0_i32, %c0_i32_0 : i32, i32, i32
  }
  func.func @transform_4(%arg0: i32) -> (i32, i32, i32) {
    %c0_i32 = arith.constant 0 : i32
    %c0_i32_0 = arith.constant 0 : i32
    %c0_i32_1 = arith.constant 0 : i32
    return %arg0, %c0_i32, %c0_i32_0 : i32, i32, i32
  }
  func.func @transform_5(%arg0: i32) -> (i32, i32, i32) {
    %c0_i32 = arith.constant 0 : i32
    %c0_i32_0 = arith.constant 0 : i32
    %c0_i32_1 = arith.constant 0 : i32
    return %arg0, %c0_i32, %c0_i32_0 : i32, i32, i32
  }
  func.func @transform_6(%arg0: i32) -> (i32, i32, i32) {
    %c0_i32 = arith.constant 0 : i32
    %c0_i32_0 = arith.constant 0 : i32
    %c0_i32_1 = arith.constant 0 : i32
    return %arg0, %c0_i32, %c0_i32_0 : i32, i32, i32
  }
  func.func @transform_7(%arg0: i32) -> (i32, i32, i32) {
    %c0_i32 = arith.constant 0 : i32
    %c0_i32_0 = arith.constant 0 : i32
    %c0_i32_1 = arith.constant 0 : i32
    return %arg0, %c0_i32, %c0_i32_0 : i32, i32, i32
  }
}

</mosaic_0001>

<sc_bundles>
// kernel: kernel.4.cloned.1.call-start
scs
__scs_entry_jumppad:
0x0: {  	(pc) =	sbr.rel $0x88, $3  }
0x1: {  	(tag) =	ssettag $0x0;
	lr =	simm.s32 $0x1  }
0x2: {  	[smem:$0x3F9D] =	sst lr;
	_ =	strace $0xD0000000  }
0x3: {  	_ = 	snop  }
0x4: {  	_ = 	snop  }
0x5: {  	_ = 	snop  }
0x6: {  	_ = 	snop  }
0x7: {  	_ = 	snop  }
__scs_overlays_trampoline_lowered:
0x8: {  	[smem:$0x3FAC] =	sst s0  }
0x9: {  	[smem:$0x3FAD] =	sst s1  }
0xa: {  	[smem:$0x3FAE] =	sst s2  }
0xb: {  	[smem:$0x3FAF] =	sst s3  }
0xc: {  	[smem:$0x3FB0] =	sst s4  }
0xd: {  	[smem:$0x3FB1] =	sst s5  }
0xe: {  	[smem:$0x3FB2] =	sst s6  }
0xf: {  	[smem:$0x3FB3] =	sst s7  }
0x10: {  	[smem:$0x3FB4] =	sst s8  }
0x11: {  	[smem:$0x3FB5] =	sst s9;
	s0 =	simm.s32 @!p0 $0x0  }
0x12: {  	s1 =	sld [smem:$0x3F9B];
	s0 =	simm.s32 @p0 $0x1  }
0x13: {  	[smem:$0x3FB6] =	sst s0;
	s0 =	simm.s32 @!p1 $0x0  }
0x14: {  	s2 =	sld [smem:$0x3F9A];
	s0 =	simm.s32 @p1 $0x1  }
0x15: {  	[smem:$0x3FB7] =	sst s0;
	s0 =	simm.s32 @!p2 $0x0  }
0x16: {  	s3 =	sld [smem:$0x3FDB];
	s0 =	simm.s32 @p2 $0x1  }
0x17: {  	s4 =	simm.s32 $0x1BF5;
	[smem:$0x3FB9] =	sst s0  }
0x18: {  	s0 =	sld [smem:$0x3F9C];
	_ =	swait.ge [sflag:s4], $0x0  }
0x19: {  	s7 =	sld [smem:$0x3F9D]  }
0x1a: {  	s8 =	sadd.s32 $0xFFFFE003, lr  }
0x1b: {  	s9 =	sadd.s32 $0xFFFFFEF7, lr;
	s5 =	simm.s32 $0xFFFFFFFF;
	p2 =	slt.u32 s8, $0xFFFFF086  }
0x1c: {  	p1 =	slt.u32 s9, $0xF7A;
	s5 =	simm.s32 @!p2 $0x0  }
0x1d: {  	s5 =	simm.s32 @p1 $0x1;
	p0 =	seq.s32 s7, s2  }
0x1e: {  	s7 =	smul.u32 @!p0 $0xF7A, s2;
	p2 =	seq.s32 @!p0 s5, $0x0  }
0x1f: {  	s9 =	smul.u32 $0xF7A, s1;
	s8 =	simm.s32 @!p0 $0x1BF5;
	p2 =	por !p2, p0  }
0x20: {  	[sflag:s8] =	ssyncset.s32 @!p0 $0xFFFFF086;
	s6 =	sadd.s32 @!p0 s3, s7;
	s7 =	simm.s32 @!p0 $0x108  }
0x21: {  	s3 =	sadd.s32 s3, s9;
	s6 =	sadd.s32 @!p0 $0x88, s6;
	s7 =	simm.s32 @p2 $0x1082  }
0x22: {  	[simem:s7], [sflag:s8] =	dma.local @!p0 [hbm:s6], $0xF7A  }
0x23: {  	s9 =	sor.u32 $0xD0000000, s2;
	s6 =	simm.s32 $0x108;
	_ =	swait.ge @!p0 [sflag:s8], $0x0  }
0x24: {  	s3 =	sadd.s32 $0x88, s3;
	s6 =	simm.s32 @!p1 $0x1082;
	[sflag:s4] =	ssyncset.s32 $0xFFFFF086  }
0x25: {  	[simem:s6], [sflag:s4] =	dma.local [hbm:s3], $0xF7A  }
0x26: {  	[smem:$0x3F9D] =	sst s1;
	(tag) =	ssettag s2;
	_ =	strace s9  }
0x27: {  	s1 =	sld [smem:$0x3FAD]  }
0x28: {  	s2 =	sld [smem:$0x3FAE]  }
0x29: {  	s4 =	sld [smem:$0x3FB0]  }
0x2a: {  	p0 =	seq.s32 s5, $0x0;
	s5 =	sld [smem:$0x3FB1]  }
0x2b: {  	s6 =	sld [smem:$0x3FB2]  }
0x2c: {  	s7 =	sld [smem:$0x3FB3]  }
0x2d: {  	s3 =	simm.s32 $0x108;
	s8 =	sld [smem:$0x3FB4]  }
0x2e: {  	s3 =	simm.s32 @!p0 $0x1082;
	s9 =	sld [smem:$0x3FB5]  }
0x2f: {  	lr =	sadd.s32 s0, s3;
	s0 =	sld [smem:$0x3FAC]  }
0x30: {  	s3 =	sld [smem:$0x3FAF]  }
0x31: {  	[smem:$0x3FB8] =	sst s10  }
0x32: {  	s10 =	sld [smem:$0x3FB6];
	_ =	sdelay $0x3  }
0x33: {  	p0 =	seq.s32 s10, $0x1;
	s10 =	sld [smem:$0x3FB8];
	_ =	sdelay $0x3  }
0x34: {  	[smem:$0x3FB8] =	sst s10  }
0x35: {  	s10 =	sld [smem:$0x3FB7];
	_ =	sdelay $0x3  }
0x36: {  	p1 =	seq.s32 s10, $0x1;
	s10 =	sld [smem:$0x3FB8];
	_ =	sdelay $0x3  }
0x37: {  	[smem:$0x3FB8] =	sst s10  }
0x38: {  	s10 =	sld [smem:$0x3FB9]  }
0x39: {  	_ = 	snop;
	(pc) =	sbr.ind lr, $3  }
0x3a: {  	_ = 	snop  }
0x3b: {  	_ = 	snop  }
0x3c: {  	p2 =	seq.s32 s10, $0x1;
	s10 =	sld [smem:$0x3FB8]  }
0x3d: {  	_ =	shalt  }
0x3e: {  	_ =	shalt  }
0x3f: {  	_ =	shalt  }
0x40: {  	_ =	shalt  }
0x41: {  	_ =	shalt  }
0x42: {  	_ =	shalt  }
0x43: {  	_ =	shalt  }
0x44: {  	_ =	shalt  }
0x45: {  	_ =	shalt  }
0x46: {  	_ =	shalt  }
0x47: {  	_ =	shalt  }
0x48: {  	_ =	shalt  }
0x49: {  	_ =	shalt  }
0x4a: {  	_ =	shalt  }
0x4b: {  	_ =	shalt  }
0x4c: {  	_ =	shalt  }
0x4d: {  	_ =	shalt  }
0x4e: {  	_ =	shalt  }
0x4f: {  	_ =	shalt  }
0x50: {  	_ =	shalt  }
0x51: {  	_ =	shalt  }
0x52: {  	_ =	shalt  }
0x53: {  	_ =	shalt  }
0x54: {  	_ =	shalt  }
0x55: {  	_ =	shalt  }
0x56: {  	_ =	shalt  }
0x57: {  	_ =	shalt  }
0x58: {  	_ =	shalt  }
0x59: {  	_ =	shalt  }
0x5a: {  	_ =	shalt  }
0x5b: {  	_ =	shalt  }
0x5c: {  	_ =	shalt  }
0x5d: {  	_ =	shalt  }
0x5e: {  	_ =	shalt  }
0x5f: {  	_ =	shalt  }
0x60: {  	_ =	shalt  }
0x61: {  	_ =	shalt  }
0x62: {  	_ =	shalt  }
0x63: {  	_ =	shalt  }
0x64: {  	_ =	shalt  }
0x65: {  	_ =	shalt  }
0x66: {  	_ =	shalt  }
0x67: {  	_ =	shalt  }
0x68: {  	_ =	shalt  }
0x69: {  	_ =	shalt  }
0x6a: {  	_ =	shalt  }
0x6b: {  	_ =	shalt  }
0x6c: {  	_ =	shalt  }
0x6d: {  	_ =	shalt  }
0x6e: {  	_ =	shalt  }
0x6f: {  	_ =	shalt  }
0x70: {  	_ =	shalt  }
0x71: {  	_ =	shalt  }
0x72: {  	_ =	shalt  }
0x73: {  	_ =	shalt  }
0x74: {  	_ =	shalt  }
0x75: {  	_ =	shalt  }
0x76: {  	_ =	shalt  }
0x77: {  	_ =	shalt  }
0x78: {  	_ =	shalt  }
0x79: {  	_ =	shalt  }
0x7a: {  	_ =	shalt  }
0x7b: {  	_ =	shalt  }
0x7c: {  	_ =	shalt  }
0x7d: {  	_ =	shalt  }
0x7e: {  	_ =	shalt  }
0x7f: {  	_ =	shalt  }
0x80: {  	_ =	shalt  }
0x81: {  	_ =	shalt  }
0x82: {  	_ =	shalt  }
0x83: {  	_ =	shalt  }
0x84: {  	_ =	shalt  }
0x85: {  	_ =	shalt  }
0x86: {  	_ =	shalt  }
0x87: {  	_ =	shalt  }
.Lfunc_end0:
.L_simem_size_0:
called_computation_lowered:
.L_overlay_start_0:
0x88: {  	s2 =	sld [smem:$0x3FD9]  }
0x89: {  	s3 =	sld [smem:$0x3FFE];
	_ =	sdelay $0x1  }
0x8a: {  	s1 =	srdreg.scid  }
0x8b: {  	s0 =	sand.u32 $0x1, s1  }
0x8c: {  	s17 =	sshll.u32 s0, $0xA;
	s2 =	sadd.s32 s3, s2  }
0x8d: {  	s2 =	sadd.s32 s2, s17  }
0x8e: {  	[smem:$0x3FC4] =	sst s2  }
0x8f: {  	_ = 	snop  }
0x90: {  	s2 =	sld [smem:$0x3FC6]  }
0x91: {  	s18 =	sld [smem:$0x3FD0];
	(tm) =	ssettm $0x1  }
0x92: {  	s4 =	sld [smem:$0x3FFB];
	_ =	sdelay $0x3  }
0x93: {  	_ =	strace s4  }
0x94: {  	s4 =	sld [smem:$0x3FFC];
	_ =	sdelay $0x3  }
0x95: {  	_ =	strace s4  }
0x96: {  	s4 =	sld [smem:$0x3FFD];
	_ =	sdelay $0x3  }
0x97: {  	_ =	strace s4  }
0x98: {  	_ =	strace $0x8FFFFFFF  }
0x99: {  	s19 =	sld [smem:$0x3FDB];
	_ =	sdelay $0x1  }
0x9a: {  	s5 =	simm.s32 $_scs_section_size  }
0x9b: {  	s6 =	simm.s32 $_size__tile_overlayer_lowered;
	s7 =	simm.s32 $_tile_overlayer_lowered  }
0x9c: {  	s22 =	simm.s32 $0x1BFF;
	s21 =	sshll.u32 s7, $0x1;
	s4 =	sadd.s32 s5, s19  }
0x9d: {  	s8 =	simm.s32 $0x0;
	s20 =	sshll.u32 s6, $0x1;
	s6 =	sadd.s32 s21, s4  }
0x9e: {  	[timem:s8], [sflag:s22] =	dma.local [hbm:s6], s20  }
0x9f: {  	_ =	swait.ge [sflag:s22], s20  }
0xa0: {  	s5 =	ssub.s32 $0x0, s20;
	[sflag:s22] =	ssyncset.done $0x0  }
0xa1: {  	[sflag:s22] =	ssyncadd.s32 s5;
	_ =	sdelay $0x1  }
0xa2: {  	s23 =	simm.s32 $0x1B8B  }
0xa3: {  	_ =	swait.ge [sflag:s23], $0x1  }
0xa4: {  	[sflag:s23] =	ssyncset.done $0x0  }
0xa5: {  	s25 =	simm.s32 $0x1B8E;
	s24 =	sld [smem:$0x3FFE];
	[sflag:s23] =	ssyncadd.s32 $0xFFFFFFFF  }
0xa6: {  	s26 =	simm.s32 $execute0_lowered;
	[smem:$0x3FD2] =	sst s25  }
0xa7: {  	s6 =	sshll.u32 s26, $0x1;
	_ =	strace $0x80000046;
	[dreg:$0x1] =	wrdreg $0xFFFFFFFF  }
0xa8: {  	s28 =	simm.s32 $_size_execute0_lowered;
	s4 =	sadd.s32 s4, s6;
	[dreg:$0x0] =	wrdreg $0x0  }
0xa9: {  	s6 =	sshll.u32 s28, $0x1;
	[dreg:$0x2] =	wrdreg s4  }
0xaa: {  	[dreg:$0x3] =	wrdreg s6  }
0xab: {  	[dreg:$0x4] =	wrdreg $0xC0  }
0xac: {  	_ =	task [dreg:s8], $0x5FFFF  }
0xad: {  	[dreg:$0x1] =	wrdreg $0xFFFFFFFF  }
0xae: {  	[dreg:$0x0] =	wrdreg $0x60  }
0xaf: {  	[dreg:$0x2] =	wrdreg s18  }
0xb0: {  	[dreg:$0x3] =	wrdreg s24  }
0xb1: {  	[dreg:$0x4] =	wrdreg s2  }
0xb2: {  	[dreg:$0x5] =	wrdreg $0x9  }
0xb3: {  	_ =	task.clear_ibuf [dreg:s8], $0x6FFFF;
	_ =	strace $0x90000046  }
0xb4: {  	s29 =	simm.s32 $0x9;
	_ =	strace $0x80000048  }
0xb5: {  	_ =	swait.ge [sflag:s29], $0x1  }
0xb6: {  	[sflag:s29] =	ssyncadd.s32 $0xFFFFFFFF  }
0xb7: {  	_ =	strace $0x90000048  }
0xb8: {  	_ =	sfence  }
0xb9: {  	s30 =	sld [smem:$0x0];
	_ =	sdelay $0x2  }
0xba: {  	s31 =	sshll.u32 s1, $0xD;
	s1 =	sshrl.u32 s1, $0x2  }
0xbb: {  	s3 =	sand.u32 $0x4000, s31;
	s1 =	sadd.s32 s1, s30  }
0xbc: {  	s0 =	sor.u32 s3, s0;
	s1 =	sshll.u32 s1, $0x11  }
0xbd: {  	s0 =	sor.u32 s1, s0  }
0xbe: {  	s0 =	sadd.s32 $0x8F2B, s0  }
0xbf: {  	[sflag:s0] =	ssyncadd.remote.s32 $0x1  }
0xc0: {  	_ =	sfence.sel $0xFFFF  }
0xc1: {  	[dreg:$0x0] =	wrdreg $0xFFFFFFFF;
	(pc) =	sbr.abs _section_cstart, $3  }
0xc2: {  	[dreg:$0x1] =	wrdreg $0xFFFFFFFF  }
0xc3: {  	_ =	task.clear_ibuf [dreg:s8], $0x2FFFF;
	_ =	strace $0x9FFFFFFF  }
0xc4: {  	(tm) =	ssettm $0x7FFFFFFF  }
0xc5: {  	_ =	shalt  }
tec
execute0_lowered:
.L_overlay_start_1:
0x0: {  	(tag) =	ssettag $0x1  }
0x1: {  	s1 =	rddreg [dreg:$0x0];
	s0 =	srdreg.scid  }
0x2: {  	s2 =	rddreg [dreg:$0x1];
	s3 =	stileid.u32;
	s4 =	simm.s32 $0x0  }
0x3: {  	s24 =	simm.s32 $0x3700;
	s28 =	simm.s32 $0xAF00;
	s29 =	simm.s32 $0xB700  }
0x4: {  	s30 =	simm.s32 $0xBF00;
	s31 =	simm.s32 $0xC700;
	s14 =	simm.s32 $0x2  }
0x5: {  	s9 =	simm.s32 $0x5;
	s15 =	simm.s32 $0x3;
	s16 =	simm.s32 $0x0  }
0x6: {  	s0 =	sand.u32 $0x1, s0;
	s3 =	sshll.u32 s3, $0xB;
	[smem:$0x7FF] =	sst s4  }
0x7: {  	s6 =	sadd.s32 $0x4000, s2;
	s5 =	sshll.u32 s0, $0xA;
	s0 =	ssub.s32 $0x2, s0  }
0x8: {  	s10 =	sadd.s32 $0x100, s1;
	s5 =	sor.u32 s5, s3;
	s7 =	sshrl.u32 s0, $0x1  }
0x9: {  	v0 =	vimm.s32 $0xBA983210;
	s11 =	sadd.s32 $0x200, s1;
	s3 =	sshrl.u32 s5, $0x3;
	s0 =	ssub.s32 s0, s7  }
0xa: {  	v1 =	vimm.s32 $0x13121110;
	v2 =	vimm.s32 $0x1B1A1918;
	v0 =	vunpack.c.l.s4.s8 v0;
	_ =	strace $0x80000047;
	s3 =	sadd.s32 s3, s2;
	s0 =	smax.u32 s0, $0x1  }
.Ltmp0:
0xb: {  	v1 =	vunpack.c.0.s8.s32 v1;
	v2 =	vunpack.c.0.s8.s32 v2;
	s25 =	sadd.s32 $0x1000, s3;
	[dreg:$0x7] =	wrdreg s0;
	(pc) =	sbr.rel .LBB2_1-.Ltmp0, $4  }
0xc: {  	v3 =	vlaneseq.u32;
	vm0 =	vcmask $0x1F10;
	s12 =	sadd.s32 $0x4100, s2;
	v4 =	vunpack.c.0.s8.s32 v0;
	s26 =	sadd.s32 $0x2000, s3;
	[dreg:$0x4] =	wrdreg s25  }
0xd: {  	s13 =	sadd.s32 $0x4200, s2;
	v5 =	vshrl.u32 v3, $0x3;
	v6 =	vsel vm0, v2, v1;
	s3 =	sadd.s32 $0x3000, s3;
	[dreg:$0x5] =	wrdreg s26  }
0xe: {  	v0 =	vand.u32 $0x7, v3;
	v1 =	vmul.u32 $0x8, v5;
	s2 =	simm.s32 $0x1;
	v4 =	vand.u32 $0xF, v4;
	s0 =	simm.s32 $0x4;
	[dreg:$0x6] =	wrdreg s3  }
0xf: {  	vm0 =	vmmov $0xffff;
	v2 =	vor.u32 $0x8, v3;
	v3 =	vcombine.low v4, v6;
	s25 =	simm.s32 $0x9F00;
	s26 =	simm.s32 $0xA700;
	s3 =	simm.s32 $0x6  }
.LBB2_10:
0x10: {  	s7 =	simm.s32 $0x8  }
0x11: {  	_ =	swait.ge [sflag:s7], $0x3000  }
0x12: {  	[sflag:s7] =	ssyncset.done $0x0  }
0x13: {  	s22 =	simm.s32 $0x9;
	[sflag:s7] =	ssyncadd.s32 $0xFFFFD000  }
0x14: {  	_ =	swait.ge [sflag:s22], $0x3000  }
0x15: {  	[sflag:s22] =	ssyncset.done $0x0  }
0x16: {  	s8 =	simm.s32 $0x7;
	[sflag:s22] =	ssyncadd.s32 $0xFFFFD000  }
0x17: {  	_ =	swait.ge [sflag:s8], $0x3000  }
0x18: {  	s16 =	rddreg [dreg:$0x8]  }
0x19: {  	s23 =	rddreg [dreg:$0x7];
	s16 =	sadd.s32 $0x1, s16  }
0x1a: {  	p0 =	sne.s32 s16, s23  }
.Ltmp1:
0x1b: {  	_ = 	snop;
	(pc) =	sbr.rel @!p0 .LBB2_11-.Ltmp1, $3  }
0x1c: {  	_ =	sdelay $0x1  }
0x1d: {  	[sflag:s8] =	ssyncset.done $0x0  }
0x1e: {  	[sflag:s8] =	ssyncadd.s32 $0xFFFFD000  }
.LBB2_1:
0x1f: {  	[dreg:$0x8] =	wrdreg s16  }
0x20: {  	s7 =	rddreg [dreg:$0x4];
	s8 =	simm.s32 $0xA  }
0x21: {  	[tilespmem:s4], [sflag:$0xA] =	stream.linear.gather [hbm4b:s7+s4], $0x400, $0x38;
	[tilespmem:$0x1BF00] =	vst v63  }
0x22: {  	_ =	swait.ge [sflag:s8], $0x400  }
0x23: {  	[sflag:s8] =	ssyncset.done $0x0  }
0x24: {  	s19 =	simm.s32 $0x400;
	s18 =	rddreg [dreg:$0x5];
	[sflag:s8] =	ssyncadd.s32 $0xFFFFFC00  }
0x25: {  	[tilespmem:s19], [sflag:$0xA] =	stream.linear.gather [hbm4b:s18+s4], $0x400, $0x38;
	[tilespmem:$0x1BF00] =	vst v63  }
0x26: {  	_ =	swait.ge [sflag:s8], $0x400  }
0x27: {  	[sflag:s8] =	ssyncset.done $0x0  }
0x28: {  	s21 =	simm.s32 $0x800;
	s20 =	rddreg [dreg:$0x6];
	[sflag:s8] =	ssyncadd.s32 $0xFFFFFC00  }
0x29: {  	[tilespmem:s21], [sflag:$0xA] =	stream.linear.gather [hbm4b:s20+s4], $0x400, $0x38;
	[tilespmem:$0x1BF00] =	vst v63  }
0x2a: {  	_ =	swait.ge [sflag:s8], $0x400  }
0x2b: {  	[sflag:s8] =	ssyncset.done $0x0  }
0x2c: {  	[sflag:s8] =	ssyncadd.s32 $0xFFFFFC00  }
0x2d: {  	s23 =	simm.s32 $0xC00;
	s22 =	rddreg [dreg:$0x2]  }
0x2e: {  	[tilespmem:s23], [sflag:$0xA] =	stream.linear.gather [hbm4b:s22+s4], $0x300, $0x38;
	[tilespmem:$0x1BF00] =	vst v63  }
0x2f: {  	_ =	swait.ge [sflag:s8], $0x300  }
0x30: {  	[sflag:s8] =	ssyncset.done $0x0  }
0x31: {  	[sflag:s8] =	ssyncadd.s32 $0xFFFFFD00  }
0x32: {  	v4 =	vld [tilespmem:$0x0];
	_ =	sdelay $0x4  }
0x33: {  	v5 =	vshrl.u32 v4, $0x3  }
0x34: {  	v5 =	vmul.u32 $0x30, v5  }
0x35: {  	v4 =	vand.u32 $0x7, v4  }
0x36: {  	v4 =	vor.u32 v4, v5  }
0x37: {  	v5 =	vperm.xlane v4, v0;
	_ =	sdelay $0x1  }
0x38: {  	v5 =	vadd.s32 v1, v5;
	_ =	sdelay $0x3  }
0x39: {  	s16 =	simm.s32 $0xF00;
	v4 =	vperm.xlane v4, v2  }
0x3a: {  	[tilespmem:s16], [sflag:$0x1] =	stream.indirect_vreg.gather [hbm4b:s1+s4], $0x80, v5, vm0, $0xb8;
	[tilespmem:$0x1BF00] =	vst v63  }
0x3b: {  	s17 =	simm.s32 $0x1700;
	v4 =	vadd.s32 v1, v4  }
0x3c: {  	[tilespmem:s17], [sflag:$0x1] =	stream.indirect_vreg.gather [hbm4b:s10+s4], $0x80, v5, vm0, $0xb8;
	[tilespmem:$0x1BF00] =	vst v63  }
0x3d: {  	s18 =	simm.s32 $0x1F00  }
0x3e: {  	[tilespmem:s18], [sflag:$0x1] =	stream.indirect_vreg.gather [hbm4b:s11+s4], $0x80, v5, vm0, $0xb8;
	[tilespmem:$0x1BF00] =	vst v63  }
0x3f: {  	s19 =	simm.s32 $0x2700  }
0x40: {  	[tilespmem:s19], [sflag:$0x1] =	stream.indirect_vreg.gather [hbm4b:s1+s4], $0x80, v4, vm0, $0xb8;
	[tilespmem:$0x1BF00] =	vst v63  }
0x41: {  	s20 =	simm.s32 $0x2F00  }
0x42: {  	[tilespmem:s20], [sflag:$0x1] =	stream.indirect_vreg.gather [hbm4b:s10+s4], $0x80, v4, vm0, $0xb8;
	[tilespmem:$0x1BF00] =	vst v63  }
0x43: {  	_ = 	snop  }
0x44: {  	[tilespmem:s24], [sflag:$0x1] =	stream.indirect_vreg.gather [hbm4b:s11+s4], $0x80, v4, vm0, $0xb8;
	[tilespmem:$0x1BF00] =	vst v63  }
0x45: {  	v4 =	vld [tilespmem:$0x400];
	_ =	sdelay $0x4  }
0x46: {  	v5 =	vshrl.u32 v4, $0x3  }
0x47: {  	v5 =	vmul.u32 $0x30, v5  }
0x48: {  	v4 =	vand.u32 $0x7, v4  }
0x49: {  	v4 =	vor.u32 v4, v5  }
0x4a: {  	v5 =	vperm.xlane v4, v0;
	_ =	sdelay $0x1  }
0x4b: {  	v5 =	vadd.s32 v1, v5;
	_ =	sdelay $0x3  }
0x4c: {  	v4 =	vperm.xlane v4, v2  }
0x4d: {  	[tilespmem:s25], [sflag:$0x4] =	stream.indirect_vreg.gather [hbm4b:s1+s4], $0x80, v5, vm0, $0xb8;
	[tilespmem:$0x1BF00] =	vst v63  }
0x4e: {  	v4 =	vadd.s32 v1, v4  }
0x4f: {  	[tilespmem:s26], [sflag:$0x4] =	stream.indirect_vreg.gather [hbm4b:s10+s4], $0x80, v5, vm0, $0xb8;
	[tilespmem:$0x1BF00] =	vst v63  }
0x50: {  	_ = 	snop  }
0x51: {  	[tilespmem:s28], [sflag:$0x4] =	stream.indirect_vreg.gather [hbm4b:s11+s4], $0x80, v5, vm0, $0xb8;
	[tilespmem:$0x1BF00] =	vst v63  }
0x52: {  	_ = 	snop  }
0x53: {  	[tilespmem:s29], [sflag:$0x4] =	stream.indirect_vreg.gather [hbm4b:s1+s4], $0x80, v4, vm0, $0xb8;
	[tilespmem:$0x1BF00] =	vst v63  }
0x54: {  	_ = 	snop  }
0x55: {  	[tilespmem:s30], [sflag:$0x4] =	stream.indirect_vreg.gather [hbm4b:s10+s4], $0x80, v4, vm0, $0xb8;
	[tilespmem:$0x1BF00] =	vst v63  }
0x56: {  	_ = 	snop  }
0x57: {  	[tilespmem:s31], [sflag:$0x4] =	stream.indirect_vreg.gather [hbm4b:s11+s4], $0x80, v4, vm0, $0xb8;
	[tilespmem:$0x1BF00] =	vst v63  }
0x58: {  	v4 =	vld [tilespmem:$0x10];
	_ =	sdelay $0x4  }
0x59: {  	v5 =	vshrl.u32 v4, $0x3  }
0x5a: {  	v5 =	vmul.u32 $0x30, v5  }
0x5b: {  	v4 =	vand.u32 $0x7, v4  }
0x5c: {  	v4 =	vor.u32 v4, v5  }
0x5d: {  	v5 =	vperm.xlane v4, v0;
	_ =	sdelay $0x1  }
0x5e: {  	v5 =	vadd.s32 v1, v5;
	_ =	sdelay $0x3  }
0x5f: {  	s21 =	simm.s32 $0x3F00;
	v4 =	vperm.xlane v4, v2  }
0x60: {  	[tilespmem:s21], [sflag:$0x2] =	stream.indirect_vreg.gather [hbm4b:s1+s4], $0x80, v5, vm0, $0xb8;
	[tilespmem:$0x1BF00] =	vst v63  }
0x61: {  	s22 =	simm.s32 $0x4700;
	v4 =	vadd.s32 v1, v4  }
0x62: {  	[tilespmem:s22], [sflag:$0x2] =	stream.indirect_vreg.gather [hbm4b:s10+s4], $0x80, v5, vm0, $0xb8;
	[tilespmem:$0x1BF00] =	vst v63  }
0x63: {  	s23 =	simm.s32 $0x4F00  }
0x64: {  	[tilespmem:s23], [sflag:$0x2] =	stream.indirect_vreg.gather [hbm4b:s11+s4], $0x80, v5, vm0, $0xb8;
	[tilespmem:$0x1BF00] =	vst v63  }
0x65: {  	s8 =	simm.s32 $0x5700  }
0x66: {  	[tilespmem:s8], [sflag:$0x2] =	stream.indirect_vreg.gather [hbm4b:s1+s4], $0x80, v4, vm0, $0xb8;
	[tilespmem:$0x1BF00] =	vst v63  }
0x67: {  	s16 =	simm.s32 $0x5F00  }
0x68: {  	[tilespmem:s16], [sflag:$0x2] =	stream.indirect_vreg.gather [hbm4b:s10+s4], $0x80, v4, vm0, $0xb8;
	[tilespmem:$0x1BF00] =	vst v63  }
0x69: {  	s17 =	simm.s32 $0x6700  }
0x6a: {  	[tilespmem:s17], [sflag:$0x2] =	stream.indirect_vreg.gather [hbm4b:s11+s4], $0x80, v4, vm0, $0xb8;
	[tilespmem:$0x1BF00] =	vst v63  }
0x6b: {  	v4 =	vld [tilespmem:$0x410];
	_ =	sdelay $0x4  }
0x6c: {  	v5 =	vshrl.u32 v4, $0x3  }
0x6d: {  	v5 =	vmul.u32 $0x30, v5  }
0x6e: {  	v4 =	vand.u32 $0x7, v4  }
0x6f: {  	v4 =	vor.u32 v4, v5  }
0x70: {  	v5 =	vperm.xlane v4, v0;
	_ =	sdelay $0x1  }
0x71: {  	v5 =	vadd.s32 v1, v5;
	_ =	sdelay $0x3  }
0x72: {  	s18 =	simm.s32 $0xCF00;
	v4 =	vperm.xlane v4, v2  }
0x73: {  	[tilespmem:s18], [sflag:$0x5] =	stream.indirect_vreg.gather [hbm4b:s1+s4], $0x80, v5, vm0, $0xb8;
	[tilespmem:$0x1BF00] =	vst v63  }
0x74: {  	s19 =	simm.s32 $0xD700;
	v4 =	vadd.s32 v1, v4  }
0x75: {  	[tilespmem:s19], [sflag:$0x5] =	stream.indirect_vreg.gather [hbm4b:s10+s4], $0x80, v5, vm0, $0xb8;
	[tilespmem:$0x1BF00] =	vst v63  }
0x76: {  	s20 =	simm.s32 $0xDF00  }
0x77: {  	[tilespmem:s20], [sflag:$0x5] =	stream.indirect_vreg.gather [hbm4b:s11+s4], $0x80, v5, vm0, $0xb8;
	[tilespmem:$0x1BF00] =	vst v63  }
0x78: {  	s21 =	simm.s32 $0xE700  }
0x79: {  	[tilespmem:s21], [sflag:$0x5] =	stream.indirect_vreg.gather [hbm4b:s1+s4], $0x80, v4, vm0, $0xb8;
	[tilespmem:$0x1BF00] =	vst v63  }
0x7a: {  	s22 =	simm.s32 $0xEF00  }
0x7b: {  	[tilespmem:s22], [sflag:$0x5] =	stream.indirect_vreg.gather [hbm4b:s10+s4], $0x80, v4, vm0, $0xb8;
	[tilespmem:$0x1BF00] =	vst v63  }
0x7c: {  	s23 =	simm.s32 $0xF700;
	s16 =	simm.s32 $0x0  }
0x7d: {  	[tilespmem:s23], [sflag:$0x5] =	stream.indirect_vreg.gather [hbm4b:s11+s4], $0x80, v4, vm0, $0xb8;
	[tilespmem:$0x1BF00] =	vst v63  }
.LBB2_2:
0x7e: {  	p1 =	seq.s32 s16, $0x15  }
0x7f: {  	s7 =	smul.u32 @!p1 $0x30, s16;
	_ =	sdelay $0x1  }
0x80: {  	v4 =	vld @!p1 [tilespmem:s7+$0x20];
	_ =	sdelay $0x4  }
0x81: {  	v5 =	vshrl.u32 @!p1 v4, $0x3  }
0x82: {  	v5 =	vmul.u32 @!p1 $0x30, v5  }
0x83: {  	v6 =	vlaneseq.u32 @!p1;
	v4 =	vand.u32 @!p1 $0x7, v4  }
0x84: {  	v7 =	vshrl.u32 @!p1 v6, $0x3;
	v4 =	vor.u32 @!p1 v4, v5;
	v5 =	vand.u32 @!p1 $0x7, v6  }
0x85: {  	v7 =	vmul.u32 @!p1 $0x8, v7;
	v8 =	vperm.xlane @!p1 v4, v5;
	_ =	sdelay $0x1  }
0x86: {  	v8 =	vadd.s32 @!p1 v7, v8;
	_ =	sdelay $0x2  }
0x87: {  	v6 =	vor.u32 @!p1 $0x8, v6  }
0x88: {  	vm1 =	vmmov @!p1 $0xffff;
	s8 =	simm.s32 @!p1 $0x0;
	s17 =	simm.s32 @!p1 $0x6F00;
	v4 =	vperm.xlane @!p1 v4, v6  }
0x89: {  	[tilespmem:s17], [sflag:$0x3] =	stream.indirect_vreg.gather @!p1 [hbm4b:s1+s8], $0x80, v8, vm1, $0xb8;
	[tilespmem:$0x1BF00] =	vst v63  }
0x8a: {  	v4 =	vadd.s32 @!p1 v7, v4;
	s17 =	simm.s32 @!p1 $0x7700  }
0x8b: {  	[tilespmem:s17], [sflag:$0x3] =	stream.indirect_vreg.gather @!p1 [hbm4b:s10+s8], $0x80, v8, vm1, $0xb8;
	[tilespmem:$0x1BF00] =	vst v63  }
0x8c: {  	s17 =	simm.s32 @!p1 $0x7F00  }
0x8d: {  	[tilespmem:s17], [sflag:$0x3] =	stream.indirect_vreg.gather @!p1 [hbm4b:s11+s8], $0x80, v8, vm1, $0xb8;
	[tilespmem:$0x1BF00] =	vst v63  }
0x8e: {  	s17 =	simm.s32 @!p1 $0x8700  }
0x8f: {  	[tilespmem:s17], [sflag:$0x3] =	stream.indirect_vreg.gather @!p1 [hbm4b:s1+s8], $0x80, v4, vm1, $0xb8;
	[tilespmem:$0x1BF00] =	vst v63  }
0x90: {  	s17 =	simm.s32 @!p1 $0x8F00  }
0x91: {  	[tilespmem:s17], [sflag:$0x3] =	stream.indirect_vreg.gather @!p1 [hbm4b:s10+s8], $0x80, v4, vm1, $0xb8;
	[tilespmem:$0x1BF00] =	vst v63  }
0x92: {  	s17 =	simm.s32 @!p1 $0x9700  }
0x93: {  	[tilespmem:s17], [sflag:$0x3] =	stream.indirect_vreg.gather @!p1 [hbm4b:s11+s8], $0x80, v4, vm1, $0xb8;
	[tilespmem:$0x1BF00] =	vst v63  }
0x94: {  	v4 =	vld @!p1 [tilespmem:s7+$0x420];
	_ =	sdelay $0x4  }
0x95: {  	v8 =	vshrl.u32 @!p1 v4, $0x3  }
0x96: {  	v8 =	vmul.u32 @!p1 $0x30, v8  }
0x97: {  	v4 =	vand.u32 @!p1 $0x7, v4  }
0x98: {  	v4 =	vor.u32 @!p1 v4, v8  }
0x99: {  	v5 =	vperm.xlane @!p1 v4, v5;
	_ =	sdelay $0x1  }
0x9a: {  	v5 =	vadd.s32 @!p1 v7, v5;
	_ =	sdelay $0x3  }
0x9b: {  	s7 =	simm.s32 @!p1 $0xFF00;
	v4 =	vperm.xlane @!p1 v4, v6  }
0x9c: {  	[tilespmem:s7], [sflag:$0x6] =	stream.indirect_vreg.gather @!p1 [hbm4b:s1+s8], $0x80, v5, vm1, $0xb8;
	[tilespmem:$0x1BF00] =	vst v63  }
0x9d: {  	v4 =	vadd.s32 @!p1 v7, v4;
	s7 =	simm.s32 @!p1 $0x10700  }
0x9e: {  	[tilespmem:s7], [sflag:$0x6] =	stream.indirect_vreg.gather @!p1 [hbm4b:s10+s8], $0x80, v5, vm1, $0xb8;
	[tilespmem:$0x1BF00] =	vst v63  }
0x9f: {  	s7 =	simm.s32 @!p1 $0x10F00  }
0xa0: {  	[tilespmem:s7], [sflag:$0x6] =	stream.indirect_vreg.gather @!p1 [hbm4b:s11+s8], $0x80, v5, vm1, $0xb8;
	[tilespmem:$0x1BF00] =	vst v63  }
0xa1: {  	s7 =	simm.s32 @!p1 $0x11700  }
0xa2: {  	[tilespmem:s7], [sflag:$0x6] =	stream.indirect_vreg.gather @!p1 [hbm4b:s1+s8], $0x80, v4, vm1, $0xb8;
	[tilespmem:$0x1BF00] =	vst v63  }
0xa3: {  	s7 =	simm.s32 @!p1 $0x11F00  }
0xa4: {  	[tilespmem:s7], [sflag:$0x6] =	stream.indirect_vreg.gather @!p1 [hbm4b:s10+s8], $0x80, v4, vm1, $0xb8;
	[tilespmem:$0x1BF00] =	vst v63  }
0xa5: {  	s7 =	simm.s32 @!p1 $0x12700  }
0xa6: {  	[tilespmem:s7], [sflag:$0x6] =	stream.indirect_vreg.gather @!p1 [hbm4b:s11+s8], $0x80, v4, vm1, $0xb8;
	[tilespmem:$0x1BF00] =	vst v63  }
0xa7: {  	_ =	swait.ge [sflag:s2], $0x3000  }
0xa8: {  	[sflag:s2] =	ssyncset.done $0x0  }
0xa9: {  	[sflag:s2] =	ssyncadd.s32 $0xFFFFD000  }
0xaa: {  	_ =	swait.ge [sflag:s0], $0x3000  }
0xab: {  	p0 =	seq.s32 s16, $0x0;
	[sflag:s0] =	ssyncset.done $0x0  }
0xac: {  	s8 =	simm.s32 @!p0 $0x7;
	[sflag:s0] =	ssyncadd.s32 $0xFFFFD000  }
0xad: {  	_ =	swait.ge @!p0 [sflag:s8], $0x3000  }
0xae: {  	s17 =	smul.u32 $0x30, s16;
	s7 =	simm.s32 $0x0;
	[sflag:s8] =	ssyncset.done @!p0 $0x0  }
0xaf: {  	s23 =	sand.u32 $0x70, s7;
	s18 =	sand.u32 $0x1C00, s7;
	[sflag:s8] =	ssyncadd.s32 @!p0 $0xFFFFD000  }
0xb0: {  	s18 =	sor.u32 s23, s18;
	v10 =	vld [tilespmem:s17+$0x800]  }
0xb1: {  	v5 =	vld [tilespmem:s18+$0x1200]  }
0xb2: {  	v13 =	vld [tilespmem:s18+$0x1000]  }
0xb3: {  	v14 =	vld [tilespmem:s18+$0x1180]  }
0xb4: {  	v16 =	vld [tilespmem:s18+$0x1100]  }
0xb5: {  	v15 =	vld [tilespmem:s18+$0xA180]  }
0xb6: {  	v17 =	vld [tilespmem:s18+$0xA000]  }
0xb7: {  	v11 =	vld [tilespmem:s18+$0xF80]  }
0xb8: {  	v18 =	vld [tilespmem:s18+$0xF00]  }
0xb9: {  	v12 =	vld [tilespmem:s18+$0x9F80]  }
0xba: {  	v19 =	vld [tilespmem:s18+$0x9F00]  }
0xbb: {  	v20 =	vld [tilespmem:s18+$0x1080]  }
0xbc: {  	s8 =	simm.s32 $0xC00;
	v21 =	vld [tilespmem:s18+$0xA200]  }
0xbd: {  	v4 =	vld [tilespmem:s8+$0x0]  }
0xbe: {  	v23 =	vld [tilespmem:s18+$0xA100];
	v6 =	vbroadcast v10, $0x0;
	v7 =	vbroadcast v10, $0x1  }
0xbf: {  	v24 =	vld [tilespmem:s18+$0xA080];
	v8 =	vbroadcast v10, $0x2;
	v9 =	vbroadcast v10, $0x3;
	v22 =	vsub.f32 v12, v11  }
0xc0: {  	v11 =	vbroadcast v10, $0x4;
	v12 =	vbroadcast v10, $0x5;
	v18 =	vsub.f32 v19, v18  }
0xc1: {  	v14 =	vsub.f32 v15, v14;
	v13 =	vsub.f32 v17, v13;
	v17 =	vmul.f32 v22, v7  }
0xc2: {  	v15 =	vbroadcast v10, $0x6;
	v5 =	vsub.f32 v21, v5;
	v18 =	vmul.f32 v18, v6  }
0xc3: {  	v16 =	vsub.f32 v23, v16;
	v13 =	vmul.f32 v13, v8;
	v17 =	vadd.f32 v17, v4  }
0xc4: {  	v19 =	vsub.f32 v24, v20;
	v5 =	vmul.f32 v5, v15;
	v18 =	vadd.f32 v18, v4  }
0xc5: {  	v14 =	vmul.f32 v14, v12;
	v13 =	vadd.f32 v13, v4;
	v17 =	vmax.f32 v17, $0.0e+00  }
0xc6: {  	v16 =	vmul.f32 v16, v11;
	v5 =	vadd.f32 v5, v4;
	v18 =	vmax.f32 v18, $0.0e+00;
	[tilespmem:s18+$0x12F80] =	vst v17  }
0xc7: {  	v14 =	vadd.f32 v14, v4;
	v13 =	vmax.f32 v13, $0.0e+00;
	v17 =	vmul.f32 v19, v9;
	[tilespmem:s18+$0x12F00] =	vst v18  }
0xc8: {  	v5 =	vmax.f32 v5, $0.0e+00;
	[tilespmem:s18+$0x13000] =	vst v13;
	v13 =	vadd.f32 v16, v4  }
0xc9: {  	v14 =	vmax.f32 v14, $0.0e+00;
	[tilespmem:s18+$0x13200] =	vst v5;
	v16 =	vadd.f32 v17, v4  }
0xca: {  	[tilespmem:s18+$0x13180] =	vst v14;
	v5 =	vmax.f32 v13, $0.0e+00  }
0xcb: {  	s19 =	sor.u32 s7, s7;
	[tilespmem:s18+$0x13100] =	vst v5;
	v13 =	vmax.f32 v16, $0.0e+00  }
0xcc: {  	s21 =	sor.u32 $0x380, s19;
	[tilespmem:s18+$0x13080] =	vst v13  }
0xcd: {  	v13 =	vld [tilespmem:s21+$0x9F00]  }
0xce: {  	v14 =	vld [tilespmem:s21+$0xF00];
	_ =	sdelay $0x2  }
0xcf: {  	v20 =	vbroadcast v10, $0x7;
	v19 =	vbroadcast v10, $0xA  }
0xd0: {  	v18 =	vbroadcast v10, $0xB;
	v17 =	vbroadcast v10, $0x8  }
0xd1: {  	v5 =	vbroadcast v10, $0x9;
	v16 =	vbroadcast v10, $0xC;
	v21 =	vsub.f32 v13, v14  }
0xd2: {  	v14 =	vbroadcast v10, $0xD;
	v13 =	vbroadcast v10, $0xE  }
0xd3: {  	s19 =	simm.s32 $0x10;
	v10 =	vbroadcast v10, $0xF;
	v21 =	vmul.f32 v21, v20  }
.LBB2_3:
0xd4: {  	p2 =	sne.s32 s19, $0x2F0;
	s7 =	sadd.s32 $0x80, s7;
	s8 =	sadd.s32 $0x10, s8  }
0xd5: {  	s20 =	smov.u32 s19;
	s19 =	sadd.s32 $0x10, s19;
	v21 =	vadd.f32 v21, v4;
	_ =	sdelay $0x1  }
0xd6: {  	v21 =	vmax.f32 v21, $0.0e+00  }
0xd7: {  	[tilespmem:s21+$0x12F00] =	vst v21  }
0xd8: {  	v21 =	vld [tilespmem:s18+$0xB800]  }
0xd9: {  	v22 =	vld [tilespmem:s18+$0x2800]  }
0xda: {  	v23 =	vld [tilespmem:s18+$0xB880]  }
0xdb: {  	v24 =	vld [tilespmem:s18+$0x2880]  }
0xdc: {  	v25 =	vld [tilespmem:s18+$0xBA00]  }
0xdd: {  	v26 =	vld [tilespmem:s18+$0x2780]  }
0xde: {  	v27 =	vld [tilespmem:s18+$0xB700];
	v21 =	vsub.f32 v21, v22  }
0xdf: {  	v22 =	vld [tilespmem:s18+$0x2700]  }
0xe0: {  	v21 =	vmul.f32 v21, v19;
	v23 =	vsub.f32 v23, v24;
	v24 =	vld [tilespmem:s18+$0xB900]  }
0xe1: {  	v28 =	vld [tilespmem:s18+$0x2900]  }
0xe2: {  	v21 =	vadd.f32 v21, v4;
	v23 =	vmul.f32 v23, v18;
	v29 =	vld [tilespmem:s18+$0xB980]  }
0xe3: {  	v30 =	vld [tilespmem:s18+$0x2980]  }
0xe4: {  	v22 =	vsub.f32 v27, v22;
	v21 =	vmax.f32 v21, $0.0e+00;
	v23 =	vadd.f32 v23, v4;
	v27 =	vld [tilespmem:s18+$0xBA80]  }
0xe5: {  	[tilespmem:s18+$0x14800] =	vst v21;
	v21 =	vld [tilespmem:s18+$0x2A00]  }
0xe6: {  	v22 =	vmul.f32 v22, v17;
	v23 =	vmax.f32 v23, $0.0e+00;
	v24 =	vsub.f32 v24, v28;
	v28 =	vld [tilespmem:s18+$0x2A80]  }
0xe7: {  	s22 =	sand.u32 $0x1C00, s7;
	s21 =	sand.u32 $0x70, s20;
	[tilespmem:s18+$0x14880] =	vst v23  }
0xe8: {  	s21 =	sor.u32 s21, s22;
	v22 =	vadd.f32 v22, v4;
	v23 =	vld [tilespmem:s18+$0xB780];
	v24 =	vmul.f32 v24, v16;
	v29 =	vsub.f32 v29, v30  }
0xe9: {  	v30 =	vld [tilespmem:s21+$0x1200]  }
0xea: {  	v31 =	vld [tilespmem:s21+$0x1000];
	v22 =	vmax.f32 v22, $0.0e+00;
	v24 =	vadd.f32 v24, v4;
	v29 =	vmul.f32 v29, v14  }
0xeb: {  	v21 =	vsub.f32 v25, v21;
	v32 =	vld [tilespmem:s21+$0x1180];
	[tilespmem:s18+$0x14700] =	vst v22;
	v22 =	vsub.f32 v27, v28  }
0xec: {  	v25 =	vld [tilespmem:s21+$0x1100];
	v24 =	vmax.f32 v24, $0.0e+00;
	v27 =	vadd.f32 v29, v4  }
0xed: {  	v21 =	vmul.f32 v21, v13;
	v28 =	vld [tilespmem:s21+$0xA180];
	v23 =	vsub.f32 v23, v26;
	[tilespmem:s18+$0x14900] =	vst v24;
	v22 =	vmul.f32 v22, v10  }
0xee: {  	v24 =	vld [tilespmem:s21+$0xA000];
	v26 =	vmax.f32 v27, $0.0e+00  }
0xef: {  	v21 =	vadd.f32 v21, v4;
	v27 =	vld [tilespmem:s21+$0xF80];
	v23 =	vmul.f32 v23, v5;
	[tilespmem:s18+$0x14980] =	vst v26;
	v22 =	vadd.f32 v22, v4  }
0xf0: {  	v26 =	vld [tilespmem:s21+$0x1080]  }
0xf1: {  	v21 =	vmax.f32 v21, $0.0e+00;
	v29 =	vld [tilespmem:s21+$0xF00];
	v4 =	vadd.f32 v23, v4;
	v22 =	vmax.f32 v22, $0.0e+00  }
0xf2: {  	v23 =	vld [tilespmem:s21+$0x9F80];
	v28 =	vsub.f32 v28, v32;
	[tilespmem:s18+$0x14A00] =	vst v21  }
0xf3: {  	v21 =	vld [tilespmem:s21+$0x9F00];
	v24 =	vsub.f32 v24, v31;
	v4 =	vmax.f32 v4, $0.0e+00;
	[tilespmem:s18+$0x14A80] =	vst v22  }
0xf4: {  	v22 =	vmul.f32 v28, v12;
	v28 =	vld [tilespmem:s21+$0xA200];
	[tilespmem:s18+$0x14780] =	vst v4;
	s18 =	smov.u32 s21  }
0xf5: {  	v24 =	vmul.f32 v24, v8;
	v31 =	vld [tilespmem:s18+$0xA080]  }
0xf6: {  	v4 =	vld [tilespmem:s8+$0x0]  }
0xf7: {  	v23 =	vsub.f32 v23, v27;
	v27 =	vld [tilespmem:s18+$0xA100]  }
0xf8: {  	v21 =	vsub.f32 v21, v29  }
0xf9: {  	v23 =	vmul.f32 v23, v7;
	v28 =	vsub.f32 v28, v30  }
0xfa: {  	v21 =	vmul.f32 v21, v6;
	v26 =	vsub.f32 v31, v26  }
0xfb: {  	v23 =	vadd.f32 v23, v4;
	v24 =	vadd.f32 v24, v4;
	v28 =	vmul.f32 v28, v15  }
0xfc: {  	v21 =	vadd.f32 v21, v4;
	v26 =	vmul.f32 v26, v9;
	v25 =	vsub.f32 v27, v25  }
0xfd: {  	v22 =	vadd.f32 v22, v4;
	v23 =	vmax.f32 v23, $0.0e+00;
	v27 =	vadd.f32 v28, v4  }
0xfe: {  	v21 =	vmax.f32 v21, $0.0e+00;
	[tilespmem:s18+$0x12F80] =	vst v23;
	v23 =	vadd.f32 v26, v4;
	v25 =	vmul.f32 v25, v11  }
0xff: {  	v22 =	vmax.f32 v22, $0.0e+00;
	[tilespmem:s18+$0x12F00] =	vst v21;
	v21 =	vmax.f32 v24, $0.0e+00;
	v24 =	vmax.f32 v27, $0.0e+00  }
0x100: {  	[tilespmem:s18+$0x13000] =	vst v21;
	v21 =	vmax.f32 v23, $0.0e+00;
	v23 =	vadd.f32 v25, v4  }
0x101: {  	[tilespmem:s18+$0x13200] =	vst v24  }
0x102: {  	v23 =	vmax.f32 v23, $0.0e+00;
	[tilespmem:s18+$0x13180] =	vst v22  }
0x103: {  	s20 =	sor.u32 s7, s20;
	[tilespmem:s18+$0x13100] =	vst v23  }
0x104: {  	s21 =	sor.u32 $0x380, s20;
	[tilespmem:s18+$0x13080] =	vst v21  }
0x105: {  	v21 =	vld [tilespmem:s21+$0x9F00];
	_ =	sdelay $0x1  }
0x106: {  	v22 =	vld [tilespmem:s21+$0xF00];
	_ =	sdelay $0x2  }
.Ltmp2:
0x107: {  	(pc) =	sbr.rel @p2 .LBB2_3-.Ltmp2, $3  }
0x108: {  	_ = 	snop  }
0x109: {  	v21 =	vsub.f32 v21, v22;
	_ =	sdelay $0x1  }
0x10a: {  	v21 =	vmul.f32 v21, v20  }
0x10b: {  	_ = 	snop  }
0x10c: {  	v6 =	vadd.f32 v21, v4;
	_ =	sdelay $0x1  }
0x10d: {  	v6 =	vmax.f32 v6, $0.0e+00  }
0x10e: {  	[tilespmem:s21+$0x12F00] =	vst v6  }
0x10f: {  	v6 =	vld [tilespmem:s18+$0xB800]  }
0x110: {  	v7 =	vld [tilespmem:s18+$0x2800]  }
0x111: {  	v8 =	vld [tilespmem:s18+$0xB880]  }
0x112: {  	v9 =	vld [tilespmem:s18+$0x2880]  }
0x113: {  	v15 =	vld [tilespmem:s18+$0xB700]  }
0x114: {  	v45 =	vld [tilespmem:s18+$0x2700]  }
0x115: {  	v46 =	vld [tilespmem:s18+$0xB900]  }
0x116: {  	v47 =	vld [tilespmem:s18+$0x2900]  }
0x117: {  	v20 =	vld [tilespmem:s18+$0xB980]  }
0x118: {  	v48 =	vld [tilespmem:s18+$0x2980]  }
0x119: {  	s7 =	sadd.s32 s5, s17;
	v49 =	vld [tilespmem:s18+$0xBA80]  }
0x11a: {  	s7 =	sshll.u32 s7, $0x1;
	v51 =	vld [tilespmem:s18+$0x2A80]  }
0x11b: {  	v53 =	vor.u32 s7, v3  }
0x11c: {  	v55 =	vshrl.u32 v53, $0x3;
	v11 =	vld [tilespmem:s18+$0xBA00];
	v6 =	vsub.f32 v6, v7  }
0x11d: {  	v56 =	vmul.u32 $0x30, v55;
	v12 =	vld [tilespmem:s18+$0x2780];
	v8 =	vsub.f32 v8, v9  }
0x11e: {  	v50 =	vld [tilespmem:s18+$0x2A00];
	v7 =	vsub.f32 v15, v45;
	v9 =	vsub.f32 v46, v47;
	v6 =	vmul.f32 v6, v19  }
0x11f: {  	v52 =	vld [tilespmem:s18+$0xB780];
	v54 =	vsub.f32 v20, v48;
	v15 =	vsub.f32 v49, v51;
	v8 =	vmul.f32 v8, v18  }
0x120: {  	v7 =	vmul.f32 v7, v17;
	v9 =	vmul.f32 v9, v16;
	v6 =	vadd.f32 v6, v4  }
0x121: {  	v14 =	vmul.f32 v54, v14;
	v16 =	vand.u32 $0x7, v53;
	v8 =	vadd.f32 v8, v4  }
0x122: {  	v10 =	vmul.f32 v15, v10;
	v7 =	vadd.f32 v7, v4;
	v6 =	vmax.f32 v6, $0.0e+00  }
0x123: {  	v9 =	vadd.f32 v9, v4;
	v8 =	vmax.f32 v8, $0.0e+00;
	[tilespmem:s18+$0x14800] =	vst v6;
	v6 =	vsub.f32 v11, v50  }
0x124: {  	v57 =	vadd.f32 v14, v4;
	[tilespmem:s18+$0x14880] =	vst v8;
	v8 =	vsub.f32 v52, v12;
	v11 =	vor.u32 v16, v56  }
0x125: {  	v7 =	vmax.f32 v7, $0.0e+00;
	v58 =	vperm.xlane v11, v0;
	v6 =	vmul.f32 v6, v13  }
0x126: {  	v61 =	vadd.f32 v10, v4;
	v59 =	vmax.f32 v9, $0.0e+00;
	[tilespmem:s18+$0x14700] =	vst v7;
	v5 =	vmul.f32 v8, v5  }
0x127: {  	v60 =	vmax.f32 v57, $0.0e+00;
	[tilespmem:s18+$0x14900] =	vst v59;
	v62 =	vadd.s32 v1, v58;
	v6 =	vadd.f32 v6, v4  }
0x128: {  	v63 =	vmax.f32 v61, $0.0e+00;
	[tilespmem:s18+$0x14980] =	vst v60;
	v4 =	vadd.f32 v5, v4  }
0x129: {  	[tilespmem:s18+$0x14A80] =	vst v63;
	v5 =	vmax.f32 v6, $0.0e+00  }
0x12a: {  	v4 =	vmax.f32 v4, $0.0e+00;
	[tilespmem:s18+$0x14A00] =	vst v5  }
0x12b: {  	[tilespmem:s18+$0x14780] =	vst v4;
	v4 =	vperm.xlane v11, v2;
	s18 =	simm.s32 $0x12F00  }
0x12c: {  	[hbm4b:s6+s4] =	stream.indirect_vreg.scatter [tilespmem:s18], [sflag:$0x7], $0x80, v62, vm0, $0xb8;
	[tilespmem:$0x1BF00] =	vst v63  }
0x12d: {  	s19 =	simm.s32 $0x13700;
	v4 =	vadd.s32 v1, v4  }
0x12e: {  	[hbm4b:s12+s4] =	stream.indirect_vreg.scatter [tilespmem:s19], [sflag:$0x7], $0x80, v62, vm0, $0xb8;
	[tilespmem:$0x1BF00] =	vst v63  }
0x12f: {  	s20 =	simm.s32 $0x13F00  }
0x130: {  	[hbm4b:s13+s4] =	stream.indirect_vreg.scatter [tilespmem:s20], [sflag:$0x7], $0x80, v62, vm0, $0xb8;
	[tilespmem:$0x1BF00] =	vst v63  }
0x131: {  	s21 =	simm.s32 $0x14700  }
0x132: {  	[hbm4b:s6+s4] =	stream.indirect_vreg.scatter [tilespmem:s21], [sflag:$0x7], $0x80, v4, vm0, $0xb8;
	[tilespmem:$0x1BF00] =	vst v63  }
.Ltmp3:
0x133: {  	_ = 	snop;
	(pc) =	sbr.rel @p1 .LBB2_10-.Ltmp3, $4  }
0x134: {  	s22 =	simm.s32 $0x14F00  }
0x135: {  	[hbm4b:s12+s4] =	stream.indirect_vreg.scatter [tilespmem:s22], [sflag:$0x7], $0x80, v4, vm0, $0xb8;
	[tilespmem:$0x1BF00] =	vst v63  }
0x136: {  	s23 =	simm.s32 $0x15700  }
0x137: {  	[hbm4b:s13+s4] =	stream.indirect_vreg.scatter [tilespmem:s23], [sflag:$0x7], $0x80, v4, vm0, $0xb8;
	[tilespmem:$0x1BF00] =	vst v63  }
0x138: {  	v4 =	vld [tilespmem:s17+$0x30];
	_ =	sdelay $0x4  }
0x139: {  	v5 =	vshrl.u32 v4, $0x3  }
0x13a: {  	v5 =	vmul.u32 $0x30, v5  }
0x13b: {  	v4 =	vand.u32 $0x7, v4  }
0x13c: {  	v4 =	vor.u32 v4, v5  }
0x13d: {  	v5 =	vperm.xlane v4, v0;
	_ =	sdelay $0x1  }
0x13e: {  	v5 =	vadd.s32 v1, v5;
	_ =	sdelay $0x3  }
0x13f: {  	s7 =	simm.s32 $0xF00;
	v4 =	vperm.xlane v4, v2  }
0x140: {  	[tilespmem:s7], [sflag:$0x1] =	stream.indirect_vreg.gather [hbm4b:s1+s4], $0x80, v5, vm0, $0xb8;
	[tilespmem:$0x1BF00] =	vst v63  }
0x141: {  	s19 =	simm.s32 $0x1700;
	v4 =	vadd.s32 v1, v4  }
0x142: {  	[tilespmem:s19], [sflag:$0x1] =	stream.indirect_vreg.gather [hbm4b:s10+s4], $0x80, v5, vm0, $0xb8;
	[tilespmem:$0x1BF00] =	vst v63  }
0x143: {  	s20 =	simm.s32 $0x1F00  }
0x144: {  	[tilespmem:s20], [sflag:$0x1] =	stream.indirect_vreg.gather [hbm4b:s11+s4], $0x80, v5, vm0, $0xb8;
	[tilespmem:$0x1BF00] =	vst v63  }
0x145: {  	s21 =	simm.s32 $0x2700  }
0x146: {  	[tilespmem:s21], [sflag:$0x1] =	stream.indirect_vreg.gather [hbm4b:s1+s4], $0x80, v4, vm0, $0xb8;
	[tilespmem:$0x1BF00] =	vst v63  }
0x147: {  	s22 =	simm.s32 $0x2F00  }
0x148: {  	[tilespmem:s22], [sflag:$0x1] =	stream.indirect_vreg.gather [hbm4b:s10+s4], $0x80, v4, vm0, $0xb8;
	[tilespmem:$0x1BF00] =	vst v63  }
0x149: {  	_ = 	snop  }
0x14a: {  	[tilespmem:s24], [sflag:$0x1] =	stream.indirect_vreg.gather [hbm4b:s11+s4], $0x80, v4, vm0, $0xb8;
	[tilespmem:$0x1BF00] =	vst v63  }
0x14b: {  	v4 =	vld [tilespmem:s17+$0x430];
	_ =	sdelay $0x4  }
0x14c: {  	v5 =	vshrl.u32 v4, $0x3  }
0x14d: {  	v5 =	vmul.u32 $0x30, v5  }
0x14e: {  	v4 =	vand.u32 $0x7, v4  }
0x14f: {  	v4 =	vor.u32 v4, v5  }
0x150: {  	v5 =	vperm.xlane v4, v0;
	_ =	sdelay $0x1  }
0x151: {  	v5 =	vadd.s32 v1, v5;
	_ =	sdelay $0x3  }
0x152: {  	v4 =	vperm.xlane v4, v2  }
0x153: {  	[tilespmem:s25], [sflag:$0x4] =	stream.indirect_vreg.gather [hbm4b:s1+s4], $0x80, v5, vm0, $0xb8;
	[tilespmem:$0x1BF00] =	vst v63  }
0x154: {  	v4 =	vadd.s32 v1, v4  }
0x155: {  	[tilespmem:s26], [sflag:$0x4] =	stream.indirect_vreg.gather [hbm4b:s10+s4], $0x80, v5, vm0, $0xb8;
	[tilespmem:$0x1BF00] =	vst v63  }
0x156: {  	_ = 	snop  }
0x157: {  	[tilespmem:s28], [sflag:$0x4] =	stream.indirect_vreg.gather [hbm4b:s11+s4], $0x80, v5, vm0, $0xb8;
	[tilespmem:$0x1BF00] =	vst v63  }
0x158: {  	_ = 	snop  }
0x159: {  	[tilespmem:s29], [sflag:$0x4] =	stream.indirect_vreg.gather [hbm4b:s1+s4], $0x80, v4, vm0, $0xb8;
	[tilespmem:$0x1BF00] =	vst v63  }
0x15a: {  	_ = 	snop  }
0x15b: {  	[tilespmem:s30], [sflag:$0x4] =	stream.indirect_vreg.gather [hbm4b:s10+s4], $0x80, v4, vm0, $0xb8;
	[tilespmem:$0x1BF00] =	vst v63  }
0x15c: {  	_ = 	snop  }
0x15d: {  	[tilespmem:s31], [sflag:$0x4] =	stream.indirect_vreg.gather [hbm4b:s11+s4], $0x80, v4, vm0, $0xb8;
	[tilespmem:$0x1BF00] =	vst v63  }
0x15e: {  	_ =	swait.ge [sflag:s14], $0x3000  }
0x15f: {  	[sflag:s14] =	ssyncset.done $0x0  }
0x160: {  	[sflag:s14] =	ssyncadd.s32 $0xFFFFD000  }
0x161: {  	_ =	swait.ge [sflag:s9], $0x3000  }
0x162: {  	[sflag:s9] =	ssyncset.done $0x0  }
0x163: {  	s8 =	simm.s32 @!p0 $0x8;
	[sflag:s9] =	ssyncadd.s32 $0xFFFFD000  }
0x164: {  	_ =	swait.ge @!p0 [sflag:s8], $0x3000  }
0x165: {  	s7 =	simm.s32 $0x0;
	[sflag:s8] =	ssyncset.done @!p0 $0x0  }
0x166: {  	s23 =	sand.u32 $0x70, s7;
	s18 =	sand.u32 $0x1C00, s7;
	[sflag:s8] =	ssyncadd.s32 @!p0 $0xFFFFD000  }
0x167: {  	s18 =	sor.u32 s23, s18;
	v11 =	vld [tilespmem:s17+$0x810]  }
0x168: {  	v5 =	vld [tilespmem:s18+$0x4200]  }
0x169: {  	v13 =	vld [tilespmem:s18+$0x4000]  }
0x16a: {  	v14 =	vld [tilespmem:s18+$0x4180]  }
0x16b: {  	v16 =	vld [tilespmem:s18+$0x4100]  }
0x16c: {  	v15 =	vld [tilespmem:s18+$0xD180]  }
0x16d: {  	v17 =	vld [tilespmem:s18+$0xD000]  }
0x16e: {  	v10 =	vld [tilespmem:s18+$0x3F80]  }
0x16f: {  	v18 =	vld [tilespmem:s18+$0x3F00]  }
0x170: {  	v12 =	vld [tilespmem:s18+$0xCF80]  }
0x171: {  	v19 =	vld [tilespmem:s18+$0xCF00]  }
0x172: {  	v20 =	vld [tilespmem:s18+$0x4080]  }
0x173: {  	s8 =	simm.s32 $0xC00;
	v21 =	vld [tilespmem:s18+$0xD200]  }
0x174: {  	v4 =	vld [tilespmem:s8+$0x0]  }
0x175: {  	v23 =	vld [tilespmem:s18+$0xD100];
	v6 =	vbroadcast v11, $0x0;
	v7 =	vbroadcast v11, $0x1  }
0x176: {  	v24 =	vld [tilespmem:s18+$0xD080];
	v8 =	vbroadcast v11, $0x2;
	v9 =	vbroadcast v11, $0x3;
	v22 =	vsub.f32 v12, v10  }
0x177: {  	v10 =	vbroadcast v11, $0x4;
	v12 =	vbroadcast v11, $0x5;
	v18 =	vsub.f32 v19, v18  }
0x178: {  	v14 =	vsub.f32 v15, v14;
	v13 =	vsub.f32 v17, v13;
	v17 =	vmul.f32 v22, v7  }
0x179: {  	v15 =	vbroadcast v11, $0x6;
	v5 =	vsub.f32 v21, v5;
	v18 =	vmul.f32 v18, v6  }
0x17a: {  	v16 =	vsub.f32 v23, v16;
	v13 =	vmul.f32 v13, v8;
	v17 =	vadd.f32 v17, v4  }
0x17b: {  	v19 =	vsub.f32 v24, v20;
	v5 =	vmul.f32 v5, v15;
	v18 =	vadd.f32 v18, v4  }
0x17c: {  	v14 =	vmul.f32 v14, v12;
	v13 =	vadd.f32 v13, v4;
	v17 =	vmax.f32 v17, $0.0e+00  }
0x17d: {  	v16 =	vmul.f32 v16, v10;
	v5 =	vadd.f32 v5, v4;
	v18 =	vmax.f32 v18, $0.0e+00;
	[tilespmem:s18+$0x15F80] =	vst v17  }
0x17e: {  	v14 =	vadd.f32 v14, v4;
	v13 =	vmax.f32 v13, $0.0e+00;
	v17 =	vmul.f32 v19, v9;
	[tilespmem:s18+$0x15F00] =	vst v18  }
0x17f: {  	v5 =	vmax.f32 v5, $0.0e+00;
	[tilespmem:s18+$0x16000] =	vst v13;
	v13 =	vadd.f32 v16, v4  }
0x180: {  	v14 =	vmax.f32 v14, $0.0e+00;
	[tilespmem:s18+$0x16200] =	vst v5;
	v16 =	vadd.f32 v17, v4  }
0x181: {  	[tilespmem:s18+$0x16180] =	vst v14;
	v5 =	vmax.f32 v13, $0.0e+00  }
0x182: {  	s19 =	sor.u32 s7, s7;
	[tilespmem:s18+$0x16100] =	vst v5;
	v13 =	vmax.f32 v16, $0.0e+00  }
0x183: {  	s22 =	sor.u32 $0x380, s19;
	[tilespmem:s18+$0x16080] =	vst v13  }
0x184: {  	v13 =	vld [tilespmem:s22+$0xCF00]  }
0x185: {  	v14 =	vld [tilespmem:s22+$0x3F00];
	_ =	sdelay $0x2  }
0x186: {  	v20 =	vbroadcast v11, $0x7;
	v19 =	vbroadcast v11, $0xA  }
0x187: {  	v18 =	vbroadcast v11, $0xB;
	v17 =	vbroadcast v11, $0x8  }
0x188: {  	v5 =	vbroadcast v11, $0x9;
	v16 =	vbroadcast v11, $0xC;
	v21 =	vsub.f32 v13, v14  }
0x189: {  	v14 =	vbroadcast v11, $0xD;
	v13 =	vbroadcast v11, $0xE  }
0x18a: {  	s20 =	simm.s32 $0x10;
	s19 =	sadd.s32 $0x10, s17;
	v11 =	vbroadcast v11, $0xF;
	v21 =	vmul.f32 v21, v20  }
.LBB2_6:
0x18b: {  	p1 =	sne.s32 s20, $0x2F0;
	s7 =	sadd.s32 $0x80, s7;
	s8 =	sadd.s32 $0x10, s8  }
0x18c: {  	s21 =	smov.u32 s20;
	s20 =	sadd.s32 $0x10, s20;
	v21 =	vadd.f32 v21, v4;
	_ =	sdelay $0x1  }
0x18d: {  	v21 =	vmax.f32 v21, $0.0e+00  }
0x18e: {  	[tilespmem:s22+$0x15F00] =	vst v21  }
0x18f: {  	v21 =	vld [tilespmem:s18+$0xE800]  }
0x190: {  	v22 =	vld [tilespmem:s18+$0x5800]  }
0x191: {  	v23 =	vld [tilespmem:s18+$0xE880]  }
0x192: {  	v24 =	vld [tilespmem:s18+$0x5880]  }
0x193: {  	v25 =	vld [tilespmem:s18+$0xEA00]  }
0x194: {  	v26 =	vld [tilespmem:s18+$0x5780]  }
0x195: {  	v27 =	vld [tilespmem:s18+$0xE700];
	v21 =	vsub.f32 v21, v22  }
0x196: {  	v22 =	vld [tilespmem:s18+$0x5700]  }
0x197: {  	v21 =	vmul.f32 v21, v19;
	v23 =	vsub.f32 v23, v24;
	v24 =	vld [tilespmem:s18+$0xE900]  }
0x198: {  	v28 =	vld [tilespmem:s18+$0x5900]  }
0x199: {  	v21 =	vadd.f32 v21, v4;
	v23 =	vmul.f32 v23, v18;
	v29 =	vld [tilespmem:s18+$0xE980]  }
0x19a: {  	v30 =	vld [tilespmem:s18+$0x5980]  }
0x19b: {  	v22 =	vsub.f32 v27, v22;
	v21 =	vmax.f32 v21, $0.0e+00;
	v23 =	vadd.f32 v23, v4;
	v27 =	vld [tilespmem:s18+$0xEA80]  }
0x19c: {  	[tilespmem:s18+$0x17800] =	vst v21;
	v21 =	vld [tilespmem:s18+$0x5A00]  }
0x19d: {  	v22 =	vmul.f32 v22, v17;
	v23 =	vmax.f32 v23, $0.0e+00;
	v24 =	vsub.f32 v24, v28;
	v28 =	vld [tilespmem:s18+$0x5A80]  }
0x19e: {  	s23 =	sand.u32 $0x1C00, s7;
	s22 =	sand.u32 $0x70, s21;
	[tilespmem:s18+$0x17880] =	vst v23  }
0x19f: {  	s22 =	sor.u32 s22, s23;
	v22 =	vadd.f32 v22, v4;
	v23 =	vld [tilespmem:s18+$0xE780];
	v24 =	vmul.f32 v24, v16;
	v29 =	vsub.f32 v29, v30  }
0x1a0: {  	v30 =	vld [tilespmem:s22+$0x4200]  }
0x1a1: {  	v31 =	vld [tilespmem:s22+$0x4000];
	v22 =	vmax.f32 v22, $0.0e+00;
	v24 =	vadd.f32 v24, v4;
	v29 =	vmul.f32 v29, v14  }
0x1a2: {  	v21 =	vsub.f32 v25, v21;
	v32 =	vld [tilespmem:s22+$0x4180];
	[tilespmem:s18+$0x17700] =	vst v22;
	v22 =	vsub.f32 v27, v28  }
0x1a3: {  	v25 =	vld [tilespmem:s22+$0x4100];
	v24 =	vmax.f32 v24, $0.0e+00;
	v27 =	vadd.f32 v29, v4  }
0x1a4: {  	v21 =	vmul.f32 v21, v13;
	v28 =	vld [tilespmem:s22+$0xD180];
	v23 =	vsub.f32 v23, v26;
	[tilespmem:s18+$0x17900] =	vst v24;
	v22 =	vmul.f32 v22, v11  }
0x1a5: {  	v24 =	vld [tilespmem:s22+$0xD000];
	v26 =	vmax.f32 v27, $0.0e+00  }
0x1a6: {  	v21 =	vadd.f32 v21, v4;
	v27 =	vld [tilespmem:s22+$0x3F80];
	v23 =	vmul.f32 v23, v5;
	[tilespmem:s18+$0x17980] =	vst v26;
	v22 =	vadd.f32 v22, v4  }
0x1a7: {  	v26 =	vld [tilespmem:s22+$0x4080]  }
0x1a8: {  	v21 =	vmax.f32 v21, $0.0e+00;
	v29 =	vld [tilespmem:s22+$0x3F00];
	v4 =	vadd.f32 v23, v4;
	v22 =	vmax.f32 v22, $0.0e+00  }
0x1a9: {  	v23 =	vld [tilespmem:s22+$0xCF80];
	v28 =	vsub.f32 v28, v32;
	[tilespmem:s18+$0x17A00] =	vst v21  }
0x1aa: {  	v21 =	vld [tilespmem:s22+$0xCF00];
	v24 =	vsub.f32 v24, v31;
	v4 =	vmax.f32 v4, $0.0e+00;
	[tilespmem:s18+$0x17A80] =	vst v22  }
0x1ab: {  	v22 =	vmul.f32 v28, v12;
	v28 =	vld [tilespmem:s22+$0xD200];
	[tilespmem:s18+$0x17780] =	vst v4;
	s18 =	smov.u32 s22  }
0x1ac: {  	v24 =	vmul.f32 v24, v8;
	v31 =	vld [tilespmem:s18+$0xD080]  }
0x1ad: {  	v4 =	vld [tilespmem:s8+$0x0]  }
0x1ae: {  	v23 =	vsub.f32 v23, v27;
	v27 =	vld [tilespmem:s18+$0xD100]  }
0x1af: {  	v21 =	vsub.f32 v21, v29  }
0x1b0: {  	v23 =	vmul.f32 v23, v7;
	v28 =	vsub.f32 v28, v30  }
0x1b1: {  	v21 =	vmul.f32 v21, v6;
	v26 =	vsub.f32 v31, v26  }
0x1b2: {  	v23 =	vadd.f32 v23, v4;
	v24 =	vadd.f32 v24, v4;
	v28 =	vmul.f32 v28, v15  }
0x1b3: {  	v21 =	vadd.f32 v21, v4;
	v26 =	vmul.f32 v26, v9;
	v25 =	vsub.f32 v27, v25  }
0x1b4: {  	v22 =	vadd.f32 v22, v4;
	v23 =	vmax.f32 v23, $0.0e+00;
	v27 =	vadd.f32 v28, v4  }
0x1b5: {  	v21 =	vmax.f32 v21, $0.0e+00;
	[tilespmem:s18+$0x15F80] =	vst v23;
	v23 =	vadd.f32 v26, v4;
	v25 =	vmul.f32 v25, v10  }
0x1b6: {  	v22 =	vmax.f32 v22, $0.0e+00;
	[tilespmem:s18+$0x15F00] =	vst v21;
	v21 =	vmax.f32 v24, $0.0e+00;
	v24 =	vmax.f32 v27, $0.0e+00  }
0x1b7: {  	[tilespmem:s18+$0x16000] =	vst v21;
	v21 =	vmax.f32 v23, $0.0e+00;
	v23 =	vadd.f32 v25, v4  }
0x1b8: {  	[tilespmem:s18+$0x16200] =	vst v24  }
0x1b9: {  	v23 =	vmax.f32 v23, $0.0e+00;
	[tilespmem:s18+$0x16180] =	vst v22  }
0x1ba: {  	s21 =	sor.u32 s7, s21;
	[tilespmem:s18+$0x16100] =	vst v23  }
0x1bb: {  	s22 =	sor.u32 $0x380, s21;
	[tilespmem:s18+$0x16080] =	vst v21  }
0x1bc: {  	v21 =	vld [tilespmem:s22+$0xCF00];
	_ =	sdelay $0x1  }
0x1bd: {  	v22 =	vld [tilespmem:s22+$0x3F00];
	_ =	sdelay $0x2  }
.Ltmp4:
0x1be: {  	(pc) =	sbr.rel @p1 .LBB2_6-.Ltmp4, $3  }
0x1bf: {  	_ = 	snop  }
0x1c0: {  	v21 =	vsub.f32 v21, v22;
	_ =	sdelay $0x1  }
0x1c1: {  	v21 =	vmul.f32 v21, v20  }
0x1c2: {  	_ = 	snop  }
0x1c3: {  	v6 =	vadd.f32 v21, v4;
	_ =	sdelay $0x1  }
0x1c4: {  	v6 =	vmax.f32 v6, $0.0e+00  }
0x1c5: {  	[tilespmem:s22+$0x15F00] =	vst v6  }
0x1c6: {  	v6 =	vld [tilespmem:s18+$0xE800]  }
0x1c7: {  	v7 =	vld [tilespmem:s18+$0x5800]  }
0x1c8: {  	v8 =	vld [tilespmem:s18+$0xE880]  }
0x1c9: {  	v9 =	vld [tilespmem:s18+$0x5880]  }
0x1ca: {  	v10 =	vld [tilespmem:s18+$0xEA00]  }
0x1cb: {  	v15 =	vld [tilespmem:s18+$0xE700]  }
0x1cc: {  	v20 =	vld [tilespmem:s18+$0xE980];
	v6 =	vsub.f32 v6, v7  }
0x1cd: {  	v7 =	vld [tilespmem:s18+$0x5700]  }
0x1ce: {  	v8 =	vsub.f32 v8, v9;
	v9 =	vld [tilespmem:s18+$0x5900];
	v6 =	vmul.f32 v6, v19  }
0x1cf: {  	v19 =	vld [tilespmem:s18+$0xE900]  }
0x1d0: {  	v8 =	vmul.f32 v8, v18;
	v18 =	vld [tilespmem:s18+$0x5980];
	v6 =	vadd.f32 v6, v4  }
0x1d1: {  	v21 =	vld [tilespmem:s18+$0xEA80]  }
0x1d2: {  	v8 =	vadd.f32 v8, v4;
	v7 =	vsub.f32 v15, v7;
	v15 =	vld [tilespmem:s18+$0x5A80];
	v6 =	vmax.f32 v6, $0.0e+00  }
0x1d3: {  	[tilespmem:s18+$0x17800] =	vst v6;
	v6 =	vld [tilespmem:s18+$0x5A00]  }
0x1d4: {  	s7 =	sadd.s32 s5, s19;
	v12 =	vld [tilespmem:s18+$0x5780];
	v8 =	vmax.f32 v8, $0.0e+00;
	v9 =	vsub.f32 v19, v9  }
0x1d5: {  	s7 =	sshll.u32 s7, $0x1;
	v7 =	vmul.f32 v7, v17;
	[tilespmem:s18+$0x17880] =	vst v8;
	v8 =	vld [tilespmem:s18+$0xE780];
	v17 =	vsub.f32 v20, v18  }
0x1d6: {  	v9 =	vmul.f32 v9, v16;
	v16 =	vor.u32 s7, v3  }
0x1d7: {  	v7 =	vadd.f32 v7, v4;
	v14 =	vmul.f32 v17, v14;
	v18 =	vshrl.u32 v16, $0x3  }
0x1d8: {  	v15 =	vsub.f32 v21, v15;
	v6 =	vsub.f32 v10, v6;
	v10 =	vmul.u32 $0x30, v18  }
0x1d9: {  	v16 =	vand.u32 $0x7, v16;
	v7 =	vmax.f32 v7, $0.0e+00;
	v9 =	vadd.f32 v9, v4  }
0x1da: {  	v8 =	vsub.f32 v8, v12;
	v6 =	vmul.f32 v6, v13;
	v10 =	vor.u32 v16, v10  }
0x1db: {  	v12 =	vadd.f32 v14, v4;
	v11 =	vmul.f32 v15, v11;
	v13 =	vperm.xlane v10, v0  }
0x1dc: {  	[tilespmem:s18+$0x17700] =	vst v7;
	v7 =	vmax.f32 v9, $0.0e+00;
	v5 =	vmul.f32 v8, v5;
	v6 =	vadd.f32 v6, v4  }
0x1dd: {  	[tilespmem:s18+$0x17900] =	vst v7;
	v7 =	vmax.f32 v12, $0.0e+00;
	v8 =	vadd.f32 v11, v4;
	v9 =	vadd.s32 v1, v13  }
0x1de: {  	[tilespmem:s18+$0x17980] =	vst v7;
	v4 =	vadd.f32 v5, v4;
	v5 =	vmax.f32 v6, $0.0e+00  }
0x1df: {  	v6 =	vmax.f32 v8, $0.0e+00;
	[tilespmem:s18+$0x17A00] =	vst v5  }
0x1e0: {  	v4 =	vmax.f32 v4, $0.0e+00;
	[tilespmem:s18+$0x17A80] =	vst v6  }
0x1e1: {  	s22 =	simm.s32 $0x15F00;
	[tilespmem:s18+$0x17780] =	vst v4;
	v4 =	vperm.xlane v10, v2  }
0x1e2: {  	[hbm4b:s6+s4] =	stream.indirect_vreg.scatter [tilespmem:s22], [sflag:$0x8], $0x80, v9, vm0, $0xb8;
	[tilespmem:$0x1BF00] =	vst v63  }
0x1e3: {  	s23 =	simm.s32 $0x16700;
	v4 =	vadd.s32 v1, v4  }
0x1e4: {  	[hbm4b:s12+s4] =	stream.indirect_vreg.scatter [tilespmem:s23], [sflag:$0x8], $0x80, v9, vm0, $0xb8;
	[tilespmem:$0x1BF00] =	vst v63  }
0x1e5: {  	s8 =	simm.s32 $0x16F00  }
0x1e6: {  	[hbm4b:s13+s4] =	stream.indirect_vreg.scatter [tilespmem:s8], [sflag:$0x8], $0x80, v9, vm0, $0xb8;
	[tilespmem:$0x1BF00] =	vst v63  }
0x1e7: {  	s18 =	simm.s32 $0x17700  }
0x1e8: {  	[hbm4b:s6+s4] =	stream.indirect_vreg.scatter [tilespmem:s18], [sflag:$0x8], $0x80, v4, vm0, $0xb8;
	[tilespmem:$0x1BF00] =	vst v63  }
0x1e9: {  	s19 =	simm.s32 $0x17F00  }
0x1ea: {  	[hbm4b:s12+s4] =	stream.indirect_vreg.scatter [tilespmem:s19], [sflag:$0x8], $0x80, v4, vm0, $0xb8;
	[tilespmem:$0x1BF00] =	vst v63  }
0x1eb: {  	s20 =	simm.s32 $0x18700;
	p1 =	sgt.u32 s16, $0x13  }
0x1ec: {  	[hbm4b:s13+s4] =	stream.indirect_vreg.scatter [tilespmem:s20], [sflag:$0x8], $0x80, v4, vm0, $0xb8;
	[tilespmem:$0x1BF00] =	vst v63  }
0x1ed: {  	v4 =	vld @!p1 [tilespmem:s17+$0x40];
	_ =	sdelay $0x4  }
0x1ee: {  	v5 =	vshrl.u32 @!p1 v4, $0x3  }
0x1ef: {  	v5 =	vmul.u32 @!p1 $0x30, v5  }
0x1f0: {  	v6 =	vlaneseq.u32 @!p1;
	v4 =	vand.u32 @!p1 $0x7, v4  }
0x1f1: {  	v7 =	vshrl.u32 @!p1 v6, $0x3;
	v4 =	vor.u32 @!p1 v4, v5;
	v5 =	vand.u32 @!p1 $0x7, v6  }
0x1f2: {  	v7 =	vmul.u32 @!p1 $0x8, v7;
	v8 =	vperm.xlane @!p1 v4, v5;
	_ =	sdelay $0x1  }
0x1f3: {  	v8 =	vadd.s32 @!p1 v7, v8;
	_ =	sdelay $0x2  }
0x1f4: {  	v6 =	vor.u32 @!p1 $0x8, v6  }
0x1f5: {  	vm1 =	vmmov @!p1 $0xffff;
	s7 =	simm.s32 @!p1 $0x0;
	s8 =	simm.s32 @!p1 $0x3F00;
	v4 =	vperm.xlane @!p1 v4, v6  }
0x1f6: {  	[tilespmem:s8], [sflag:$0x2] =	stream.indirect_vreg.gather @!p1 [hbm4b:s1+s7], $0x80, v8, vm1, $0xb8;
	[tilespmem:$0x1BF00] =	vst v63  }
0x1f7: {  	v4 =	vadd.s32 @!p1 v7, v4;
	s8 =	simm.s32 @!p1 $0x4700  }
0x1f8: {  	[tilespmem:s8], [sflag:$0x2] =	stream.indirect_vreg.gather @!p1 [hbm4b:s10+s7], $0x80, v8, vm1, $0xb8;
	[tilespmem:$0x1BF00] =	vst v63  }
0x1f9: {  	s8 =	simm.s32 @!p1 $0x4F00  }
0x1fa: {  	[tilespmem:s8], [sflag:$0x2] =	stream.indirect_vreg.gather @!p1 [hbm4b:s11+s7], $0x80, v8, vm1, $0xb8;
	[tilespmem:$0x1BF00] =	vst v63  }
0x1fb: {  	s8 =	simm.s32 @!p1 $0x5700  }
0x1fc: {  	[tilespmem:s8], [sflag:$0x2] =	stream.indirect_vreg.gather @!p1 [hbm4b:s1+s7], $0x80, v4, vm1, $0xb8;
	[tilespmem:$0x1BF00] =	vst v63  }
0x1fd: {  	s8 =	simm.s32 @!p1 $0x5F00  }
0x1fe: {  	[tilespmem:s8], [sflag:$0x2] =	stream.indirect_vreg.gather @!p1 [hbm4b:s10+s7], $0x80, v4, vm1, $0xb8;
	[tilespmem:$0x1BF00] =	vst v63  }
0x1ff: {  	s8 =	simm.s32 @!p1 $0x6700  }
0x200: {  	[tilespmem:s8], [sflag:$0x2] =	stream.indirect_vreg.gather @!p1 [hbm4b:s11+s7], $0x80, v4, vm1, $0xb8;
	[tilespmem:$0x1BF00] =	vst v63  }
0x201: {  	v4 =	vld @!p1 [tilespmem:s17+$0x440];
	_ =	sdelay $0x4  }
0x202: {  	v8 =	vshrl.u32 @!p1 v4, $0x3  }
0x203: {  	v8 =	vmul.u32 @!p1 $0x30, v8  }
0x204: {  	v4 =	vand.u32 @!p1 $0x7, v4  }
0x205: {  	v4 =	vor.u32 @!p1 v4, v8  }
0x206: {  	v5 =	vperm.xlane @!p1 v4, v5;
	_ =	sdelay $0x1  }
0x207: {  	v5 =	vadd.s32 @!p1 v7, v5;
	_ =	sdelay $0x3  }
0x208: {  	s8 =	simm.s32 @!p1 $0xCF00;
	v4 =	vperm.xlane @!p1 v4, v6  }
0x209: {  	[tilespmem:s8], [sflag:$0x5] =	stream.indirect_vreg.gather @!p1 [hbm4b:s1+s7], $0x80, v5, vm1, $0xb8;
	[tilespmem:$0x1BF00] =	vst v63  }
0x20a: {  	v4 =	vadd.s32 @!p1 v7, v4;
	s8 =	simm.s32 @!p1 $0xD700  }
0x20b: {  	[tilespmem:s8], [sflag:$0x5] =	stream.indirect_vreg.gather @!p1 [hbm4b:s10+s7], $0x80, v5, vm1, $0xb8;
	[tilespmem:$0x1BF00] =	vst v63  }
0x20c: {  	s8 =	simm.s32 @!p1 $0xDF00  }
0x20d: {  	[tilespmem:s8], [sflag:$0x5] =	stream.indirect_vreg.gather @!p1 [hbm4b:s11+s7], $0x80, v5, vm1, $0xb8;
	[tilespmem:$0x1BF00] =	vst v63  }
0x20e: {  	s8 =	simm.s32 @!p1 $0xE700  }
0x20f: {  	[tilespmem:s8], [sflag:$0x5] =	stream.indirect_vreg.gather @!p1 [hbm4b:s1+s7], $0x80, v4, vm1, $0xb8;
	[tilespmem:$0x1BF00] =	vst v63  }
0x210: {  	s8 =	simm.s32 @!p1 $0xEF00  }
0x211: {  	[tilespmem:s8], [sflag:$0x5] =	stream.indirect_vreg.gather @!p1 [hbm4b:s10+s7], $0x80, v4, vm1, $0xb8;
	[tilespmem:$0x1BF00] =	vst v63  }
0x212: {  	s8 =	simm.s32 @!p1 $0xF700  }
0x213: {  	[tilespmem:s8], [sflag:$0x5] =	stream.indirect_vreg.gather @!p1 [hbm4b:s11+s7], $0x80, v4, vm1, $0xb8;
	[tilespmem:$0x1BF00] =	vst v63  }
0x214: {  	_ =	swait.ge [sflag:s15], $0x3000  }
0x215: {  	[sflag:s15] =	ssyncset.done $0x0  }
0x216: {  	[sflag:s15] =	ssyncadd.s32 $0xFFFFD000  }
0x217: {  	_ =	swait.ge [sflag:s3], $0x3000  }
0x218: {  	[sflag:s3] =	ssyncset.done $0x0  }
0x219: {  	s8 =	simm.s32 @!p0 $0x9;
	[sflag:s3] =	ssyncadd.s32 $0xFFFFD000  }
0x21a: {  	_ =	swait.ge @!p0 [sflag:s8], $0x3000  }
0x21b: {  	s7 =	simm.s32 $0x0;
	[sflag:s8] =	ssyncset.done @!p0 $0x0  }
0x21c: {  	s21 =	sand.u32 $0x70, s7;
	s22 =	sand.u32 $0x1C00, s7;
	[sflag:s8] =	ssyncadd.s32 @!p0 $0xFFFFD000  }
0x21d: {  	s18 =	sor.u32 s21, s22;
	v11 =	vld [tilespmem:s17+$0x820]  }
0x21e: {  	v5 =	vld [tilespmem:s18+$0x7200]  }
0x21f: {  	v13 =	vld [tilespmem:s18+$0x7000]  }
0x220: {  	v14 =	vld [tilespmem:s18+$0x7180]  }
0x221: {  	v16 =	vld [tilespmem:s18+$0x7100]  }
0x222: {  	v15 =	vld [tilespmem:s18+$0x10180]  }
0x223: {  	v17 =	vld [tilespmem:s18+$0x10000]  }
0x224: {  	v10 =	vld [tilespmem:s18+$0x6F80]  }
0x225: {  	v18 =	vld [tilespmem:s18+$0x6F00]  }
0x226: {  	v12 =	vld [tilespmem:s18+$0xFF80]  }
0x227: {  	v19 =	vld [tilespmem:s18+$0xFF00]  }
0x228: {  	v20 =	vld [tilespmem:s18+$0x7080]  }
0x229: {  	s8 =	simm.s32 $0xC00;
	v21 =	vld [tilespmem:s18+$0x10200]  }
0x22a: {  	v4 =	vld [tilespmem:s8+$0x0]  }
0x22b: {  	v23 =	vld [tilespmem:s18+$0x10100];
	v6 =	vbroadcast v11, $0x0;
	v7 =	vbroadcast v11, $0x1  }
0x22c: {  	v24 =	vld [tilespmem:s18+$0x10080];
	v8 =	vbroadcast v11, $0x2;
	v9 =	vbroadcast v11, $0x3;
	v22 =	vsub.f32 v12, v10  }
0x22d: {  	v10 =	vbroadcast v11, $0x4;
	v12 =	vbroadcast v11, $0x5;
	v18 =	vsub.f32 v19, v18  }
0x22e: {  	v14 =	vsub.f32 v15, v14;
	v13 =	vsub.f32 v17, v13;
	v17 =	vmul.f32 v22, v7  }
0x22f: {  	v15 =	vbroadcast v11, $0x6;
	v5 =	vsub.f32 v21, v5;
	v18 =	vmul.f32 v18, v6  }
0x230: {  	v16 =	vsub.f32 v23, v16;
	v13 =	vmul.f32 v13, v8;
	v17 =	vadd.f32 v17, v4  }
0x231: {  	v19 =	vsub.f32 v24, v20;
	v5 =	vmul.f32 v5, v15;
	v18 =	vadd.f32 v18, v4  }
0x232: {  	v14 =	vmul.f32 v14, v12;
	v13 =	vadd.f32 v13, v4;
	v17 =	vmax.f32 v17, $0.0e+00  }
0x233: {  	v16 =	vmul.f32 v16, v10;
	v5 =	vadd.f32 v5, v4;
	v18 =	vmax.f32 v18, $0.0e+00;
	[tilespmem:s18+$0x18F80] =	vst v17  }
0x234: {  	v14 =	vadd.f32 v14, v4;
	v13 =	vmax.f32 v13, $0.0e+00;
	v17 =	vmul.f32 v19, v9;
	[tilespmem:s18+$0x18F00] =	vst v18  }
0x235: {  	v5 =	vmax.f32 v5, $0.0e+00;
	[tilespmem:s18+$0x19000] =	vst v13;
	v13 =	vadd.f32 v16, v4  }
0x236: {  	v14 =	vmax.f32 v14, $0.0e+00;
	[tilespmem:s18+$0x19200] =	vst v5;
	v16 =	vadd.f32 v17, v4  }
0x237: {  	[tilespmem:s18+$0x19180] =	vst v14;
	v5 =	vmax.f32 v13, $0.0e+00  }
0x238: {  	s23 =	sor.u32 s7, s7;
	[tilespmem:s18+$0x19100] =	vst v5;
	v13 =	vmax.f32 v16, $0.0e+00  }
0x239: {  	s21 =	sor.u32 $0x380, s23;
	[tilespmem:s18+$0x19080] =	vst v13  }
0x23a: {  	v13 =	vld [tilespmem:s21+$0xFF00]  }
0x23b: {  	v14 =	vld [tilespmem:s21+$0x6F00];
	_ =	sdelay $0x2  }
0x23c: {  	v20 =	vbroadcast v11, $0x7;
	v19 =	vbroadcast v11, $0xA  }
0x23d: {  	v18 =	vbroadcast v11, $0xB;
	v17 =	vbroadcast v11, $0x8  }
0x23e: {  	v5 =	vbroadcast v11, $0x9;
	v16 =	vbroadcast v11, $0xC;
	v21 =	vsub.f32 v13, v14  }
0x23f: {  	v14 =	vbroadcast v11, $0xD;
	v13 =	vbroadcast v11, $0xE  }
0x240: {  	s19 =	simm.s32 $0x10;
	s17 =	sadd.s32 $0x20, s17;
	v11 =	vbroadcast v11, $0xF;
	v21 =	vmul.f32 v21, v20  }
.LBB2_8:
0x241: {  	p0 =	sne.s32 s19, $0x2F0;
	s7 =	sadd.s32 $0x80, s7;
	s8 =	sadd.s32 $0x10, s8  }
0x242: {  	s20 =	smov.u32 s19;
	s19 =	sadd.s32 $0x10, s19;
	v21 =	vadd.f32 v21, v4;
	_ =	sdelay $0x1  }
0x243: {  	v21 =	vmax.f32 v21, $0.0e+00  }
0x244: {  	[tilespmem:s21+$0x18F00] =	vst v21  }
0x245: {  	v21 =	vld [tilespmem:s18+$0x11800]  }
0x246: {  	v22 =	vld [tilespmem:s18+$0x8800]  }
0x247: {  	v23 =	vld [tilespmem:s18+$0x11880]  }
0x248: {  	v24 =	vld [tilespmem:s18+$0x8880]  }
0x249: {  	v25 =	vld [tilespmem:s18+$0x11A00]  }
0x24a: {  	v26 =	vld [tilespmem:s18+$0x8780]  }
0x24b: {  	v27 =	vld [tilespmem:s18+$0x11700];
	v21 =	vsub.f32 v21, v22  }
0x24c: {  	v22 =	vld [tilespmem:s18+$0x8700]  }
0x24d: {  	v21 =	vmul.f32 v21, v19;
	v23 =	vsub.f32 v23, v24;
	v24 =	vld [tilespmem:s18+$0x11900]  }
0x24e: {  	v28 =	vld [tilespmem:s18+$0x8900]  }
0x24f: {  	v21 =	vadd.f32 v21, v4;
	v23 =	vmul.f32 v23, v18;
	v29 =	vld [tilespmem:s18+$0x11980]  }
0x250: {  	v30 =	vld [tilespmem:s18+$0x8980]  }
0x251: {  	v22 =	vsub.f32 v27, v22;
	v21 =	vmax.f32 v21, $0.0e+00;
	v23 =	vadd.f32 v23, v4;
	v27 =	vld [tilespmem:s18+$0x11A80]  }
0x252: {  	[tilespmem:s18+$0x1A800] =	vst v21;
	v21 =	vld [tilespmem:s18+$0x8A00]  }
0x253: {  	v22 =	vmul.f32 v22, v17;
	v23 =	vmax.f32 v23, $0.0e+00;
	v24 =	vsub.f32 v24, v28;
	v28 =	vld [tilespmem:s18+$0x8A80]  }
0x254: {  	s22 =	sand.u32 $0x1C00, s7;
	s21 =	sand.u32 $0x70, s20;
	[tilespmem:s18+$0x1A880] =	vst v23  }
0x255: {  	s21 =	sor.u32 s21, s22;
	v22 =	vadd.f32 v22, v4;
	v23 =	vld [tilespmem:s18+$0x11780];
	v24 =	vmul.f32 v24, v16;
	v29 =	vsub.f32 v29, v30  }
0x256: {  	v30 =	vld [tilespmem:s21+$0x7200]  }
0x257: {  	v31 =	vld [tilespmem:s21+$0x7000];
	v22 =	vmax.f32 v22, $0.0e+00;
	v24 =	vadd.f32 v24, v4;
	v29 =	vmul.f32 v29, v14  }
0x258: {  	v21 =	vsub.f32 v25, v21;
	v32 =	vld [tilespmem:s21+$0x7180];
	[tilespmem:s18+$0x1A700] =	vst v22;
	v22 =	vsub.f32 v27, v28  }
0x259: {  	v25 =	vld [tilespmem:s21+$0x7100];
	v24 =	vmax.f32 v24, $0.0e+00;
	v27 =	vadd.f32 v29, v4  }
0x25a: {  	v21 =	vmul.f32 v21, v13;
	v28 =	vld [tilespmem:s21+$0x10180];
	v23 =	vsub.f32 v23, v26;
	[tilespmem:s18+$0x1A900] =	vst v24;
	v22 =	vmul.f32 v22, v11  }
0x25b: {  	v24 =	vld [tilespmem:s21+$0x10000];
	v26 =	vmax.f32 v27, $0.0e+00  }
0x25c: {  	v21 =	vadd.f32 v21, v4;
	v27 =	vld [tilespmem:s21+$0x6F80];
	v23 =	vmul.f32 v23, v5;
	[tilespmem:s18+$0x1A980] =	vst v26;
	v22 =	vadd.f32 v22, v4  }
0x25d: {  	v26 =	vld [tilespmem:s21+$0x7080]  }
0x25e: {  	v21 =	vmax.f32 v21, $0.0e+00;
	v29 =	vld [tilespmem:s21+$0x6F00];
	v4 =	vadd.f32 v23, v4;
	v22 =	vmax.f32 v22, $0.0e+00  }
0x25f: {  	v23 =	vld [tilespmem:s21+$0xFF80];
	v28 =	vsub.f32 v28, v32;
	[tilespmem:s18+$0x1AA00] =	vst v21  }
0x260: {  	v21 =	vld [tilespmem:s21+$0xFF00];
	v24 =	vsub.f32 v24, v31;
	v4 =	vmax.f32 v4, $0.0e+00;
	[tilespmem:s18+$0x1AA80] =	vst v22  }
0x261: {  	v22 =	vmul.f32 v28, v12;
	v28 =	vld [tilespmem:s21+$0x10200];
	[tilespmem:s18+$0x1A780] =	vst v4;
	s18 =	smov.u32 s21  }
0x262: {  	v24 =	vmul.f32 v24, v8;
	v31 =	vld [tilespmem:s18+$0x10080]  }
0x263: {  	v4 =	vld [tilespmem:s8+$0x0]  }
0x264: {  	v23 =	vsub.f32 v23, v27;
	v27 =	vld [tilespmem:s18+$0x10100]  }
0x265: {  	v21 =	vsub.f32 v21, v29  }
0x266: {  	v23 =	vmul.f32 v23, v7;
	v28 =	vsub.f32 v28, v30  }
0x267: {  	v21 =	vmul.f32 v21, v6;
	v26 =	vsub.f32 v31, v26  }
0x268: {  	v23 =	vadd.f32 v23, v4;
	v24 =	vadd.f32 v24, v4;
	v28 =	vmul.f32 v28, v15  }
0x269: {  	v21 =	vadd.f32 v21, v4;
	v26 =	vmul.f32 v26, v9;
	v25 =	vsub.f32 v27, v25  }
0x26a: {  	v22 =	vadd.f32 v22, v4;
	v23 =	vmax.f32 v23, $0.0e+00;
	v27 =	vadd.f32 v28, v4  }
0x26b: {  	v21 =	vmax.f32 v21, $0.0e+00;
	[tilespmem:s18+$0x18F80] =	vst v23;
	v23 =	vadd.f32 v26, v4;
	v25 =	vmul.f32 v25, v10  }
0x26c: {  	v22 =	vmax.f32 v22, $0.0e+00;
	[tilespmem:s18+$0x18F00] =	vst v21;
	v21 =	vmax.f32 v24, $0.0e+00;
	v24 =	vmax.f32 v27, $0.0e+00  }
0x26d: {  	[tilespmem:s18+$0x19000] =	vst v21;
	v21 =	vmax.f32 v23, $0.0e+00;
	v23 =	vadd.f32 v25, v4  }
0x26e: {  	[tilespmem:s18+$0x19200] =	vst v24  }
0x26f: {  	v23 =	vmax.f32 v23, $0.0e+00;
	[tilespmem:s18+$0x19180] =	vst v22  }
0x270: {  	s20 =	sor.u32 s7, s20;
	[tilespmem:s18+$0x19100] =	vst v23  }
0x271: {  	s21 =	sor.u32 $0x380, s20;
	[tilespmem:s18+$0x19080] =	vst v21  }
0x272: {  	v21 =	vld [tilespmem:s21+$0xFF00];
	_ =	sdelay $0x1  }
0x273: {  	v22 =	vld [tilespmem:s21+$0x6F00];
	_ =	sdelay $0x2  }
.Ltmp5:
0x274: {  	(pc) =	sbr.rel @p0 .LBB2_8-.Ltmp5, $3  }
0x275: {  	_ = 	snop  }
0x276: {  	v21 =	vsub.f32 v21, v22;
	_ =	sdelay $0x1  }
0x277: {  	v21 =	vmul.f32 v21, v20  }
0x278: {  	_ = 	snop  }
0x279: {  	v6 =	vadd.f32 v21, v4;
	_ =	sdelay $0x1  }
0x27a: {  	v6 =	vmax.f32 v6, $0.0e+00  }
0x27b: {  	[tilespmem:s21+$0x18F00] =	vst v6  }
0x27c: {  	v6 =	vld [tilespmem:s18+$0x11800]  }
0x27d: {  	v7 =	vld [tilespmem:s18+$0x8800]  }
0x27e: {  	v8 =	vld [tilespmem:s18+$0x11880]  }
0x27f: {  	v9 =	vld [tilespmem:s18+$0x8880]  }
0x280: {  	v15 =	vld [tilespmem:s18+$0x11700]  }
0x281: {  	v45 =	vld [tilespmem:s18+$0x8700]  }
0x282: {  	v46 =	vld [tilespmem:s18+$0x11900]  }
0x283: {  	v47 =	vld [tilespmem:s18+$0x8900]  }
0x284: {  	v20 =	vld [tilespmem:s18+$0x11980]  }
0x285: {  	v48 =	vld [tilespmem:s18+$0x8980]  }
0x286: {  	s7 =	sadd.s32 s5, s17;
	v49 =	vld [tilespmem:s18+$0x11A80]  }
0x287: {  	s7 =	sshll.u32 s7, $0x1;
	v51 =	vld [tilespmem:s18+$0x8A80]  }
0x288: {  	v53 =	vor.u32 s7, v3  }
0x289: {  	v55 =	vshrl.u32 v53, $0x3;
	v10 =	vld [tilespmem:s18+$0x11A00];
	v6 =	vsub.f32 v6, v7  }
0x28a: {  	v56 =	vmul.u32 $0x30, v55;
	v12 =	vld [tilespmem:s18+$0x8780];
	v8 =	vsub.f32 v8, v9  }
0x28b: {  	v50 =	vld [tilespmem:s18+$0x8A00];
	v7 =	vsub.f32 v15, v45;
	v9 =	vsub.f32 v46, v47;
	v6 =	vmul.f32 v6, v19  }
0x28c: {  	v52 =	vld [tilespmem:s18+$0x11780];
	v54 =	vsub.f32 v20, v48;
	v15 =	vsub.f32 v49, v51;
	v8 =	vmul.f32 v8, v18  }
0x28d: {  	v7 =	vmul.f32 v7, v17;
	v9 =	vmul.f32 v9, v16;
	v6 =	vadd.f32 v6, v4  }
0x28e: {  	v14 =	vmul.f32 v54, v14;
	v16 =	vand.u32 $0x7, v53;
	v8 =	vadd.f32 v8, v4  }
0x28f: {  	v11 =	vmul.f32 v15, v11;
	v7 =	vadd.f32 v7, v4;
	v6 =	vmax.f32 v6, $0.0e+00  }
0x290: {  	v9 =	vadd.f32 v9, v4;
	v8 =	vmax.f32 v8, $0.0e+00;
	[tilespmem:s18+$0x1A800] =	vst v6;
	v6 =	vsub.f32 v10, v50  }
0x291: {  	v57 =	vadd.f32 v14, v4;
	[tilespmem:s18+$0x1A880] =	vst v8;
	v8 =	vsub.f32 v52, v12;
	v10 =	vor.u32 v16, v56  }
0x292: {  	v7 =	vmax.f32 v7, $0.0e+00;
	v58 =	vperm.xlane v10, v0;
	v6 =	vmul.f32 v6, v13  }
0x293: {  	v61 =	vadd.f32 v11, v4;
	v59 =	vmax.f32 v9, $0.0e+00;
	[tilespmem:s18+$0x1A700] =	vst v7;
	v5 =	vmul.f32 v8, v5  }
0x294: {  	v60 =	vmax.f32 v57, $0.0e+00;
	[tilespmem:s18+$0x1A900] =	vst v59;
	v62 =	vadd.s32 v1, v58;
	v6 =	vadd.f32 v6, v4  }
0x295: {  	v63 =	vmax.f32 v61, $0.0e+00;
	[tilespmem:s18+$0x1A980] =	vst v60;
	v4 =	vadd.f32 v5, v4  }
0x296: {  	[tilespmem:s18+$0x1AA80] =	vst v63;
	v5 =	vmax.f32 v6, $0.0e+00  }
0x297: {  	v4 =	vmax.f32 v4, $0.0e+00;
	[tilespmem:s18+$0x1AA00] =	vst v5  }
0x298: {  	[tilespmem:s18+$0x1A780] =	vst v4;
	v4 =	vperm.xlane v10, v2;
	s18 =	simm.s32 $0x18F00  }
0x299: {  	[hbm4b:s6+s4] =	stream.indirect_vreg.scatter [tilespmem:s18], [sflag:$0x9], $0x80, v62, vm0, $0xb8;
	[tilespmem:$0x1BF00] =	vst v63  }
0x29a: {  	s19 =	simm.s32 $0x19700;
	v4 =	vadd.s32 v1, v4  }
0x29b: {  	[hbm4b:s12+s4] =	stream.indirect_vreg.scatter [tilespmem:s19], [sflag:$0x9], $0x80, v62, vm0, $0xb8;
	[tilespmem:$0x1BF00] =	vst v63  }
0x29c: {  	s20 =	simm.s32 $0x19F00;
	s16 =	sadd.s32 $0x1, s16  }
0x29d: {  	[hbm4b:s13+s4] =	stream.indirect_vreg.scatter [tilespmem:s20], [sflag:$0x9], $0x80, v62, vm0, $0xb8;
	[tilespmem:$0x1BF00] =	vst v63  }
0x29e: {  	p0 =	sne.s32 s16, $0x16;
	s21 =	simm.s32 $0x1A700  }
0x29f: {  	[hbm4b:s6+s4] =	stream.indirect_vreg.scatter [tilespmem:s21], [sflag:$0x9], $0x80, v4, vm0, $0xb8;
	[tilespmem:$0x1BF00] =	vst v63  }
.Ltmp6:
0x2a0: {  	_ = 	snop;
	(pc) =	sbr.rel @p0 .LBB2_2-.Ltmp6, $4  }
.Ltmp7:
0x2a1: {  	s22 =	simm.s32 $0x1AF00;
	(pc) =	sbr.rel @!p0 .LBB2_10-.Ltmp7, $4  }
0x2a2: {  	[hbm4b:s12+s4] =	stream.indirect_vreg.scatter [tilespmem:s22], [sflag:$0x9], $0x80, v4, vm0, $0xb8;
	[tilespmem:$0x1BF00] =	vst v63  }
0x2a3: {  	s23 =	simm.s32 $0x1B700  }
0x2a4: {  	[hbm4b:s13+s4] =	stream.indirect_vreg.scatter [tilespmem:s23], [sflag:$0x9], $0x80, v4, vm0, $0xb8;
	[tilespmem:$0x1BF00] =	vst v63  }
0x2a5: {  	_ = 	snop  }
.LBB2_11:
0x2a6: {  	_ =	sfence.sel $0x180000  }
0x2a7: {  	[bflag:$0x0] =	sbarrier.arrive $0xFFFF  }
0x2a8: {  	_ =	strace $0x90000047  }
0x2a9: {  	s0 =	stileid.u32;
	[bflag:$0x2] =	sbarrier.arrive $0xFFFF  }
0x2aa: {  	p0 =	sne.s32 s0, $0x0;
	s0 =	rddreg [dreg:$0x3]  }
0x2ab: {  	s0 =	sadd.s32 @!p0 $0x100000, s0  }
0x2ac: {  	[sflag:s0] =	ssyncadd.tile.s32 @!p0 $0x1;
	_ =	shalt  }
.Lfunc_end2:
_tile_overlayer_lowered:
.L_overlay_start_2:
0x2ad: {  	(tag) =	ssettag $0x2  }
0x2ae: {  	s0 =	rddreg [dreg:$0x0];
	s2 =	stileid.u32  }
0x2af: {  	s1 =	rddreg [dreg:$0x1];
	p0 =	sne.s32 s2, $0x0  }
0x2b0: {  	s3 =	rddreg [dreg:$0x2];
	[bflag:$0x3] =	sbarrier.arrive $0xFFFF;
	s2 =	simm.s32 @!p0 $0x1C0A  }
0x2b1: {  	[timem:s3], [sflag:s2] =	dma.local @!p0 [hbm:s0], s1  }
0x2b2: {  	s0 =	simm.s32 @!p0 $0xA  }
0x2b3: {  	_ =	swait.ge @!p0 [sflag:s0], s1  }
0x2b4: {  	s1 =	ssub.s32 @!p0 $0x0, s1;
	[sflag:s0] =	ssyncset.done @!p0 $0x0  }
0x2b5: {  	[sflag:s0] =	ssyncadd.s32 @!p0 s1  }
0x2b6: {  	[bflag:$0x3] =	sbarrier.arrive $0xFFFF  }
0x2b7: {  	_ =	shalt  }

</sc_bundles>
